<compile_context>
chip_gen: v7x
topology: tpu7x:2x2x1
jax: 0.10.2.dev20260603
libtpu: 0.0.44.dev20260713+nightly
codegen_flags: <defaults>
</compile_context>

<pallas_src>
import jax
import jax.numpy as jnp
from jax import lax
from jax.experimental import pallas as pl
from jax.experimental.pallas import tpu as pltpu
from jax.experimental.pallas import tpu_sc as plsc

NUM_EXPERTS = 16
TOP_K = 2
D_MODEL = 1024
D_FF = 512
NUM_TOKENS = 1024
EPG = NUM_EXPERTS // TOP_K
BLK = 256
NBLK = 24
NROWS = NBLK * BLK

SC_CORES = 2
SC_SUBCORES = 16
SC_WORKERS = SC_CORES * SC_SUBCORES
TOK_PER_W = NUM_TOKENS // SC_WORKERS


def _router_body(x_ref, wr_ref, rs_ref,
                 d0_ref, d1_ref, w0_ref, w1_ref, be_ref, na_ref):
    x = x_ref[...]
    gating = lax.dot_general(x, wr_ref[...], (((1,), (1,)), ((), ())),
                             preferred_element_type=jnp.float32)
    m = jnp.max(gating, axis=1, keepdims=True)
    ex = jnp.exp(gating - m)
    scores = ex / jnp.sum(ex, axis=1, keepdims=True)
    lane = lax.broadcasted_iota(jnp.int32, (NUM_TOKENS, NUM_EXPERTS), 1)
    rs = rs_ref[...]

    sels = []
    ws = []
    for g in range(TOP_K):
        in_grp = (lane >= g * EPG) & (lane < (g + 1) * EPG)
        sg = jnp.where(in_grp, scores, -1.0)
        mx = jnp.max(sg, axis=1, keepdims=True)
        idx = jnp.min(jnp.where((sg == mx) & in_grp, lane, NUM_EXPERTS),
                      axis=1, keepdims=True)
        sel = lane == idx
        rsel = jnp.sum(jnp.where(sel, rs, 0.0), axis=1, keepdims=True)
        sels.append(sel)
        ws.append(mx * rsel)

    sel_all = jnp.where(sels[0] | sels[1], 1.0, 0.0)
    trow = lax.broadcasted_iota(jnp.int32, (NUM_TOKENS, NUM_TOKENS), 0)
    tcol = lax.broadcasted_iota(jnp.int32, (NUM_TOKENS, NUM_TOKENS), 1)
    tri = jnp.where(tcol < trow, 1.0, 0.0)
    ranks = lax.dot_general(tri, sel_all, (((1,), (0,)), ((), ())),
                            preferred_element_type=jnp.float32)
    counts = jnp.sum(sel_all, axis=0, keepdims=True)
    nblk = (counts.astype(jnp.int32) + (BLK - 1)) // BLK
    nblk_f = nblk.astype(jnp.float32)
    srow = lax.broadcasted_iota(jnp.int32, (NUM_EXPERTS, NUM_EXPERTS), 0)
    scol = lax.broadcasted_iota(jnp.int32, (NUM_EXPERTS, NUM_EXPERTS), 1)
    t16x = jnp.where(srow < scol, 1.0, 0.0)
    offs_blk = lax.dot_general(nblk_f, t16x, (((1,), (0,)), ((), ())),
                               preferred_element_type=jnp.float32)
    pos = offs_blk * float(BLK) + ranks
    d0 = jnp.sum(jnp.where(sels[0], pos, 0.0), axis=1, keepdims=True)
    d1 = jnp.sum(jnp.where(sels[1], pos, 0.0), axis=1, keepdims=True)
    d0_ref[...] = d0.astype(jnp.int32)
    d1_ref[...] = d1.astype(jnp.int32)
    w0_ref[...] = ws[0]
    w1_ref[...] = ws[1]

    cum_i = (offs_blk + nblk_f)
    na_ref[...] = cum_i[0:1, NUM_EXPERTS - 1:NUM_EXPERTS].astype(jnp.int32)
    cum_b = jnp.broadcast_to(cum_i.astype(jnp.int32), (NBLK, NUM_EXPERTS))
    jiota = lax.broadcasted_iota(jnp.int32, (NBLK, NUM_EXPERTS), 0)
    be = jnp.sum(jnp.where(cum_b <= jiota, 1, 0), axis=1, keepdims=True)
    be_ref[...] = jnp.minimum(be, NUM_EXPERTS - 1).astype(jnp.int32)


def _blocks_body(be_ref, na_ref, d0_ref, d1_ref, w0_ref, w1_ref,
                 x_ref, wg_ref, wu_ref, wd_ref, y_ref):
    i = pl.program_id(0)

    @pl.when(i < na_ref[0, 0])
    def _compute():
        base = i * BLK
        rid = lax.broadcasted_iota(jnp.int32, (BLK, NUM_TOKENS), 0) + base
        s0 = jnp.where(d0_ref[...] == rid, 1.0, 0.0)
        s1 = jnp.where(d1_ref[...] == rid, 1.0, 0.0)
        sc = s0 + s1
        xb = lax.dot_general(sc, x_ref[...], (((1,), (0,)), ((), ())),
                             preferred_element_type=jnp.float32)
        wsort = jnp.sum(s0 * w0_ref[...] + s1 * w1_ref[...], axis=1,
                        keepdims=True)
        g = lax.dot_general(xb, wg_ref[0], (((1,), (0,)), ((), ())),
                            preferred_element_type=jnp.float32)
        u = lax.dot_general(xb, wu_ref[0], (((1,), (0,)), ((), ())),
                            preferred_element_type=jnp.float32)
        h = g * lax.logistic(g) * u
        y = lax.dot_general(h, wd_ref[0], (((1,), (0,)), ((), ())),
                            preferred_element_type=jnp.float32)
        y_ref[...] = wsort * y


def _unsort_body(d0_hbm, d1_hbm, y_hbm, out_hbm,
                 i0_v, i1_v, b0_v, b1_v, sem0, sem1):
    c = lax.axis_index("c")
    s = lax.axis_index("s")
    wid = c * SC_SUBCORES + s
    base = wid * TOK_PER_W
    pltpu.sync_copy(d0_hbm.at[pl.ds(base, TOK_PER_W)], i0_v)
    pltpu.sync_copy(d1_hbm.at[pl.ds(base, TOK_PER_W)], i1_v)
    cp0 = pltpu.async_copy(y_hbm.at[i0_v], b0_v, sem0)
    cp1 = pltpu.async_copy(y_hbm.at[i1_v], b1_v, sem1)
    cp0.wait()
    cp1.wait()
    for r in range(TOK_PER_W):
        @plsc.parallel_loop(0, D_MODEL // 16, 1, unroll=8)
        def _add(j, r=r):
            sl = pl.ds(j * 16, 16)
            b0_v[r, sl] = b0_v[r, sl] + b1_v[r, sl]
    pltpu.sync_copy(b0_v, out_hbm.at[pl.ds(base, TOK_PER_W)])


@jax.jit
def kernel(hidden_states, W_router, router_scale, W_gate, W_up, W_down):
    d0, d1, w0, w1, be, na = pl.pallas_call(
        _router_body,
        in_specs=[
            pl.BlockSpec((NUM_TOKENS, D_MODEL), lambda: (0, 0)),
            pl.BlockSpec((NUM_EXPERTS, D_MODEL), lambda: (0, 0)),
            pl.BlockSpec((1, NUM_EXPERTS), lambda: (0, 0)),
        ],
        out_specs=[
            pl.BlockSpec((NUM_TOKENS, 1), lambda: (0, 0)),
            pl.BlockSpec((NUM_TOKENS, 1), lambda: (0, 0)),
            pl.BlockSpec((NUM_TOKENS, 1), lambda: (0, 0)),
            pl.BlockSpec((NUM_TOKENS, 1), lambda: (0, 0)),
            pl.BlockSpec((NBLK, 1), lambda: (0, 0)),
            pl.BlockSpec((1, 1), lambda: (0, 0)),
        ],
        out_shape=[
            jax.ShapeDtypeStruct((NUM_TOKENS, 1), jnp.int32),
            jax.ShapeDtypeStruct((NUM_TOKENS, 1), jnp.int32),
            jax.ShapeDtypeStruct((NUM_TOKENS, 1), jnp.float32),
            jax.ShapeDtypeStruct((NUM_TOKENS, 1), jnp.float32),
            jax.ShapeDtypeStruct((NBLK, 1), jnp.int32),
            jax.ShapeDtypeStruct((1, 1), jnp.int32),
        ],
    )(hidden_states, W_router, router_scale.reshape(1, NUM_EXPERTS))

    y_sorted = pl.pallas_call(
        _blocks_body,
        grid_spec=pltpu.PrefetchScalarGridSpec(
            num_scalar_prefetch=2,
            grid=(NBLK,),
            in_specs=[
                pl.BlockSpec((1, NUM_TOKENS), lambda i, be, na: (0, 0)),
                pl.BlockSpec((1, NUM_TOKENS), lambda i, be, na: (0, 0)),
                pl.BlockSpec((1, NUM_TOKENS), lambda i, be, na: (0, 0)),
                pl.BlockSpec((1, NUM_TOKENS), lambda i, be, na: (0, 0)),
                pl.BlockSpec((NUM_TOKENS, D_MODEL),
                             lambda i, be, na: (0, 0)),
                pl.BlockSpec((1, D_MODEL, D_FF),
                             lambda i, be, na: (be[i, 0], 0, 0)),
                pl.BlockSpec((1, D_MODEL, D_FF),
                             lambda i, be, na: (be[i, 0], 0, 0)),
                pl.BlockSpec((1, D_FF, D_MODEL),
                             lambda i, be, na: (be[i, 0], 0, 0)),
            ],
            out_specs=pl.BlockSpec(
                (BLK, D_MODEL),
                lambda i, be, na: (jnp.minimum(i, na[0, 0] - 1), 0)),
        ),
        out_shape=jax.ShapeDtypeStruct((NROWS, D_MODEL), jnp.float32),
    )(be, na, d0.reshape(1, NUM_TOKENS), d1.reshape(1, NUM_TOKENS),
      w0.reshape(1, NUM_TOKENS), w1.reshape(1, NUM_TOKENS), hidden_states,
      W_gate, W_up, W_down)

    unsort = pl.kernel(
        _unsort_body,
        out_type=jax.ShapeDtypeStruct((NUM_TOKENS, D_MODEL), jnp.float32),
        mesh=plsc.VectorSubcoreMesh(core_axis_name="c",
                                    subcore_axis_name="s"),
        scratch_types=[
            pltpu.VMEM((TOK_PER_W,), jnp.int32),
            pltpu.VMEM((TOK_PER_W,), jnp.int32),
            pltpu.VMEM((TOK_PER_W, D_MODEL), jnp.float32),
            pltpu.VMEM((TOK_PER_W, D_MODEL), jnp.float32),
            pltpu.SemaphoreType.DMA,
            pltpu.SemaphoreType.DMA,
        ],
    )
    return unsort(d0.reshape(NUM_TOKENS), d1.reshape(NUM_TOKENS), y_sorted)

# --- scband reference (transcript-rebuilt; emitter-appended) ---
"""Pipeline reference for scband-pangu-pro-mo-esparse-moe-block-56040733278529 (READ-ONLY COPY).

The authoritative reference and input builder live on the scoring server;
editing this copy changes nothing except your own understanding.
"""

import jax, jax.numpy as jnp
import numpy as np

NUM_EXPERTS = 16
TOP_K = 2
D_MODEL = 1024
D_FF = 512
NUM_TOKENS = 1024


def setup_inputs(seed: int = 0) -> dict:
    key = jax.random.key(seed)
    ks = jax.random.split(key, 6)
    hidden_states = jax.random.normal(ks[0], (NUM_TOKENS, D_MODEL), dtype=jnp.float32)
    W_router = jax.random.normal(ks[1], (NUM_EXPERTS, D_MODEL), dtype=jnp.float32) / np.sqrt(D_MODEL)
    router_scale = jax.random.uniform(ks[2], (NUM_EXPERTS,), dtype=jnp.float32, minval=0.5, maxval=1.5)
    W_gate = jax.random.normal(ks[3], (NUM_EXPERTS, D_MODEL, D_FF), dtype=jnp.float32) * 0.02
    W_up = jax.random.normal(ks[4], (NUM_EXPERTS, D_MODEL, D_FF), dtype=jnp.float32) * 0.02
    W_down = jax.random.normal(ks[5], (NUM_EXPERTS, D_FF, D_MODEL), dtype=jnp.float32) * 0.02
    return {"hidden_states": hidden_states, "W_router": W_router, "router_scale": router_scale,
            "W_gate": W_gate, "W_up": W_up, "W_down": W_down}


def _pangu_group_topk(gating_output, router_scale, topk, global_num_experts):
    # Faithful to pangu_group8_topk with num_voted_experts == 8 fast path and ep_size == 1
    num_tokens = gating_output.shape[0]
    local_num_experts = global_num_experts  # ep_size == 1
    local_num_group = topk
    experts_per_group = global_num_experts // topk
    scores = jax.nn.softmax(gating_output, axis=1)
    scores_grouped = scores.reshape(num_tokens, local_num_group, experts_per_group)
    topk_weights = jnp.max(scores_grouped, axis=-1)
    topk_ids = jnp.argmax(scores_grouped, axis=-1).astype(jnp.int32)
    bias = jnp.arange(0, local_num_experts, experts_per_group, dtype=jnp.int32)[None, :]
    topk_ids = topk_ids + bias
    flat_ids = topk_ids.reshape(-1)
    router_weights = jnp.take(router_scale, flat_ids, axis=0).reshape(topk_ids.shape)
    topk_weights = topk_weights * router_weights
    return topk_weights, topk_ids


def reference(hidden_states, W_router, router_scale, W_gate, W_up, W_down):
    # router logits
    gating_output = hidden_states @ W_router.T  # [T, E]
    topk_weights, topk_ids = _pangu_group_topk(gating_output, router_scale, TOP_K, NUM_EXPERTS)
    # expert MLPs (SwiGLU: down(silu(gate(x)) * up(x))), combined with routing weights
    out = jnp.zeros_like(hidden_states)
    for e in range(NUM_EXPERTS):
        w_e = jnp.sum(jnp.where(topk_ids == e, topk_weights, 0.0), axis=1)  # [T]
        h = jax.nn.silu(hidden_states @ W_gate[e]) * (hidden_states @ W_up[e])
        y = h @ W_down[e]
        out = out + w_e[:, None] * y
    return out

if __name__ == "__main__":
    import jax
    _d = setup_inputs()
    print(jax.jit(kernel)(*tuple(_d.values())))

</pallas_src>

<mosaic_0001>
#map = affine_map<(d0, d1) -> (0)>
#map1 = affine_map<(d0, d1) -> (0, 0)>
module attributes {stable_mosaic.version = 14 : i64} {
  func.func @_unsort_body(%arg0: i32, %arg1: i32, %arg2: memref<1024xi32, #tpu.memory_space<hbm>>, %arg3: memref<1024xi32, #tpu.memory_space<hbm>>, %arg4: memref<6144x1024xf32, #tpu.memory_space<hbm>>, %arg5: memref<1024x1024xf32, #tpu.memory_space<hbm>>, %arg6: memref<32xi32, #tpu.memory_space<vmem>>, %arg7: memref<32xi32, #tpu.memory_space<vmem>>, %arg8: memref<32x1024xf32, #tpu.memory_space<vmem>>, %arg9: memref<32x1024xf32, #tpu.memory_space<vmem>>, %arg10: memref<!tpu.dma_semaphore, #tpu.memory_space<semaphore_mem>>, %arg11: memref<!tpu.dma_semaphore, #tpu.memory_space<semaphore_mem>>) attributes {dimension_semantics = [#tpu.dimension_semantics<core_parallel>, #tpu.dimension_semantics<subcore_parallel>], iteration_bounds = array<i64: 2, 16>, scalar_prefetch = 0 : i64, scratch_operands = 6 : i64, tpu.core_type = #tpu.core_type<sc_vector_subcore>, window_params = [{transform_indices = #map}, {transform_indices = #map}, {transform_indices = #map1}, {transform_indices = #map1}]} {
    %mul3A = arith.constant 16 : i32
    %mul3A_0 = arith.muli %arg0, %mul3A : i32
    %add3A = arith.addi %mul3A_0, %arg1 : i32
    %mul3A_1 = arith.constant 32 : i32
    %mul3A_2 = arith.muli %add3A, %mul3A_1 : i32
    "tpu.region"() ({
      %run_scoped3A = tpu.sem_alloc : memref<!tpu.dma_semaphore, #tpu.memory_space<semaphore_mem>>
      %dma_start3A_108 = tpu.memref_slice %arg2[%mul3A_2] : memref<1024xi32, #tpu.memory_space<hbm>> -> memref<32xi32, #tpu.memory_space<hbm>>
      %dma_start3A_109 = tpu.memref_slice %arg2[%mul3A_2] : memref<1024xi32, #tpu.memory_space<hbm>> -> memref<32xi32, #tpu.memory_space<hbm>>
      tpu.enqueue_dma source(%dma_start3A_109 : memref<32xi32, #tpu.memory_space<hbm>>) target(%arg6 : memref<32xi32, #tpu.memory_space<vmem>>) target_semaphore(%run_scoped3A : memref<!tpu.dma_semaphore, #tpu.memory_space<semaphore_mem>>)
      %dma_wait3A_110 = tpu.memref_slice %arg2[%mul3A_2] : memref<1024xi32, #tpu.memory_space<hbm>> -> memref<32xi32, #tpu.memory_space<hbm>>
      %dma_wait3A_111 = tpu.memref_slice %arg2[%mul3A_2] : memref<1024xi32, #tpu.memory_space<hbm>> -> memref<32xi32, #tpu.memory_space<hbm>>
      tpu.wait_dma2 semaphore(%run_scoped3A : memref<!tpu.dma_semaphore, #tpu.memory_space<semaphore_mem>>) src(%dma_wait3A_111 : memref<32xi32, #tpu.memory_space<hbm>>) dst(%arg6 : memref<32xi32, #tpu.memory_space<vmem>>)
      tpu.yield
    }) : () -> ()
    "tpu.region"() ({
      %run_scoped3A = tpu.sem_alloc : memref<!tpu.dma_semaphore, #tpu.memory_space<semaphore_mem>>
      %dma_start3A_108 = tpu.memref_slice %arg3[%mul3A_2] : memref<1024xi32, #tpu.memory_space<hbm>> -> memref<32xi32, #tpu.memory_space<hbm>>
      %dma_start3A_109 = tpu.memref_slice %arg3[%mul3A_2] : memref<1024xi32, #tpu.memory_space<hbm>> -> memref<32xi32, #tpu.memory_space<hbm>>
      tpu.enqueue_dma source(%dma_start3A_109 : memref<32xi32, #tpu.memory_space<hbm>>) target(%arg7 : memref<32xi32, #tpu.memory_space<vmem>>) target_semaphore(%run_scoped3A : memref<!tpu.dma_semaphore, #tpu.memory_space<semaphore_mem>>)
      %dma_wait3A_110 = tpu.memref_slice %arg3[%mul3A_2] : memref<1024xi32, #tpu.memory_space<hbm>> -> memref<32xi32, #tpu.memory_space<hbm>>
      %dma_wait3A_111 = tpu.memref_slice %arg3[%mul3A_2] : memref<1024xi32, #tpu.memory_space<hbm>> -> memref<32xi32, #tpu.memory_space<hbm>>
      tpu.wait_dma2 semaphore(%run_scoped3A : memref<!tpu.dma_semaphore, #tpu.memory_space<semaphore_mem>>) src(%dma_wait3A_111 : memref<32xi32, #tpu.memory_space<hbm>>) dst(%arg7 : memref<32xi32, #tpu.memory_space<vmem>>)
      tpu.yield
    }) : () -> ()
    %dma_start3A = arith.constant 0 : i32
    %dma_start3A_3 = arith.constant 0 : i32
    %dma_start3A_4 = tpu.memref_slice %arg4[%dma_start3A, %dma_start3A_3] : memref<6144x1024xf32, #tpu.memory_space<hbm>> -> memref<6144x1024xf32, #tpu.memory_space<hbm>>
    tpu.enqueue_indirect_dma source(%dma_start3A_4 : memref<6144x1024xf32, #tpu.memory_space<hbm>>) target(%arg8 : memref<32x1024xf32, #tpu.memory_space<vmem>>) offsets(%arg6 : memref<32xi32, #tpu.memory_space<vmem>>) semaphore(%arg10 : memref<!tpu.dma_semaphore, #tpu.memory_space<semaphore_mem>>)
    %dma_start3A_5 = arith.constant 0 : i32
    %dma_start3A_6 = arith.constant 0 : i32
    %dma_start3A_7 = tpu.memref_slice %arg4[%dma_start3A_5, %dma_start3A_6] : memref<6144x1024xf32, #tpu.memory_space<hbm>> -> memref<6144x1024xf32, #tpu.memory_space<hbm>>
    tpu.enqueue_indirect_dma source(%dma_start3A_7 : memref<6144x1024xf32, #tpu.memory_space<hbm>>) target(%arg9 : memref<32x1024xf32, #tpu.memory_space<vmem>>) offsets(%arg7 : memref<32xi32, #tpu.memory_space<vmem>>) semaphore(%arg11 : memref<!tpu.dma_semaphore, #tpu.memory_space<semaphore_mem>>)
    %dma_wait3A = arith.constant 0 : i32
    %dma_wait3A_8 = arith.constant 0 : i32
    %dma_wait3A_9 = tpu.memref_slice %arg4[%dma_wait3A, %dma_wait3A_8] : memref<6144x1024xf32, #tpu.memory_space<hbm>> -> memref<6144x1024xf32, #tpu.memory_space<hbm>>
    tpu.wait_indirect_dma semaphore(%arg10 : memref<!tpu.dma_semaphore, #tpu.memory_space<semaphore_mem>>) src(%dma_wait3A_9 : memref<6144x1024xf32, #tpu.memory_space<hbm>>) dst(%arg8 : memref<32x1024xf32, #tpu.memory_space<vmem>>)
    %dma_wait3A_10 = arith.constant 0 : i32
    %dma_wait3A_11 = arith.constant 0 : i32
    %dma_wait3A_12 = tpu.memref_slice %arg4[%dma_wait3A_10, %dma_wait3A_11] : memref<6144x1024xf32, #tpu.memory_space<hbm>> -> memref<6144x1024xf32, #tpu.memory_space<hbm>>
    tpu.wait_indirect_dma semaphore(%arg11 : memref<!tpu.dma_semaphore, #tpu.memory_space<semaphore_mem>>) src(%dma_wait3A_12 : memref<6144x1024xf32, #tpu.memory_space<hbm>>) dst(%arg9 : memref<32x1024xf32, #tpu.memory_space<vmem>>)
    %parallel_loop3A = arith.constant 0 : i32
    %parallel_loop3A_13 = arith.constant 64 : i32
    %parallel_loop3A_14 = arith.constant 1 : i32
    scf.for %parallel_loop3A_108 = %parallel_loop3A to %parallel_loop3A_13 step %parallel_loop3A_14  : i32 {
      %parallel_loop3A_109 = arith.constant 16 : i32
      %parallel_loop3A_110 = arith.muli %parallel_loop3A_108, %parallel_loop3A_109 : i32
      %parallel_loop3A_111 = arith.constant 0 : i32
      %parallel_loop3A_112 = arith.index_cast %parallel_loop3A_111 : i32 to index
      %parallel_loop3A_113 = arith.index_cast %parallel_loop3A_110 : i32 to index
      %parallel_loop3A_114 = tpu.vector_load %arg8[%parallel_loop3A_112, %parallel_loop3A_113] {strides = array<i32>} : memref<32x1024xf32, #tpu.memory_space<vmem>>, vector<1x16xf32>,
      %parallel_loop3A_115 = vector.shape_cast %parallel_loop3A_114 : vector<1x16xf32> to vector<16xf32>
      %parallel_loop3A_116 = arith.constant 0 : i32
      %parallel_loop3A_117 = arith.index_cast %parallel_loop3A_116 : i32 to index
      %parallel_loop3A_118 = arith.index_cast %parallel_loop3A_110 : i32 to index
      %parallel_loop3A_119 = tpu.vector_load %arg9[%parallel_loop3A_117, %parallel_loop3A_118] {strides = array<i32>} : memref<32x1024xf32, #tpu.memory_space<vmem>>, vector<1x16xf32>,
      %parallel_loop3A_120 = vector.shape_cast %parallel_loop3A_119 : vector<1x16xf32> to vector<16xf32>
      %parallel_loop3A_121 = arith.addf %parallel_loop3A_115, %parallel_loop3A_120 : vector<16xf32>
      %parallel_loop3A_122 = arith.constant 0 : i32
      %parallel_loop3A_123 = arith.index_cast %parallel_loop3A_122 : i32 to index
      %parallel_loop3A_124 = arith.index_cast %parallel_loop3A_110 : i32 to index
      %parallel_loop3A_125 = tpu.vector_load %arg8[%parallel_loop3A_123, %parallel_loop3A_124] {strides = array<i32>} : memref<32x1024xf32, #tpu.memory_space<vmem>>, vector<1x16xf32>,
      %parallel_loop3A_126 = vector.shape_cast %parallel_loop3A_125 : vector<1x16xf32> to vector<16xf32>
      %parallel_loop3A_127 = vector.shape_cast %parallel_loop3A_121 : vector<16xf32> to vector<1x16xf32>
      tpu.vector_store %arg8[%parallel_loop3A_123, %parallel_loop3A_124], %parallel_loop3A_127 {strides = array<i32>} : memref<32x1024xf32, #tpu.memory_space<vmem>>, vector<1x16xf32>,
    } {sc.loop_unroll_factor = 8 : i64, sc.parallel_access}
    %parallel_loop3A_15 = arith.constant 0 : i32
    %parallel_loop3A_16 = arith.constant 64 : i32
    %parallel_loop3A_17 = arith.constant 1 : i32
    scf.for %parallel_loop3A_108 = %parallel_loop3A_15 to %parallel_loop3A_16 step %parallel_loop3A_17  : i32 {
      %parallel_loop3A_109 = arith.constant 16 : i32
      %parallel_loop3A_110 = arith.muli %parallel_loop3A_108, %parallel_loop3A_109 : i32
      %parallel_loop3A_111 = arith.constant 1 : i32
      %parallel_loop3A_112 = arith.index_cast %parallel_loop3A_111 : i32 to index
      %parallel_loop3A_113 = arith.index_cast %parallel_loop3A_110 : i32 to index
      %parallel_loop3A_114 = tpu.vector_load %arg8[%parallel_loop3A_112, %parallel_loop3A_113] {strides = array<i32>} : memref<32x1024xf32, #tpu.memory_space<vmem>>, vector<1x16xf32>,
      %parallel_loop3A_115 = vector.shape_cast %parallel_loop3A_114 : vector<1x16xf32> to vector<16xf32>
      %parallel_loop3A_116 = arith.constant 1 : i32
      %parallel_loop3A_117 = arith.index_cast %parallel_loop3A_116 : i32 to index
      %parallel_loop3A_118 = arith.index_cast %parallel_loop3A_110 : i32 to index
      %parallel_loop3A_119 = tpu.vector_load %arg9[%parallel_loop3A_117, %parallel_loop3A_118] {strides = array<i32>} : memref<32x1024xf32, #tpu.memory_space<vmem>>, vector<1x16xf32>,
      %parallel_loop3A_120 = vector.shape_cast %parallel_loop3A_119 : vector<1x16xf32> to vector<16xf32>
      %parallel_loop3A_121 = arith.addf %parallel_loop3A_115, %parallel_loop3A_120 : vector<16xf32>
      %parallel_loop3A_122 = arith.constant 1 : i32
      %parallel_loop3A_123 = arith.index_cast %parallel_loop3A_122 : i32 to index
      %parallel_loop3A_124 = arith.index_cast %parallel_loop3A_110 : i32 to index
      %parallel_loop3A_125 = tpu.vector_load %arg8[%parallel_loop3A_123, %parallel_loop3A_124] {strides = array<i32>} : memref<32x1024xf32, #tpu.memory_space<vmem>>, vector<1x16xf32>,
      %parallel_loop3A_126 = vector.shape_cast %parallel_loop3A_125 : vector<1x16xf32> to vector<16xf32>
      %parallel_loop3A_127 = vector.shape_cast %parallel_loop3A_121 : vector<16xf32> to vector<1x16xf32>
      tpu.vector_store %arg8[%parallel_loop3A_123, %parallel_loop3A_124], %parallel_loop3A_127 {strides = array<i32>} : memref<32x1024xf32, #tpu.memory_space<vmem>>, vector<1x16xf32>,
    } {sc.loop_unroll_factor = 8 : i64, sc.parallel_access}
    %parallel_loop3A_18 = arith.constant 0 : i32
    %parallel_loop3A_19 = arith.constant 64 : i32
    %parallel_loop3A_20 = arith.constant 1 : i32
    scf.for %parallel_loop3A_108 = %parallel_loop3A_18 to %parallel_loop3A_19 step %parallel_loop3A_20  : i32 {
      %parallel_loop3A_109 = arith.constant 16 : i32
      %parallel_loop3A_110 = arith.muli %parallel_loop3A_108, %parallel_loop3A_109 : i32
      %parallel_loop3A_111 = arith.constant 2 : i32
      %parallel_loop3A_112 = arith.index_cast %parallel_loop3A_111 : i32 to index
      %parallel_loop3A_113 = arith.index_cast %parallel_loop3A_110 : i32 to index
      %parallel_loop3A_114 = tpu.vector_load %arg8[%parallel_loop3A_112, %parallel_loop3A_113] {strides = array<i32>} : memref<32x1024xf32, #tpu.memory_space<vmem>>, vector<1x16xf32>,
      %parallel_loop3A_115 = vector.shape_cast %parallel_loop3A_114 : vector<1x16xf32> to vector<16xf32>
      %parallel_loop3A_116 = arith.constant 2 : i32
      %parallel_loop3A_117 = arith.index_cast %parallel_loop3A_116 : i32 to index
      %parallel_loop3A_118 = arith.index_cast %parallel_loop3A_110 : i32 to index
      %parallel_loop3A_119 = tpu.vector_load %arg9[%parallel_loop3A_117, %parallel_loop3A_118] {strides = array<i32>} : memref<32x1024xf32, #tpu.memory_space<vmem>>, vector<1x16xf32>,
      %parallel_loop3A_120 = vector.shape_cast %parallel_loop3A_119 : vector<1x16xf32> to vector<16xf32>
      %parallel_loop3A_121 = arith.addf %parallel_loop3A_115, %parallel_loop3A_120 : vector<16xf32>
      %parallel_loop3A_122 = arith.constant 2 : i32
      %parallel_loop3A_123 = arith.index_cast %parallel_loop3A_122 : i32 to index
      %parallel_loop3A_124 = arith.index_cast %parallel_loop3A_110 : i32 to index
      %parallel_loop3A_125 = tpu.vector_load %arg8[%parallel_loop3A_123, %parallel_loop3A_124] {strides = array<i32>} : memref<32x1024xf32, #tpu.memory_space<vmem>>, vector<1x16xf32>,
      %parallel_loop3A_126 = vector.shape_cast %parallel_loop3A_125 : vector<1x16xf32> to vector<16xf32>
      %parallel_loop3A_127 = vector.shape_cast %parallel_loop3A_121 : vector<16xf32> to vector<1x16xf32>
      tpu.vector_store %arg8[%parallel_loop3A_123, %parallel_loop3A_124], %parallel_loop3A_127 {strides = array<i32>} : memref<32x1024xf32, #tpu.memory_space<vmem>>, vector<1x16xf32>,
    } {sc.loop_unroll_factor = 8 : i64, sc.parallel_access}
    %parallel_loop3A_21 = arith.constant 0 : i32
    %parallel_loop3A_22 = arith.constant 64 : i32
    %parallel_loop3A_23 = arith.constant 1 : i32
    scf.for %parallel_loop3A_108 = %parallel_loop3A_21 to %parallel_loop3A_22 step %parallel_loop3A_23  : i32 {
      %parallel_loop3A_109 = arith.constant 16 : i32
      %parallel_loop3A_110 = arith.muli %parallel_loop3A_108, %parallel_loop3A_109 : i32
      %parallel_loop3A_111 = arith.constant 3 : i32
      %parallel_loop3A_112 = arith.index_cast %parallel_loop3A_111 : i32 to index
      %parallel_loop3A_113 = arith.index_cast %parallel_loop3A_110 : i32 to index
      %parallel_loop3A_114 = tpu.vector_load %arg8[%parallel_loop3A_112, %parallel_loop3A_113] {strides = array<i32>} : memref<32x1024xf32, #tpu.memory_space<vmem>>, vector<1x16xf32>,
      %parallel_loop3A_115 = vector.shape_cast %parallel_loop3A_114 : vector<1x16xf32> to vector<16xf32>
      %parallel_loop3A_116 = arith.constant 3 : i32
      %parallel_loop3A_117 = arith.index_cast %parallel_loop3A_116 : i32 to index
      %parallel_loop3A_118 = arith.index_cast %parallel_loop3A_110 : i32 to index
      %parallel_loop3A_119 = tpu.vector_load %arg9[%parallel_loop3A_117, %parallel_loop3A_118] {strides = array<i32>} : memref<32x1024xf32, #tpu.memory_space<vmem>>, vector<1x16xf32>,
      %parallel_loop3A_120 = vector.shape_cast %parallel_loop3A_119 : vector<1x16xf32> to vector<16xf32>
      %parallel_loop3A_121 = arith.addf %parallel_loop3A_115, %parallel_loop3A_120 : vector<16xf32>
      %parallel_loop3A_122 = arith.constant 3 : i32
      %parallel_loop3A_123 = arith.index_cast %parallel_loop3A_122 : i32 to index
      %parallel_loop3A_124 = arith.index_cast %parallel_loop3A_110 : i32 to index
      %parallel_loop3A_125 = tpu.vector_load %arg8[%parallel_loop3A_123, %parallel_loop3A_124] {strides = array<i32>} : memref<32x1024xf32, #tpu.memory_space<vmem>>, vector<1x16xf32>,
      %parallel_loop3A_126 = vector.shape_cast %parallel_loop3A_125 : vector<1x16xf32> to vector<16xf32>
      %parallel_loop3A_127 = vector.shape_cast %parallel_loop3A_121 : vector<16xf32> to vector<1x16xf32>
      tpu.vector_store %arg8[%parallel_loop3A_123, %parallel_loop3A_124], %parallel_loop3A_127 {strides = array<i32>} : memref<32x1024xf32, #tpu.memory_space<vmem>>, vector<1x16xf32>,
    } {sc.loop_unroll_factor = 8 : i64, sc.parallel_access}
    %parallel_loop3A_24 = arith.constant 0 : i32
    %parallel_loop3A_25 = arith.constant 64 : i32
    %parallel_loop3A_26 = arith.constant 1 : i32
    scf.for %parallel_loop3A_108 = %parallel_loop3A_24 to %parallel_loop3A_25 step %parallel_loop3A_26  : i32 {
      %parallel_loop3A_109 = arith.constant 16 : i32
      %parallel_loop3A_110 = arith.muli %parallel_loop3A_108, %parallel_loop3A_109 : i32
      %parallel_loop3A_111 = arith.constant 4 : i32
      %parallel_loop3A_112 = arith.index_cast %parallel_loop3A_111 : i32 to index
      %parallel_loop3A_113 = arith.index_cast %parallel_loop3A_110 : i32 to index
      %parallel_loop3A_114 = tpu.vector_load %arg8[%parallel_loop3A_112, %parallel_loop3A_113] {strides = array<i32>} : memref<32x1024xf32, #tpu.memory_space<vmem>>, vector<1x16xf32>,
      %parallel_loop3A_115 = vector.shape_cast %parallel_loop3A_114 : vector<1x16xf32> to vector<16xf32>
      %parallel_loop3A_116 = arith.constant 4 : i32
      %parallel_loop3A_117 = arith.index_cast %parallel_loop3A_116 : i32 to index
      %parallel_loop3A_118 = arith.index_cast %parallel_loop3A_110 : i32 to index
      %parallel_loop3A_119 = tpu.vector_load %arg9[%parallel_loop3A_117, %parallel_loop3A_118] {strides = array<i32>} : memref<32x1024xf32, #tpu.memory_space<vmem>>, vector<1x16xf32>,
      %parallel_loop3A_120 = vector.shape_cast %parallel_loop3A_119 : vector<1x16xf32> to vector<16xf32>
      %parallel_loop3A_121 = arith.addf %parallel_loop3A_115, %parallel_loop3A_120 : vector<16xf32>
      %parallel_loop3A_122 = arith.constant 4 : i32
      %parallel_loop3A_123 = arith.index_cast %parallel_loop3A_122 : i32 to index
      %parallel_loop3A_124 = arith.index_cast %parallel_loop3A_110 : i32 to index
      %parallel_loop3A_125 = tpu.vector_load %arg8[%parallel_loop3A_123, %parallel_loop3A_124] {strides = array<i32>} : memref<32x1024xf32, #tpu.memory_space<vmem>>, vector<1x16xf32>,
      %parallel_loop3A_126 = vector.shape_cast %parallel_loop3A_125 : vector<1x16xf32> to vector<16xf32>
      %parallel_loop3A_127 = vector.shape_cast %parallel_loop3A_121 : vector<16xf32> to vector<1x16xf32>
      tpu.vector_store %arg8[%parallel_loop3A_123, %parallel_loop3A_124], %parallel_loop3A_127 {strides = array<i32>} : memref<32x1024xf32, #tpu.memory_space<vmem>>, vector<1x16xf32>,
    } {sc.loop_unroll_factor = 8 : i64, sc.parallel_access}
    %parallel_loop3A_27 = arith.constant 0 : i32
    %parallel_loop3A_28 = arith.constant 64 : i32
    %parallel_loop3A_29 = arith.constant 1 : i32
    scf.for %parallel_loop3A_108 = %parallel_loop3A_27 to %parallel_loop3A_28 step %parallel_loop3A_29  : i32 {
      %parallel_loop3A_109 = arith.constant 16 : i32
      %parallel_loop3A_110 = arith.muli %parallel_loop3A_108, %parallel_loop3A_109 : i32
      %parallel_loop3A_111 = arith.constant 5 : i32
      %parallel_loop3A_112 = arith.index_cast %parallel_loop3A_111 : i32 to index
      %parallel_loop3A_113 = arith.index_cast %parallel_loop3A_110 : i32 to index
      %parallel_loop3A_114 = tpu.vector_load %arg8[%parallel_loop3A_112, %parallel_loop3A_113] {strides = array<i32>} : memref<32x1024xf32, #tpu.memory_space<vmem>>, vector<1x16xf32>,
      %parallel_loop3A_115 = vector.shape_cast %parallel_loop3A_114 : vector<1x16xf32> to vector<16xf32>
      %parallel_loop3A_116 = arith.constant 5 : i32
      %parallel_loop3A_117 = arith.index_cast %parallel_loop3A_116 : i32 to index
      %parallel_loop3A_118 = arith.index_cast %parallel_loop3A_110 : i32 to index
      %parallel_loop3A_119 = tpu.vector_load %arg9[%parallel_loop3A_117, %parallel_loop3A_118] {strides = array<i32>} : memref<32x1024xf32, #tpu.memory_space<vmem>>, vector<1x16xf32>,
      %parallel_loop3A_120 = vector.shape_cast %parallel_loop3A_119 : vector<1x16xf32> to vector<16xf32>
      %parallel_loop3A_121 = arith.addf %parallel_loop3A_115, %parallel_loop3A_120 : vector<16xf32>
      %parallel_loop3A_122 = arith.constant 5 : i32
      %parallel_loop3A_123 = arith.index_cast %parallel_loop3A_122 : i32 to index
      %parallel_loop3A_124 = arith.index_cast %parallel_loop3A_110 : i32 to index
      %parallel_loop3A_125 = tpu.vector_load %arg8[%parallel_loop3A_123, %parallel_loop3A_124] {strides = array<i32>} : memref<32x1024xf32, #tpu.memory_space<vmem>>, vector<1x16xf32>,
      %parallel_loop3A_126 = vector.shape_cast %parallel_loop3A_125 : vector<1x16xf32> to vector<16xf32>
      %parallel_loop3A_127 = vector.shape_cast %parallel_loop3A_121 : vector<16xf32> to vector<1x16xf32>
      tpu.vector_store %arg8[%parallel_loop3A_123, %parallel_loop3A_124], %parallel_loop3A_127 {strides = array<i32>} : memref<32x1024xf32, #tpu.memory_space<vmem>>, vector<1x16xf32>,
    } {sc.loop_unroll_factor = 8 : i64, sc.parallel_access}
    %parallel_loop3A_30 = arith.constant 0 : i32
    %parallel_loop3A_31 = arith.constant 64 : i32
    %parallel_loop3A_32 = arith.constant 1 : i32
    scf.for %parallel_loop3A_108 = %parallel_loop3A_30 to %parallel_loop3A_31 step %parallel_loop3A_32  : i32 {
      %parallel_loop3A_109 = arith.constant 16 : i32
      %parallel_loop3A_110 = arith.muli %parallel_loop3A_108, %parallel_loop3A_109 : i32
      %parallel_loop3A_111 = arith.constant 6 : i32
      %parallel_loop3A_112 = arith.index_cast %parallel_loop3A_111 : i32 to index
      %parallel_loop3A_113 = arith.index_cast %parallel_loop3A_110 : i32 to index
      %parallel_loop3A_114 = tpu.vector_load %arg8[%parallel_loop3A_112, %parallel_loop3A_113] {strides = array<i32>} : memref<32x1024xf32, #tpu.memory_space<vmem>>, vector<1x16xf32>,
      %parallel_loop3A_115 = vector.shape_cast %parallel_loop3A_114 : vector<1x16xf32> to vector<16xf32>
      %parallel_loop3A_116 = arith.constant 6 : i32
      %parallel_loop3A_117 = arith.index_cast %parallel_loop3A_116 : i32 to index
      %parallel_loop3A_118 = arith.index_cast %parallel_loop3A_110 : i32 to index
      %parallel_loop3A_119 = tpu.vector_load %arg9[%parallel_loop3A_117, %parallel_loop3A_118] {strides = array<i32>} : memref<32x1024xf32, #tpu.memory_space<vmem>>, vector<1x16xf32>,
      %parallel_loop3A_120 = vector.shape_cast %parallel_loop3A_119 : vector<1x16xf32> to vector<16xf32>
      %parallel_loop3A_121 = arith.addf %parallel_loop3A_115, %parallel_loop3A_120 : vector<16xf32>
      %parallel_loop3A_122 = arith.constant 6 : i32
      %parallel_loop3A_123 = arith.index_cast %parallel_loop3A_122 : i32 to index
      %parallel_loop3A_124 = arith.index_cast %parallel_loop3A_110 : i32 to index
      %parallel_loop3A_125 = tpu.vector_load %arg8[%parallel_loop3A_123, %parallel_loop3A_124] {strides = array<i32>} : memref<32x1024xf32, #tpu.memory_space<vmem>>, vector<1x16xf32>,
      %parallel_loop3A_126 = vector.shape_cast %parallel_loop3A_125 : vector<1x16xf32> to vector<16xf32>
      %parallel_loop3A_127 = vector.shape_cast %parallel_loop3A_121 : vector<16xf32> to vector<1x16xf32>
      tpu.vector_store %arg8[%parallel_loop3A_123, %parallel_loop3A_124], %parallel_loop3A_127 {strides = array<i32>} : memref<32x1024xf32, #tpu.memory_space<vmem>>, vector<1x16xf32>,
    } {sc.loop_unroll_factor = 8 : i64, sc.parallel_access}
    %parallel_loop3A_33 = arith.constant 0 : i32
    %parallel_loop3A_34 = arith.constant 64 : i32
    %parallel_loop3A_35 = arith.constant 1 : i32
    scf.for %parallel_loop3A_108 = %parallel_loop3A_33 to %parallel_loop3A_34 step %parallel_loop3A_35  : i32 {
      %parallel_loop3A_109 = arith.constant 16 : i32
      %parallel_loop3A_110 = arith.muli %parallel_loop3A_108, %parallel_loop3A_109 : i32
      %parallel_loop3A_111 = arith.constant 7 : i32
      %parallel_loop3A_112 = arith.index_cast %parallel_loop3A_111 : i32 to index
      %parallel_loop3A_113 = arith.index_cast %parallel_loop3A_110 : i32 to index
      %parallel_loop3A_114 = tpu.vector_load %arg8[%parallel_loop3A_112, %parallel_loop3A_113] {strides = array<i32>} : memref<32x1024xf32, #tpu.memory_space<vmem>>, vector<1x16xf32>,
      %parallel_loop3A_115 = vector.shape_cast %parallel_loop3A_114 : vector<1x16xf32> to vector<16xf32>
      %parallel_loop3A_116 = arith.constant 7 : i32
      %parallel_loop3A_117 = arith.index_cast %parallel_loop3A_116 : i32 to index
      %parallel_loop3A_118 = arith.index_cast %parallel_loop3A_110 : i32 to index
      %parallel_loop3A_119 = tpu.vector_load %arg9[%parallel_loop3A_117, %parallel_loop3A_118] {strides = array<i32>} : memref<32x1024xf32, #tpu.memory_space<vmem>>, vector<1x16xf32>,
      %parallel_loop3A_120 = vector.shape_cast %parallel_loop3A_119 : vector<1x16xf32> to vector<16xf32>
      %parallel_loop3A_121 = arith.addf %parallel_loop3A_115, %parallel_loop3A_120 : vector<16xf32>
      %parallel_loop3A_122 = arith.constant 7 : i32
      %parallel_loop3A_123 = arith.index_cast %parallel_loop3A_122 : i32 to index
      %parallel_loop3A_124 = arith.index_cast %parallel_loop3A_110 : i32 to index
      %parallel_loop3A_125 = tpu.vector_load %arg8[%parallel_loop3A_123, %parallel_loop3A_124] {strides = array<i32>} : memref<32x1024xf32, #tpu.memory_space<vmem>>, vector<1x16xf32>,
      %parallel_loop3A_126 = vector.shape_cast %parallel_loop3A_125 : vector<1x16xf32> to vector<16xf32>
      %parallel_loop3A_127 = vector.shape_cast %parallel_loop3A_121 : vector<16xf32> to vector<1x16xf32>
      tpu.vector_store %arg8[%parallel_loop3A_123, %parallel_loop3A_124], %parallel_loop3A_127 {strides = array<i32>} : memref<32x1024xf32, #tpu.memory_space<vmem>>, vector<1x16xf32>,
    } {sc.loop_unroll_factor = 8 : i64, sc.parallel_access}
    %parallel_loop3A_36 = arith.constant 0 : i32
    %parallel_loop3A_37 = arith.constant 64 : i32
    %parallel_loop3A_38 = arith.constant 1 : i32
    scf.for %parallel_loop3A_108 = %parallel_loop3A_36 to %parallel_loop3A_37 step %parallel_loop3A_38  : i32 {
      %parallel_loop3A_109 = arith.constant 16 : i32
      %parallel_loop3A_110 = arith.muli %parallel_loop3A_108, %parallel_loop3A_109 : i32
      %parallel_loop3A_111 = arith.constant 8 : i32
      %parallel_loop3A_112 = arith.index_cast %parallel_loop3A_111 : i32 to index
      %parallel_loop3A_113 = arith.index_cast %parallel_loop3A_110 : i32 to index
      %parallel_loop3A_114 = tpu.vector_load %arg8[%parallel_loop3A_112, %parallel_loop3A_113] {strides = array<i32>} : memref<32x1024xf32, #tpu.memory_space<vmem>>, vector<1x16xf32>,
      %parallel_loop3A_115 = vector.shape_cast %parallel_loop3A_114 : vector<1x16xf32> to vector<16xf32>
      %parallel_loop3A_116 = arith.constant 8 : i32
      %parallel_loop3A_117 = arith.index_cast %parallel_loop3A_116 : i32 to index
      %parallel_loop3A_118 = arith.index_cast %parallel_loop3A_110 : i32 to index
      %parallel_loop3A_119 = tpu.vector_load %arg9[%parallel_loop3A_117, %parallel_loop3A_118] {strides = array<i32>} : memref<32x1024xf32, #tpu.memory_space<vmem>>, vector<1x16xf32>,
      %parallel_loop3A_120 = vector.shape_cast %parallel_loop3A_119 : vector<1x16xf32> to vector<16xf32>
      %parallel_loop3A_121 = arith.addf %parallel_loop3A_115, %parallel_loop3A_120 : vector<16xf32>
      %parallel_loop3A_122 = arith.constant 8 : i32
      %parallel_loop3A_123 = arith.index_cast %parallel_loop3A_122 : i32 to index
      %parallel_loop3A_124 = arith.index_cast %parallel_loop3A_110 : i32 to index
      %parallel_loop3A_125 = tpu.vector_load %arg8[%parallel_loop3A_123, %parallel_loop3A_124] {strides = array<i32>} : memref<32x1024xf32, #tpu.memory_space<vmem>>, vector<1x16xf32>,
      %parallel_loop3A_126 = vector.shape_cast %parallel_loop3A_125 : vector<1x16xf32> to vector<16xf32>
      %parallel_loop3A_127 = vector.shape_cast %parallel_loop3A_121 : vector<16xf32> to vector<1x16xf32>
      tpu.vector_store %arg8[%parallel_loop3A_123, %parallel_loop3A_124], %parallel_loop3A_127 {strides = array<i32>} : memref<32x1024xf32, #tpu.memory_space<vmem>>, vector<1x16xf32>,
    } {sc.loop_unroll_factor = 8 : i64, sc.parallel_access}
    %parallel_loop3A_39 = arith.constant 0 : i32
    %parallel_loop3A_40 = arith.constant 64 : i32
    %parallel_loop3A_41 = arith.constant 1 : i32
    scf.for %parallel_loop3A_108 = %parallel_loop3A_39 to %parallel_loop3A_40 step %parallel_loop3A_41  : i32 {
      %parallel_loop3A_109 = arith.constant 16 : i32
      %parallel_loop3A_110 = arith.muli %parallel_loop3A_108, %parallel_loop3A_109 : i32
      %parallel_loop3A_111 = arith.constant 9 : i32
      %parallel_loop3A_112 = arith.index_cast %parallel_loop3A_111 : i32 to index
      %parallel_loop3A_113 = arith.index_cast %parallel_loop3A_110 : i32 to index
      %parallel_loop3A_114 = tpu.vector_load %arg8[%parallel_loop3A_112, %parallel_loop3A_113] {strides = array<i32>} : memref<32x1024xf32, #tpu.memory_space<vmem>>, vector<1x16xf32>,
      %parallel_loop3A_115 = vector.shape_cast %parallel_loop3A_114 : vector<1x16xf32> to vector<16xf32>
      %parallel_loop3A_116 = arith.constant 9 : i32
      %parallel_loop3A_117 = arith.index_cast %parallel_loop3A_116 : i32 to index
      %parallel_loop3A_118 = arith.index_cast %parallel_loop3A_110 : i32 to index
      %parallel_loop3A_119 = tpu.vector_load %arg9[%parallel_loop3A_117, %parallel_loop3A_118] {strides = array<i32>} : memref<32x1024xf32, #tpu.memory_space<vmem>>, vector<1x16xf32>,
      %parallel_loop3A_120 = vector.shape_cast %parallel_loop3A_119 : vector<1x16xf32> to vector<16xf32>
      %parallel_loop3A_121 = arith.addf %parallel_loop3A_115, %parallel_loop3A_120 : vector<16xf32>
      %parallel_loop3A_122 = arith.constant 9 : i32
      %parallel_loop3A_123 = arith.index_cast %parallel_loop3A_122 : i32 to index
      %parallel_loop3A_124 = arith.index_cast %parallel_loop3A_110 : i32 to index
      %parallel_loop3A_125 = tpu.vector_load %arg8[%parallel_loop3A_123, %parallel_loop3A_124] {strides = array<i32>} : memref<32x1024xf32, #tpu.memory_space<vmem>>, vector<1x16xf32>,
      %parallel_loop3A_126 = vector.shape_cast %parallel_loop3A_125 : vector<1x16xf32> to vector<16xf32>
      %parallel_loop3A_127 = vector.shape_cast %parallel_loop3A_121 : vector<16xf32> to vector<1x16xf32>
      tpu.vector_store %arg8[%parallel_loop3A_123, %parallel_loop3A_124], %parallel_loop3A_127 {strides = array<i32>} : memref<32x1024xf32, #tpu.memory_space<vmem>>, vector<1x16xf32>,
    } {sc.loop_unroll_factor = 8 : i64, sc.parallel_access}
    %parallel_loop3A_42 = arith.constant 0 : i32
    %parallel_loop3A_43 = arith.constant 64 : i32
    %parallel_loop3A_44 = arith.constant 1 : i32
    scf.for %parallel_loop3A_108 = %parallel_loop3A_42 to %parallel_loop3A_43 step %parallel_loop3A_44  : i32 {
      %parallel_loop3A_109 = arith.constant 16 : i32
      %parallel_loop3A_110 = arith.muli %parallel_loop3A_108, %parallel_loop3A_109 : i32
      %parallel_loop3A_111 = arith.constant 10 : i32
      %parallel_loop3A_112 = arith.index_cast %parallel_loop3A_111 : i32 to index
      %parallel_loop3A_113 = arith.index_cast %parallel_loop3A_110 : i32 to index
      %parallel_loop3A_114 = tpu.vector_load %arg8[%parallel_loop3A_112, %parallel_loop3A_113] {strides = array<i32>} : memref<32x1024xf32, #tpu.memory_space<vmem>>, vector<1x16xf32>,
      %parallel_loop3A_115 = vector.shape_cast %parallel_loop3A_114 : vector<1x16xf32> to vector<16xf32>
      %parallel_loop3A_116 = arith.constant 10 : i32
      %parallel_loop3A_117 = arith.index_cast %parallel_loop3A_116 : i32 to index
      %parallel_loop3A_118 = arith.index_cast %parallel_loop3A_110 : i32 to index
      %parallel_loop3A_119 = tpu.vector_load %arg9[%parallel_loop3A_117, %parallel_loop3A_118] {strides = array<i32>} : memref<32x1024xf32, #tpu.memory_space<vmem>>, vector<1x16xf32>,
      %parallel_loop3A_120 = vector.shape_cast %parallel_loop3A_119 : vector<1x16xf32> to vector<16xf32>
      %parallel_loop3A_121 = arith.addf %parallel_loop3A_115, %parallel_loop3A_120 : vector<16xf32>
      %parallel_loop3A_122 = arith.constant 10 : i32
      %parallel_loop3A_123 = arith.index_cast %parallel_loop3A_122 : i32 to index
      %parallel_loop3A_124 = arith.index_cast %parallel_loop3A_110 : i32 to index
      %parallel_loop3A_125 = tpu.vector_load %arg8[%parallel_loop3A_123, %parallel_loop3A_124] {strides = array<i32>} : memref<32x1024xf32, #tpu.memory_space<vmem>>, vector<1x16xf32>,
      %parallel_loop3A_126 = vector.shape_cast %parallel_loop3A_125 : vector<1x16xf32> to vector<16xf32>
      %parallel_loop3A_127 = vector.shape_cast %parallel_loop3A_121 : vector<16xf32> to vector<1x16xf32>
      tpu.vector_store %arg8[%parallel_loop3A_123, %parallel_loop3A_124], %parallel_loop3A_127 {strides = array<i32>} : memref<32x1024xf32, #tpu.memory_space<vmem>>, vector<1x16xf32>,
    } {sc.loop_unroll_factor = 8 : i64, sc.parallel_access}
    %parallel_loop3A_45 = arith.constant 0 : i32
    %parallel_loop3A_46 = arith.constant 64 : i32
    %parallel_loop3A_47 = arith.constant 1 : i32
    scf.for %parallel_loop3A_108 = %parallel_loop3A_45 to %parallel_loop3A_46 step %parallel_loop3A_47  : i32 {
      %parallel_loop3A_109 = arith.constant 16 : i32
      %parallel_loop3A_110 = arith.muli %parallel_loop3A_108, %parallel_loop3A_109 : i32
      %parallel_loop3A_111 = arith.constant 11 : i32
      %parallel_loop3A_112 = arith.index_cast %parallel_loop3A_111 : i32 to index
      %parallel_loop3A_113 = arith.index_cast %parallel_loop3A_110 : i32 to index
      %parallel_loop3A_114 = tpu.vector_load %arg8[%parallel_loop3A_112, %parallel_loop3A_113] {strides = array<i32>} : memref<32x1024xf32, #tpu.memory_space<vmem>>, vector<1x16xf32>,
      %parallel_loop3A_115 = vector.shape_cast %parallel_loop3A_114 : vector<1x16xf32> to vector<16xf32>
      %parallel_loop3A_116 = arith.constant 11 : i32
      %parallel_loop3A_117 = arith.index_cast %parallel_loop3A_116 : i32 to index
      %parallel_loop3A_118 = arith.index_cast %parallel_loop3A_110 : i32 to index
      %parallel_loop3A_119 = tpu.vector_load %arg9[%parallel_loop3A_117, %parallel_loop3A_118] {strides = array<i32>} : memref<32x1024xf32, #tpu.memory_space<vmem>>, vector<1x16xf32>,
      %parallel_loop3A_120 = vector.shape_cast %parallel_loop3A_119 : vector<1x16xf32> to vector<16xf32>
      %parallel_loop3A_121 = arith.addf %parallel_loop3A_115, %parallel_loop3A_120 : vector<16xf32>
      %parallel_loop3A_122 = arith.constant 11 : i32
      %parallel_loop3A_123 = arith.index_cast %parallel_loop3A_122 : i32 to index
      %parallel_loop3A_124 = arith.index_cast %parallel_loop3A_110 : i32 to index
      %parallel_loop3A_125 = tpu.vector_load %arg8[%parallel_loop3A_123, %parallel_loop3A_124] {strides = array<i32>} : memref<32x1024xf32, #tpu.memory_space<vmem>>, vector<1x16xf32>,
      %parallel_loop3A_126 = vector.shape_cast %parallel_loop3A_125 : vector<1x16xf32> to vector<16xf32>
      %parallel_loop3A_127 = vector.shape_cast %parallel_loop3A_121 : vector<16xf32> to vector<1x16xf32>
      tpu.vector_store %arg8[%parallel_loop3A_123, %parallel_loop3A_124], %parallel_loop3A_127 {strides = array<i32>} : memref<32x1024xf32, #tpu.memory_space<vmem>>, vector<1x16xf32>,
    } {sc.loop_unroll_factor = 8 : i64, sc.parallel_access}
    %parallel_loop3A_48 = arith.constant 0 : i32
    %parallel_loop3A_49 = arith.constant 64 : i32
    %parallel_loop3A_50 = arith.constant 1 : i32
    scf.for %parallel_loop3A_108 = %parallel_loop3A_48 to %parallel_loop3A_49 step %parallel_loop3A_50  : i32 {
      %parallel_loop3A_109 = arith.constant 16 : i32
      %parallel_loop3A_110 = arith.muli %parallel_loop3A_108, %parallel_loop3A_109 : i32
      %parallel_loop3A_111 = arith.constant 12 : i32
      %parallel_loop3A_112 = arith.index_cast %parallel_loop3A_111 : i32 to index
      %parallel_loop3A_113 = arith.index_cast %parallel_loop3A_110 : i32 to index
      %parallel_loop3A_114 = tpu.vector_load %arg8[%parallel_loop3A_112, %parallel_loop3A_113] {strides = array<i32>} : memref<32x1024xf32, #tpu.memory_space<vmem>>, vector<1x16xf32>,
      %parallel_loop3A_115 = vector.shape_cast %parallel_loop3A_114 : vector<1x16xf32> to vector<16xf32>
      %parallel_loop3A_116 = arith.constant 12 : i32
      %parallel_loop3A_117 = arith.index_cast %parallel_loop3A_116 : i32 to index
      %parallel_loop3A_118 = arith.index_cast %parallel_loop3A_110 : i32 to index
      %parallel_loop3A_119 = tpu.vector_load %arg9[%parallel_loop3A_117, %parallel_loop3A_118] {strides = array<i32>} : memref<32x1024xf32, #tpu.memory_space<vmem>>, vector<1x16xf32>,
      %parallel_loop3A_120 = vector.shape_cast %parallel_loop3A_119 : vector<1x16xf32> to vector<16xf32>
      %parallel_loop3A_121 = arith.addf %parallel_loop3A_115, %parallel_loop3A_120 : vector<16xf32>
      %parallel_loop3A_122 = arith.constant 12 : i32
      %parallel_loop3A_123 = arith.index_cast %parallel_loop3A_122 : i32 to index
      %parallel_loop3A_124 = arith.index_cast %parallel_loop3A_110 : i32 to index
      %parallel_loop3A_125 = tpu.vector_load %arg8[%parallel_loop3A_123, %parallel_loop3A_124] {strides = array<i32>} : memref<32x1024xf32, #tpu.memory_space<vmem>>, vector<1x16xf32>,
      %parallel_loop3A_126 = vector.shape_cast %parallel_loop3A_125 : vector<1x16xf32> to vector<16xf32>
      %parallel_loop3A_127 = vector.shape_cast %parallel_loop3A_121 : vector<16xf32> to vector<1x16xf32>
      tpu.vector_store %arg8[%parallel_loop3A_123, %parallel_loop3A_124], %parallel_loop3A_127 {strides = array<i32>} : memref<32x1024xf32, #tpu.memory_space<vmem>>, vector<1x16xf32>,
    } {sc.loop_unroll_factor = 8 : i64, sc.parallel_access}
    %parallel_loop3A_51 = arith.constant 0 : i32
    %parallel_loop3A_52 = arith.constant 64 : i32
    %parallel_loop3A_53 = arith.constant 1 : i32
    scf.for %parallel_loop3A_108 = %parallel_loop3A_51 to %parallel_loop3A_52 step %parallel_loop3A_53  : i32 {
      %parallel_loop3A_109 = arith.constant 16 : i32
      %parallel_loop3A_110 = arith.muli %parallel_loop3A_108, %parallel_loop3A_109 : i32
      %parallel_loop3A_111 = arith.constant 13 : i32
      %parallel_loop3A_112 = arith.index_cast %parallel_loop3A_111 : i32 to index
      %parallel_loop3A_113 = arith.index_cast %parallel_loop3A_110 : i32 to index
      %parallel_loop3A_114 = tpu.vector_load %arg8[%parallel_loop3A_112, %parallel_loop3A_113] {strides = array<i32>} : memref<32x1024xf32, #tpu.memory_space<vmem>>, vector<1x16xf32>,
      %parallel_loop3A_115 = vector.shape_cast %parallel_loop3A_114 : vector<1x16xf32> to vector<16xf32>
      %parallel_loop3A_116 = arith.constant 13 : i32
      %parallel_loop3A_117 = arith.index_cast %parallel_loop3A_116 : i32 to index
      %parallel_loop3A_118 = arith.index_cast %parallel_loop3A_110 : i32 to index
      %parallel_loop3A_119 = tpu.vector_load %arg9[%parallel_loop3A_117, %parallel_loop3A_118] {strides = array<i32>} : memref<32x1024xf32, #tpu.memory_space<vmem>>, vector<1x16xf32>,
      %parallel_loop3A_120 = vector.shape_cast %parallel_loop3A_119 : vector<1x16xf32> to vector<16xf32>
      %parallel_loop3A_121 = arith.addf %parallel_loop3A_115, %parallel_loop3A_120 : vector<16xf32>
      %parallel_loop3A_122 = arith.constant 13 : i32
      %parallel_loop3A_123 = arith.index_cast %parallel_loop3A_122 : i32 to index
      %parallel_loop3A_124 = arith.index_cast %parallel_loop3A_110 : i32 to index
      %parallel_loop3A_125 = tpu.vector_load %arg8[%parallel_loop3A_123, %parallel_loop3A_124] {strides = array<i32>} : memref<32x1024xf32, #tpu.memory_space<vmem>>, vector<1x16xf32>,
      %parallel_loop3A_126 = vector.shape_cast %parallel_loop3A_125 : vector<1x16xf32> to vector<16xf32>
      %parallel_loop3A_127 = vector.shape_cast %parallel_loop3A_121 : vector<16xf32> to vector<1x16xf32>
      tpu.vector_store %arg8[%parallel_loop3A_123, %parallel_loop3A_124], %parallel_loop3A_127 {strides = array<i32>} : memref<32x1024xf32, #tpu.memory_space<vmem>>, vector<1x16xf32>,
    } {sc.loop_unroll_factor = 8 : i64, sc.parallel_access}
    %parallel_loop3A_54 = arith.constant 0 : i32
    %parallel_loop3A_55 = arith.constant 64 : i32
    %parallel_loop3A_56 = arith.constant 1 : i32
    scf.for %parallel_loop3A_108 = %parallel_loop3A_54 to %parallel_loop3A_55 step %parallel_loop3A_56  : i32 {
      %parallel_loop3A_109 = arith.constant 16 : i32
      %parallel_loop3A_110 = arith.muli %parallel_loop3A_108, %parallel_loop3A_109 : i32
      %parallel_loop3A_111 = arith.constant 14 : i32
      %parallel_loop3A_112 = arith.index_cast %parallel_loop3A_111 : i32 to index
      %parallel_loop3A_113 = arith.index_cast %parallel_loop3A_110 : i32 to index
      %parallel_loop3A_114 = tpu.vector_load %arg8[%parallel_loop3A_112, %parallel_loop3A_113] {strides = array<i32>} : memref<32x1024xf32, #tpu.memory_space<vmem>>, vector<1x16xf32>,
      %parallel_loop3A_115 = vector.shape_cast %parallel_loop3A_114 : vector<1x16xf32> to vector<16xf32>
      %parallel_loop3A_116 = arith.constant 14 : i32
      %parallel_loop3A_117 = arith.index_cast %parallel_loop3A_116 : i32 to index
      %parallel_loop3A_118 = arith.index_cast %parallel_loop3A_110 : i32 to index
      %parallel_loop3A_119 = tpu.vector_load %arg9[%parallel_loop3A_117, %parallel_loop3A_118] {strides = array<i32>} : memref<32x1024xf32, #tpu.memory_space<vmem>>, vector<1x16xf32>,
      %parallel_loop3A_120 = vector.shape_cast %parallel_loop3A_119 : vector<1x16xf32> to vector<16xf32>
      %parallel_loop3A_121 = arith.addf %parallel_loop3A_115, %parallel_loop3A_120 : vector<16xf32>
      %parallel_loop3A_122 = arith.constant 14 : i32
      %parallel_loop3A_123 = arith.index_cast %parallel_loop3A_122 : i32 to index
      %parallel_loop3A_124 = arith.index_cast %parallel_loop3A_110 : i32 to index
      %parallel_loop3A_125 = tpu.vector_load %arg8[%parallel_loop3A_123, %parallel_loop3A_124] {strides = array<i32>} : memref<32x1024xf32, #tpu.memory_space<vmem>>, vector<1x16xf32>,
      %parallel_loop3A_126 = vector.shape_cast %parallel_loop3A_125 : vector<1x16xf32> to vector<16xf32>
      %parallel_loop3A_127 = vector.shape_cast %parallel_loop3A_121 : vector<16xf32> to vector<1x16xf32>
      tpu.vector_store %arg8[%parallel_loop3A_123, %parallel_loop3A_124], %parallel_loop3A_127 {strides = array<i32>} : memref<32x1024xf32, #tpu.memory_space<vmem>>, vector<1x16xf32>,
    } {sc.loop_unroll_factor = 8 : i64, sc.parallel_access}
    %parallel_loop3A_57 = arith.constant 0 : i32
    %parallel_loop3A_58 = arith.constant 64 : i32
    %parallel_loop3A_59 = arith.constant 1 : i32
    scf.for %parallel_loop3A_108 = %parallel_loop3A_57 to %parallel_loop3A_58 step %parallel_loop3A_59  : i32 {
      %parallel_loop3A_109 = arith.constant 16 : i32
      %parallel_loop3A_110 = arith.muli %parallel_loop3A_108, %parallel_loop3A_109 : i32
      %parallel_loop3A_111 = arith.constant 15 : i32
      %parallel_loop3A_112 = arith.index_cast %parallel_loop3A_111 : i32 to index
      %parallel_loop3A_113 = arith.index_cast %parallel_loop3A_110 : i32 to index
      %parallel_loop3A_114 = tpu.vector_load %arg8[%parallel_loop3A_112, %parallel_loop3A_113] {strides = array<i32>} : memref<32x1024xf32, #tpu.memory_space<vmem>>, vector<1x16xf32>,
      %parallel_loop3A_115 = vector.shape_cast %parallel_loop3A_114 : vector<1x16xf32> to vector<16xf32>
      %parallel_loop3A_116 = arith.constant 15 : i32
      %parallel_loop3A_117 = arith.index_cast %parallel_loop3A_116 : i32 to index
      %parallel_loop3A_118 = arith.index_cast %parallel_loop3A_110 : i32 to index
      %parallel_loop3A_119 = tpu.vector_load %arg9[%parallel_loop3A_117, %parallel_loop3A_118] {strides = array<i32>} : memref<32x1024xf32, #tpu.memory_space<vmem>>, vector<1x16xf32>,
      %parallel_loop3A_120 = vector.shape_cast %parallel_loop3A_119 : vector<1x16xf32> to vector<16xf32>
      %parallel_loop3A_121 = arith.addf %parallel_loop3A_115, %parallel_loop3A_120 : vector<16xf32>
      %parallel_loop3A_122 = arith.constant 15 : i32
      %parallel_loop3A_123 = arith.index_cast %parallel_loop3A_122 : i32 to index
      %parallel_loop3A_124 = arith.index_cast %parallel_loop3A_110 : i32 to index
      %parallel_loop3A_125 = tpu.vector_load %arg8[%parallel_loop3A_123, %parallel_loop3A_124] {strides = array<i32>} : memref<32x1024xf32, #tpu.memory_space<vmem>>, vector<1x16xf32>,
      %parallel_loop3A_126 = vector.shape_cast %parallel_loop3A_125 : vector<1x16xf32> to vector<16xf32>
      %parallel_loop3A_127 = vector.shape_cast %parallel_loop3A_121 : vector<16xf32> to vector<1x16xf32>
      tpu.vector_store %arg8[%parallel_loop3A_123, %parallel_loop3A_124], %parallel_loop3A_127 {strides = array<i32>} : memref<32x1024xf32, #tpu.memory_space<vmem>>, vector<1x16xf32>,
    } {sc.loop_unroll_factor = 8 : i64, sc.parallel_access}
    %parallel_loop3A_60 = arith.constant 0 : i32
    %parallel_loop3A_61 = arith.constant 64 : i32
    %parallel_loop3A_62 = arith.constant 1 : i32
    scf.for %parallel_loop3A_108 = %parallel_loop3A_60 to %parallel_loop3A_61 step %parallel_loop3A_62  : i32 {
      %parallel_loop3A_109 = arith.constant 16 : i32
      %parallel_loop3A_110 = arith.muli %parallel_loop3A_108, %parallel_loop3A_109 : i32
      %parallel_loop3A_111 = arith.constant 16 : i32
      %parallel_loop3A_112 = arith.index_cast %parallel_loop3A_111 : i32 to index
      %parallel_loop3A_113 = arith.index_cast %parallel_loop3A_110 : i32 to index
      %parallel_loop3A_114 = tpu.vector_load %arg8[%parallel_loop3A_112, %parallel_loop3A_113] {strides = array<i32>} : memref<32x1024xf32, #tpu.memory_space<vmem>>, vector<1x16xf32>,
      %parallel_loop3A_115 = vector.shape_cast %parallel_loop3A_114 : vector<1x16xf32> to vector<16xf32>
      %parallel_loop3A_116 = arith.constant 16 : i32
      %parallel_loop3A_117 = arith.index_cast %parallel_loop3A_116 : i32 to index
      %parallel_loop3A_118 = arith.index_cast %parallel_loop3A_110 : i32 to index
      %parallel_loop3A_119 = tpu.vector_load %arg9[%parallel_loop3A_117, %parallel_loop3A_118] {strides = array<i32>} : memref<32x1024xf32, #tpu.memory_space<vmem>>, vector<1x16xf32>,
      %parallel_loop3A_120 = vector.shape_cast %parallel_loop3A_119 : vector<1x16xf32> to vector<16xf32>
      %parallel_loop3A_121 = arith.addf %parallel_loop3A_115, %parallel_loop3A_120 : vector<16xf32>
      %parallel_loop3A_122 = arith.constant 16 : i32
      %parallel_loop3A_123 = arith.index_cast %parallel_loop3A_122 : i32 to index
      %parallel_loop3A_124 = arith.index_cast %parallel_loop3A_110 : i32 to index
      %parallel_loop3A_125 = tpu.vector_load %arg8[%parallel_loop3A_123, %parallel_loop3A_124] {strides = array<i32>} : memref<32x1024xf32, #tpu.memory_space<vmem>>, vector<1x16xf32>,
      %parallel_loop3A_126 = vector.shape_cast %parallel_loop3A_125 : vector<1x16xf32> to vector<16xf32>
      %parallel_loop3A_127 = vector.shape_cast %parallel_loop3A_121 : vector<16xf32> to vector<1x16xf32>
      tpu.vector_store %arg8[%parallel_loop3A_123, %parallel_loop3A_124], %parallel_loop3A_127 {strides = array<i32>} : memref<32x1024xf32, #tpu.memory_space<vmem>>, vector<1x16xf32>,
    } {sc.loop_unroll_factor = 8 : i64, sc.parallel_access}
    %parallel_loop3A_63 = arith.constant 0 : i32
    %parallel_loop3A_64 = arith.constant 64 : i32
    %parallel_loop3A_65 = arith.constant 1 : i32
    scf.for %parallel_loop3A_108 = %parallel_loop3A_63 to %parallel_loop3A_64 step %parallel_loop3A_65  : i32 {
      %parallel_loop3A_109 = arith.constant 16 : i32
      %parallel_loop3A_110 = arith.muli %parallel_loop3A_108, %parallel_loop3A_109 : i32
      %parallel_loop3A_111 = arith.constant 17 : i32
      %parallel_loop3A_112 = arith.index_cast %parallel_loop3A_111 : i32 to index
      %parallel_loop3A_113 = arith.index_cast %parallel_loop3A_110 : i32 to index
      %parallel_loop3A_114 = tpu.vector_load %arg8[%parallel_loop3A_112, %parallel_loop3A_113] {strides = array<i32>} : memref<32x1024xf32, #tpu.memory_space<vmem>>, vector<1x16xf32>,
      %parallel_loop3A_115 = vector.shape_cast %parallel_loop3A_114 : vector<1x16xf32> to vector<16xf32>
      %parallel_loop3A_116 = arith.constant 17 : i32
      %parallel_loop3A_117 = arith.index_cast %parallel_loop3A_116 : i32 to index
      %parallel_loop3A_118 = arith.index_cast %parallel_loop3A_110 : i32 to index
      %parallel_loop3A_119 = tpu.vector_load %arg9[%parallel_loop3A_117, %parallel_loop3A_118] {strides = array<i32>} : memref<32x1024xf32, #tpu.memory_space<vmem>>, vector<1x16xf32>,
      %parallel_loop3A_120 = vector.shape_cast %parallel_loop3A_119 : vector<1x16xf32> to vector<16xf32>
      %parallel_loop3A_121 = arith.addf %parallel_loop3A_115, %parallel_loop3A_120 : vector<16xf32>
      %parallel_loop3A_122 = arith.constant 17 : i32
      %parallel_loop3A_123 = arith.index_cast %parallel_loop3A_122 : i32 to index
      %parallel_loop3A_124 = arith.index_cast %parallel_loop3A_110 : i32 to index
      %parallel_loop3A_125 = tpu.vector_load %arg8[%parallel_loop3A_123, %parallel_loop3A_124] {strides = array<i32>} : memref<32x1024xf32, #tpu.memory_space<vmem>>, vector<1x16xf32>,
      %parallel_loop3A_126 = vector.shape_cast %parallel_loop3A_125 : vector<1x16xf32> to vector<16xf32>
      %parallel_loop3A_127 = vector.shape_cast %parallel_loop3A_121 : vector<16xf32> to vector<1x16xf32>
      tpu.vector_store %arg8[%parallel_loop3A_123, %parallel_loop3A_124], %parallel_loop3A_127 {strides = array<i32>} : memref<32x1024xf32, #tpu.memory_space<vmem>>, vector<1x16xf32>,
    } {sc.loop_unroll_factor = 8 : i64, sc.parallel_access}
    %parallel_loop3A_66 = arith.constant 0 : i32
    %parallel_loop3A_67 = arith.constant 64 : i32
    %parallel_loop3A_68 = arith.constant 1 : i32
    scf.for %parallel_loop3A_108 = %parallel_loop3A_66 to %parallel_loop3A_67 step %parallel_loop3A_68  : i32 {
      %parallel_loop3A_109 = arith.constant 16 : i32
      %parallel_loop3A_110 = arith.muli %parallel_loop3A_108, %parallel_loop3A_109 : i32
      %parallel_loop3A_111 = arith.constant 18 : i32
      %parallel_loop3A_112 = arith.index_cast %parallel_loop3A_111 : i32 to index
      %parallel_loop3A_113 = arith.index_cast %parallel_loop3A_110 : i32 to index
      %parallel_loop3A_114 = tpu.vector_load %arg8[%parallel_loop3A_112, %parallel_loop3A_113] {strides = array<i32>} : memref<32x1024xf32, #tpu.memory_space<vmem>>, vector<1x16xf32>,
      %parallel_loop3A_115 = vector.shape_cast %parallel_loop3A_114 : vector<1x16xf32> to vector<16xf32>
      %parallel_loop3A_116 = arith.constant 18 : i32
      %parallel_loop3A_117 = arith.index_cast %parallel_loop3A_116 : i32 to index
      %parallel_loop3A_118 = arith.index_cast %parallel_loop3A_110 : i32 to index
      %parallel_loop3A_119 = tpu.vector_load %arg9[%parallel_loop3A_117, %parallel_loop3A_118] {strides = array<i32>} : memref<32x1024xf32, #tpu.memory_space<vmem>>, vector<1x16xf32>,
      %parallel_loop3A_120 = vector.shape_cast %parallel_loop3A_119 : vector<1x16xf32> to vector<16xf32>
      %parallel_loop3A_121 = arith.addf %parallel_loop3A_115, %parallel_loop3A_120 : vector<16xf32>
      %parallel_loop3A_122 = arith.constant 18 : i32
      %parallel_loop3A_123 = arith.index_cast %parallel_loop3A_122 : i32 to index
      %parallel_loop3A_124 = arith.index_cast %parallel_loop3A_110 : i32 to index
      %parallel_loop3A_125 = tpu.vector_load %arg8[%parallel_loop3A_123, %parallel_loop3A_124] {strides = array<i32>} : memref<32x1024xf32, #tpu.memory_space<vmem>>, vector<1x16xf32>,
      %parallel_loop3A_126 = vector.shape_cast %parallel_loop3A_125 : vector<1x16xf32> to vector<16xf32>
      %parallel_loop3A_127 = vector.shape_cast %parallel_loop3A_121 : vector<16xf32> to vector<1x16xf32>
      tpu.vector_store %arg8[%parallel_loop3A_123, %parallel_loop3A_124], %parallel_loop3A_127 {strides = array<i32>} : memref<32x1024xf32, #tpu.memory_space<vmem>>, vector<1x16xf32>,
    } {sc.loop_unroll_factor = 8 : i64, sc.parallel_access}
    %parallel_loop3A_69 = arith.constant 0 : i32
    %parallel_loop3A_70 = arith.constant 64 : i32
    %parallel_loop3A_71 = arith.constant 1 : i32
    scf.for %parallel_loop3A_108 = %parallel_loop3A_69 to %parallel_loop3A_70 step %parallel_loop3A_71  : i32 {
      %parallel_loop3A_109 = arith.constant 16 : i32
      %parallel_loop3A_110 = arith.muli %parallel_loop3A_108, %parallel_loop3A_109 : i32
      %parallel_loop3A_111 = arith.constant 19 : i32
      %parallel_loop3A_112 = arith.index_cast %parallel_loop3A_111 : i32 to index
      %parallel_loop3A_113 = arith.index_cast %parallel_loop3A_110 : i32 to index
      %parallel_loop3A_114 = tpu.vector_load %arg8[%parallel_loop3A_112, %parallel_loop3A_113] {strides = array<i32>} : memref<32x1024xf32, #tpu.memory_space<vmem>>, vector<1x16xf32>,
      %parallel_loop3A_115 = vector.shape_cast %parallel_loop3A_114 : vector<1x16xf32> to vector<16xf32>
      %parallel_loop3A_116 = arith.constant 19 : i32
      %parallel_loop3A_117 = arith.index_cast %parallel_loop3A_116 : i32 to index
      %parallel_loop3A_118 = arith.index_cast %parallel_loop3A_110 : i32 to index
      %parallel_loop3A_119 = tpu.vector_load %arg9[%parallel_loop3A_117, %parallel_loop3A_118] {strides = array<i32>} : memref<32x1024xf32, #tpu.memory_space<vmem>>, vector<1x16xf32>,
      %parallel_loop3A_120 = vector.shape_cast %parallel_loop3A_119 : vector<1x16xf32> to vector<16xf32>
      %parallel_loop3A_121 = arith.addf %parallel_loop3A_115, %parallel_loop3A_120 : vector<16xf32>
      %parallel_loop3A_122 = arith.constant 19 : i32
      %parallel_loop3A_123 = arith.index_cast %parallel_loop3A_122 : i32 to index
      %parallel_loop3A_124 = arith.index_cast %parallel_loop3A_110 : i32 to index
      %parallel_loop3A_125 = tpu.vector_load %arg8[%parallel_loop3A_123, %parallel_loop3A_124] {strides = array<i32>} : memref<32x1024xf32, #tpu.memory_space<vmem>>, vector<1x16xf32>,
      %parallel_loop3A_126 = vector.shape_cast %parallel_loop3A_125 : vector<1x16xf32> to vector<16xf32>
      %parallel_loop3A_127 = vector.shape_cast %parallel_loop3A_121 : vector<16xf32> to vector<1x16xf32>
      tpu.vector_store %arg8[%parallel_loop3A_123, %parallel_loop3A_124], %parallel_loop3A_127 {strides = array<i32>} : memref<32x1024xf32, #tpu.memory_space<vmem>>, vector<1x16xf32>,
    } {sc.loop_unroll_factor = 8 : i64, sc.parallel_access}
    %parallel_loop3A_72 = arith.constant 0 : i32
    %parallel_loop3A_73 = arith.constant 64 : i32
    %parallel_loop3A_74 = arith.constant 1 : i32
    scf.for %parallel_loop3A_108 = %parallel_loop3A_72 to %parallel_loop3A_73 step %parallel_loop3A_74  : i32 {
      %parallel_loop3A_109 = arith.constant 16 : i32
      %parallel_loop3A_110 = arith.muli %parallel_loop3A_108, %parallel_loop3A_109 : i32
      %parallel_loop3A_111 = arith.constant 20 : i32
      %parallel_loop3A_112 = arith.index_cast %parallel_loop3A_111 : i32 to index
      %parallel_loop3A_113 = arith.index_cast %parallel_loop3A_110 : i32 to index
      %parallel_loop3A_114 = tpu.vector_load %arg8[%parallel_loop3A_112, %parallel_loop3A_113] {strides = array<i32>} : memref<32x1024xf32, #tpu.memory_space<vmem>>, vector<1x16xf32>,
      %parallel_loop3A_115 = vector.shape_cast %parallel_loop3A_114 : vector<1x16xf32> to vector<16xf32>
      %parallel_loop3A_116 = arith.constant 20 : i32
      %parallel_loop3A_117 = arith.index_cast %parallel_loop3A_116 : i32 to index
      %parallel_loop3A_118 = arith.index_cast %parallel_loop3A_110 : i32 to index
      %parallel_loop3A_119 = tpu.vector_load %arg9[%parallel_loop3A_117, %parallel_loop3A_118] {strides = array<i32>} : memref<32x1024xf32, #tpu.memory_space<vmem>>, vector<1x16xf32>,
      %parallel_loop3A_120 = vector.shape_cast %parallel_loop3A_119 : vector<1x16xf32> to vector<16xf32>
      %parallel_loop3A_121 = arith.addf %parallel_loop3A_115, %parallel_loop3A_120 : vector<16xf32>
      %parallel_loop3A_122 = arith.constant 20 : i32
      %parallel_loop3A_123 = arith.index_cast %parallel_loop3A_122 : i32 to index
      %parallel_loop3A_124 = arith.index_cast %parallel_loop3A_110 : i32 to index
      %parallel_loop3A_125 = tpu.vector_load %arg8[%parallel_loop3A_123, %parallel_loop3A_124] {strides = array<i32>} : memref<32x1024xf32, #tpu.memory_space<vmem>>, vector<1x16xf32>,
      %parallel_loop3A_126 = vector.shape_cast %parallel_loop3A_125 : vector<1x16xf32> to vector<16xf32>
      %parallel_loop3A_127 = vector.shape_cast %parallel_loop3A_121 : vector<16xf32> to vector<1x16xf32>
      tpu.vector_store %arg8[%parallel_loop3A_123, %parallel_loop3A_124], %parallel_loop3A_127 {strides = array<i32>} : memref<32x1024xf32, #tpu.memory_space<vmem>>, vector<1x16xf32>,
    } {sc.loop_unroll_factor = 8 : i64, sc.parallel_access}
    %parallel_loop3A_75 = arith.constant 0 : i32
    %parallel_loop3A_76 = arith.constant 64 : i32
    %parallel_loop3A_77 = arith.constant 1 : i32
    scf.for %parallel_loop3A_108 = %parallel_loop3A_75 to %parallel_loop3A_76 step %parallel_loop3A_77  : i32 {
      %parallel_loop3A_109 = arith.constant 16 : i32
      %parallel_loop3A_110 = arith.muli %parallel_loop3A_108, %parallel_loop3A_109 : i32
      %parallel_loop3A_111 = arith.constant 21 : i32
      %parallel_loop3A_112 = arith.index_cast %parallel_loop3A_111 : i32 to index
      %parallel_loop3A_113 = arith.index_cast %parallel_loop3A_110 : i32 to index
      %parallel_loop3A_114 = tpu.vector_load %arg8[%parallel_loop3A_112, %parallel_loop3A_113] {strides = array<i32>} : memref<32x1024xf32, #tpu.memory_space<vmem>>, vector<1x16xf32>,
      %parallel_loop3A_115 = vector.shape_cast %parallel_loop3A_114 : vector<1x16xf32> to vector<16xf32>
      %parallel_loop3A_116 = arith.constant 21 : i32
      %parallel_loop3A_117 = arith.index_cast %parallel_loop3A_116 : i32 to index
      %parallel_loop3A_118 = arith.index_cast %parallel_loop3A_110 : i32 to index
      %parallel_loop3A_119 = tpu.vector_load %arg9[%parallel_loop3A_117, %parallel_loop3A_118] {strides = array<i32>} : memref<32x1024xf32, #tpu.memory_space<vmem>>, vector<1x16xf32>,
      %parallel_loop3A_120 = vector.shape_cast %parallel_loop3A_119 : vector<1x16xf32> to vector<16xf32>
      %parallel_loop3A_121 = arith.addf %parallel_loop3A_115, %parallel_loop3A_120 : vector<16xf32>
      %parallel_loop3A_122 = arith.constant 21 : i32
      %parallel_loop3A_123 = arith.index_cast %parallel_loop3A_122 : i32 to index
      %parallel_loop3A_124 = arith.index_cast %parallel_loop3A_110 : i32 to index
      %parallel_loop3A_125 = tpu.vector_load %arg8[%parallel_loop3A_123, %parallel_loop3A_124] {strides = array<i32>} : memref<32x1024xf32, #tpu.memory_space<vmem>>, vector<1x16xf32>,
      %parallel_loop3A_126 = vector.shape_cast %parallel_loop3A_125 : vector<1x16xf32> to vector<16xf32>
      %parallel_loop3A_127 = vector.shape_cast %parallel_loop3A_121 : vector<16xf32> to vector<1x16xf32>
      tpu.vector_store %arg8[%parallel_loop3A_123, %parallel_loop3A_124], %parallel_loop3A_127 {strides = array<i32>} : memref<32x1024xf32, #tpu.memory_space<vmem>>, vector<1x16xf32>,
    } {sc.loop_unroll_factor = 8 : i64, sc.parallel_access}
    %parallel_loop3A_78 = arith.constant 0 : i32
    %parallel_loop3A_79 = arith.constant 64 : i32
    %parallel_loop3A_80 = arith.constant 1 : i32
    scf.for %parallel_loop3A_108 = %parallel_loop3A_78 to %parallel_loop3A_79 step %parallel_loop3A_80  : i32 {
      %parallel_loop3A_109 = arith.constant 16 : i32
      %parallel_loop3A_110 = arith.muli %parallel_loop3A_108, %parallel_loop3A_109 : i32
      %parallel_loop3A_111 = arith.constant 22 : i32
      %parallel_loop3A_112 = arith.index_cast %parallel_loop3A_111 : i32 to index
      %parallel_loop3A_113 = arith.index_cast %parallel_loop3A_110 : i32 to index
      %parallel_loop3A_114 = tpu.vector_load %arg8[%parallel_loop3A_112, %parallel_loop3A_113] {strides = array<i32>} : memref<32x1024xf32, #tpu.memory_space<vmem>>, vector<1x16xf32>,
      %parallel_loop3A_115 = vector.shape_cast %parallel_loop3A_114 : vector<1x16xf32> to vector<16xf32>
      %parallel_loop3A_116 = arith.constant 22 : i32
      %parallel_loop3A_117 = arith.index_cast %parallel_loop3A_116 : i32 to index
      %parallel_loop3A_118 = arith.index_cast %parallel_loop3A_110 : i32 to index
      %parallel_loop3A_119 = tpu.vector_load %arg9[%parallel_loop3A_117, %parallel_loop3A_118] {strides = array<i32>} : memref<32x1024xf32, #tpu.memory_space<vmem>>, vector<1x16xf32>,
      %parallel_loop3A_120 = vector.shape_cast %parallel_loop3A_119 : vector<1x16xf32> to vector<16xf32>
      %parallel_loop3A_121 = arith.addf %parallel_loop3A_115, %parallel_loop3A_120 : vector<16xf32>
      %parallel_loop3A_122 = arith.constant 22 : i32
      %parallel_loop3A_123 = arith.index_cast %parallel_loop3A_122 : i32 to index
      %parallel_loop3A_124 = arith.index_cast %parallel_loop3A_110 : i32 to index
      %parallel_loop3A_125 = tpu.vector_load %arg8[%parallel_loop3A_123, %parallel_loop3A_124] {strides = array<i32>} : memref<32x1024xf32, #tpu.memory_space<vmem>>, vector<1x16xf32>,
      %parallel_loop3A_126 = vector.shape_cast %parallel_loop3A_125 : vector<1x16xf32> to vector<16xf32>
      %parallel_loop3A_127 = vector.shape_cast %parallel_loop3A_121 : vector<16xf32> to vector<1x16xf32>
      tpu.vector_store %arg8[%parallel_loop3A_123, %parallel_loop3A_124], %parallel_loop3A_127 {strides = array<i32>} : memref<32x1024xf32, #tpu.memory_space<vmem>>, vector<1x16xf32>,
    } {sc.loop_unroll_factor = 8 : i64, sc.parallel_access}
    %parallel_loop3A_81 = arith.constant 0 : i32
    %parallel_loop3A_82 = arith.constant 64 : i32
    %parallel_loop3A_83 = arith.constant 1 : i32
    scf.for %parallel_loop3A_108 = %parallel_loop3A_81 to %parallel_loop3A_82 step %parallel_loop3A_83  : i32 {
      %parallel_loop3A_109 = arith.constant 16 : i32
      %parallel_loop3A_110 = arith.muli %parallel_loop3A_108, %parallel_loop3A_109 : i32
      %parallel_loop3A_111 = arith.constant 23 : i32
      %parallel_loop3A_112 = arith.index_cast %parallel_loop3A_111 : i32 to index
      %parallel_loop3A_113 = arith.index_cast %parallel_loop3A_110 : i32 to index
      %parallel_loop3A_114 = tpu.vector_load %arg8[%parallel_loop3A_112, %parallel_loop3A_113] {strides = array<i32>} : memref<32x1024xf32, #tpu.memory_space<vmem>>, vector<1x16xf32>,
      %parallel_loop3A_115 = vector.shape_cast %parallel_loop3A_114 : vector<1x16xf32> to vector<16xf32>
      %parallel_loop3A_116 = arith.constant 23 : i32
      %parallel_loop3A_117 = arith.index_cast %parallel_loop3A_116 : i32 to index
      %parallel_loop3A_118 = arith.index_cast %parallel_loop3A_110 : i32 to index
      %parallel_loop3A_119 = tpu.vector_load %arg9[%parallel_loop3A_117, %parallel_loop3A_118] {strides = array<i32>} : memref<32x1024xf32, #tpu.memory_space<vmem>>, vector<1x16xf32>,
      %parallel_loop3A_120 = vector.shape_cast %parallel_loop3A_119 : vector<1x16xf32> to vector<16xf32>
      %parallel_loop3A_121 = arith.addf %parallel_loop3A_115, %parallel_loop3A_120 : vector<16xf32>
      %parallel_loop3A_122 = arith.constant 23 : i32
      %parallel_loop3A_123 = arith.index_cast %parallel_loop3A_122 : i32 to index
      %parallel_loop3A_124 = arith.index_cast %parallel_loop3A_110 : i32 to index
      %parallel_loop3A_125 = tpu.vector_load %arg8[%parallel_loop3A_123, %parallel_loop3A_124] {strides = array<i32>} : memref<32x1024xf32, #tpu.memory_space<vmem>>, vector<1x16xf32>,
      %parallel_loop3A_126 = vector.shape_cast %parallel_loop3A_125 : vector<1x16xf32> to vector<16xf32>
      %parallel_loop3A_127 = vector.shape_cast %parallel_loop3A_121 : vector<16xf32> to vector<1x16xf32>
      tpu.vector_store %arg8[%parallel_loop3A_123, %parallel_loop3A_124], %parallel_loop3A_127 {strides = array<i32>} : memref<32x1024xf32, #tpu.memory_space<vmem>>, vector<1x16xf32>,
    } {sc.loop_unroll_factor = 8 : i64, sc.parallel_access}
    %parallel_loop3A_84 = arith.constant 0 : i32
    %parallel_loop3A_85 = arith.constant 64 : i32
    %parallel_loop3A_86 = arith.constant 1 : i32
    scf.for %parallel_loop3A_108 = %parallel_loop3A_84 to %parallel_loop3A_85 step %parallel_loop3A_86  : i32 {
      %parallel_loop3A_109 = arith.constant 16 : i32
      %parallel_loop3A_110 = arith.muli %parallel_loop3A_108, %parallel_loop3A_109 : i32
      %parallel_loop3A_111 = arith.constant 24 : i32
      %parallel_loop3A_112 = arith.index_cast %parallel_loop3A_111 : i32 to index
      %parallel_loop3A_113 = arith.index_cast %parallel_loop3A_110 : i32 to index
      %parallel_loop3A_114 = tpu.vector_load %arg8[%parallel_loop3A_112, %parallel_loop3A_113] {strides = array<i32>} : memref<32x1024xf32, #tpu.memory_space<vmem>>, vector<1x16xf32>,
      %parallel_loop3A_115 = vector.shape_cast %parallel_loop3A_114 : vector<1x16xf32> to vector<16xf32>
      %parallel_loop3A_116 = arith.constant 24 : i32
      %parallel_loop3A_117 = arith.index_cast %parallel_loop3A_116 : i32 to index
      %parallel_loop3A_118 = arith.index_cast %parallel_loop3A_110 : i32 to index
      %parallel_loop3A_119 = tpu.vector_load %arg9[%parallel_loop3A_117, %parallel_loop3A_118] {strides = array<i32>} : memref<32x1024xf32, #tpu.memory_space<vmem>>, vector<1x16xf32>,
      %parallel_loop3A_120 = vector.shape_cast %parallel_loop3A_119 : vector<1x16xf32> to vector<16xf32>
      %parallel_loop3A_121 = arith.addf %parallel_loop3A_115, %parallel_loop3A_120 : vector<16xf32>
      %parallel_loop3A_122 = arith.constant 24 : i32
      %parallel_loop3A_123 = arith.index_cast %parallel_loop3A_122 : i32 to index
      %parallel_loop3A_124 = arith.index_cast %parallel_loop3A_110 : i32 to index
      %parallel_loop3A_125 = tpu.vector_load %arg8[%parallel_loop3A_123, %parallel_loop3A_124] {strides = array<i32>} : memref<32x1024xf32, #tpu.memory_space<vmem>>, vector<1x16xf32>,
      %parallel_loop3A_126 = vector.shape_cast %parallel_loop3A_125 : vector<1x16xf32> to vector<16xf32>
      %parallel_loop3A_127 = vector.shape_cast %parallel_loop3A_121 : vector<16xf32> to vector<1x16xf32>
      tpu.vector_store %arg8[%parallel_loop3A_123, %parallel_loop3A_124], %parallel_loop3A_127 {strides = array<i32>} : memref<32x1024xf32, #tpu.memory_space<vmem>>, vector<1x16xf32>,
    } {sc.loop_unroll_factor = 8 : i64, sc.parallel_access}
    %parallel_loop3A_87 = arith.constant 0 : i32
    %parallel_loop3A_88 = arith.constant 64 : i32
    %parallel_loop3A_89 = arith.constant 1 : i32
    scf.for %parallel_loop3A_108 = %parallel_loop3A_87 to %parallel_loop3A_88 step %parallel_loop3A_89  : i32 {
      %parallel_loop3A_109 = arith.constant 16 : i32
      %parallel_loop3A_110 = arith.muli %parallel_loop3A_108, %parallel_loop3A_109 : i32
      %parallel_loop3A_111 = arith.constant 25 : i32
      %parallel_loop3A_112 = arith.index_cast %parallel_loop3A_111 : i32 to index
      %parallel_loop3A_113 = arith.index_cast %parallel_loop3A_110 : i32 to index
      %parallel_loop3A_114 = tpu.vector_load %arg8[%parallel_loop3A_112, %parallel_loop3A_113] {strides = array<i32>} : memref<32x1024xf32, #tpu.memory_space<vmem>>, vector<1x16xf32>,
      %parallel_loop3A_115 = vector.shape_cast %parallel_loop3A_114 : vector<1x16xf32> to vector<16xf32>
      %parallel_loop3A_116 = arith.constant 25 : i32
      %parallel_loop3A_117 = arith.index_cast %parallel_loop3A_116 : i32 to index
      %parallel_loop3A_118 = arith.index_cast %parallel_loop3A_110 : i32 to index
      %parallel_loop3A_119 = tpu.vector_load %arg9[%parallel_loop3A_117, %parallel_loop3A_118] {strides = array<i32>} : memref<32x1024xf32, #tpu.memory_space<vmem>>, vector<1x16xf32>,
      %parallel_loop3A_120 = vector.shape_cast %parallel_loop3A_119 : vector<1x16xf32> to vector<16xf32>
      %parallel_loop3A_121 = arith.addf %parallel_loop3A_115, %parallel_loop3A_120 : vector<16xf32>
      %parallel_loop3A_122 = arith.constant 25 : i32
      %parallel_loop3A_123 = arith.index_cast %parallel_loop3A_122 : i32 to index
      %parallel_loop3A_124 = arith.index_cast %parallel_loop3A_110 : i32 to index
      %parallel_loop3A_125 = tpu.vector_load %arg8[%parallel_loop3A_123, %parallel_loop3A_124] {strides = array<i32>} : memref<32x1024xf32, #tpu.memory_space<vmem>>, vector<1x16xf32>,
      %parallel_loop3A_126 = vector.shape_cast %parallel_loop3A_125 : vector<1x16xf32> to vector<16xf32>
      %parallel_loop3A_127 = vector.shape_cast %parallel_loop3A_121 : vector<16xf32> to vector<1x16xf32>
      tpu.vector_store %arg8[%parallel_loop3A_123, %parallel_loop3A_124], %parallel_loop3A_127 {strides = array<i32>} : memref<32x1024xf32, #tpu.memory_space<vmem>>, vector<1x16xf32>,
    } {sc.loop_unroll_factor = 8 : i64, sc.parallel_access}
    %parallel_loop3A_90 = arith.constant 0 : i32
    %parallel_loop3A_91 = arith.constant 64 : i32
    %parallel_loop3A_92 = arith.constant 1 : i32
    scf.for %parallel_loop3A_108 = %parallel_loop3A_90 to %parallel_loop3A_91 step %parallel_loop3A_92  : i32 {
      %parallel_loop3A_109 = arith.constant 16 : i32
      %parallel_loop3A_110 = arith.muli %parallel_loop3A_108, %parallel_loop3A_109 : i32
      %parallel_loop3A_111 = arith.constant 26 : i32
      %parallel_loop3A_112 = arith.index_cast %parallel_loop3A_111 : i32 to index
      %parallel_loop3A_113 = arith.index_cast %parallel_loop3A_110 : i32 to index
      %parallel_loop3A_114 = tpu.vector_load %arg8[%parallel_loop3A_112, %parallel_loop3A_113] {strides = array<i32>} : memref<32x1024xf32, #tpu.memory_space<vmem>>, vector<1x16xf32>,
      %parallel_loop3A_115 = vector.shape_cast %parallel_loop3A_114 : vector<1x16xf32> to vector<16xf32>
      %parallel_loop3A_116 = arith.constant 26 : i32
      %parallel_loop3A_117 = arith.index_cast %parallel_loop3A_116 : i32 to index
      %parallel_loop3A_118 = arith.index_cast %parallel_loop3A_110 : i32 to index
      %parallel_loop3A_119 = tpu.vector_load %arg9[%parallel_loop3A_117, %parallel_loop3A_118] {strides = array<i32>} : memref<32x1024xf32, #tpu.memory_space<vmem>>, vector<1x16xf32>,
      %parallel_loop3A_120 = vector.shape_cast %parallel_loop3A_119 : vector<1x16xf32> to vector<16xf32>
      %parallel_loop3A_121 = arith.addf %parallel_loop3A_115, %parallel_loop3A_120 : vector<16xf32>
      %parallel_loop3A_122 = arith.constant 26 : i32
      %parallel_loop3A_123 = arith.index_cast %parallel_loop3A_122 : i32 to index
      %parallel_loop3A_124 = arith.index_cast %parallel_loop3A_110 : i32 to index
      %parallel_loop3A_125 = tpu.vector_load %arg8[%parallel_loop3A_123, %parallel_loop3A_124] {strides = array<i32>} : memref<32x1024xf32, #tpu.memory_space<vmem>>, vector<1x16xf32>,
      %parallel_loop3A_126 = vector.shape_cast %parallel_loop3A_125 : vector<1x16xf32> to vector<16xf32>
      %parallel_loop3A_127 = vector.shape_cast %parallel_loop3A_121 : vector<16xf32> to vector<1x16xf32>
      tpu.vector_store %arg8[%parallel_loop3A_123, %parallel_loop3A_124], %parallel_loop3A_127 {strides = array<i32>} : memref<32x1024xf32, #tpu.memory_space<vmem>>, vector<1x16xf32>,
    } {sc.loop_unroll_factor = 8 : i64, sc.parallel_access}
    %parallel_loop3A_93 = arith.constant 0 : i32
    %parallel_loop3A_94 = arith.constant 64 : i32
    %parallel_loop3A_95 = arith.constant 1 : i32
    scf.for %parallel_loop3A_108 = %parallel_loop3A_93 to %parallel_loop3A_94 step %parallel_loop3A_95  : i32 {
      %parallel_loop3A_109 = arith.constant 16 : i32
      %parallel_loop3A_110 = arith.muli %parallel_loop3A_108, %parallel_loop3A_109 : i32
      %parallel_loop3A_111 = arith.constant 27 : i32
      %parallel_loop3A_112 = arith.index_cast %parallel_loop3A_111 : i32 to index
      %parallel_loop3A_113 = arith.index_cast %parallel_loop3A_110 : i32 to index
      %parallel_loop3A_114 = tpu.vector_load %arg8[%parallel_loop3A_112, %parallel_loop3A_113] {strides = array<i32>} : memref<32x1024xf32, #tpu.memory_space<vmem>>, vector<1x16xf32>,
      %parallel_loop3A_115 = vector.shape_cast %parallel_loop3A_114 : vector<1x16xf32> to vector<16xf32>
      %parallel_loop3A_116 = arith.constant 27 : i32
      %parallel_loop3A_117 = arith.index_cast %parallel_loop3A_116 : i32 to index
      %parallel_loop3A_118 = arith.index_cast %parallel_loop3A_110 : i32 to index
      %parallel_loop3A_119 = tpu.vector_load %arg9[%parallel_loop3A_117, %parallel_loop3A_118] {strides = array<i32>} : memref<32x1024xf32, #tpu.memory_space<vmem>>, vector<1x16xf32>,
      %parallel_loop3A_120 = vector.shape_cast %parallel_loop3A_119 : vector<1x16xf32> to vector<16xf32>
      %parallel_loop3A_121 = arith.addf %parallel_loop3A_115, %parallel_loop3A_120 : vector<16xf32>
      %parallel_loop3A_122 = arith.constant 27 : i32
      %parallel_loop3A_123 = arith.index_cast %parallel_loop3A_122 : i32 to index
      %parallel_loop3A_124 = arith.index_cast %parallel_loop3A_110 : i32 to index
      %parallel_loop3A_125 = tpu.vector_load %arg8[%parallel_loop3A_123, %parallel_loop3A_124] {strides = array<i32>} : memref<32x1024xf32, #tpu.memory_space<vmem>>, vector<1x16xf32>,
      %parallel_loop3A_126 = vector.shape_cast %parallel_loop3A_125 : vector<1x16xf32> to vector<16xf32>
      %parallel_loop3A_127 = vector.shape_cast %parallel_loop3A_121 : vector<16xf32> to vector<1x16xf32>
      tpu.vector_store %arg8[%parallel_loop3A_123, %parallel_loop3A_124], %parallel_loop3A_127 {strides = array<i32>} : memref<32x1024xf32, #tpu.memory_space<vmem>>, vector<1x16xf32>,
    } {sc.loop_unroll_factor = 8 : i64, sc.parallel_access}
    %parallel_loop3A_96 = arith.constant 0 : i32
    %parallel_loop3A_97 = arith.constant 64 : i32
    %parallel_loop3A_98 = arith.constant 1 : i32
    scf.for %parallel_loop3A_108 = %parallel_loop3A_96 to %parallel_loop3A_97 step %parallel_loop3A_98  : i32 {
      %parallel_loop3A_109 = arith.constant 16 : i32
      %parallel_loop3A_110 = arith.muli %parallel_loop3A_108, %parallel_loop3A_109 : i32
      %parallel_loop3A_111 = arith.constant 28 : i32
      %parallel_loop3A_112 = arith.index_cast %parallel_loop3A_111 : i32 to index
      %parallel_loop3A_113 = arith.index_cast %parallel_loop3A_110 : i32 to index
      %parallel_loop3A_114 = tpu.vector_load %arg8[%parallel_loop3A_112, %parallel_loop3A_113] {strides = array<i32>} : memref<32x1024xf32, #tpu.memory_space<vmem>>, vector<1x16xf32>,
      %parallel_loop3A_115 = vector.shape_cast %parallel_loop3A_114 : vector<1x16xf32> to vector<16xf32>
      %parallel_loop3A_116 = arith.constant 28 : i32
      %parallel_loop3A_117 = arith.index_cast %parallel_loop3A_116 : i32 to index
      %parallel_loop3A_118 = arith.index_cast %parallel_loop3A_110 : i32 to index
      %parallel_loop3A_119 = tpu.vector_load %arg9[%parallel_loop3A_117, %parallel_loop3A_118] {strides = array<i32>} : memref<32x1024xf32, #tpu.memory_space<vmem>>, vector<1x16xf32>,
      %parallel_loop3A_120 = vector.shape_cast %parallel_loop3A_119 : vector<1x16xf32> to vector<16xf32>
      %parallel_loop3A_121 = arith.addf %parallel_loop3A_115, %parallel_loop3A_120 : vector<16xf32>
      %parallel_loop3A_122 = arith.constant 28 : i32
      %parallel_loop3A_123 = arith.index_cast %parallel_loop3A_122 : i32 to index
      %parallel_loop3A_124 = arith.index_cast %parallel_loop3A_110 : i32 to index
      %parallel_loop3A_125 = tpu.vector_load %arg8[%parallel_loop3A_123, %parallel_loop3A_124] {strides = array<i32>} : memref<32x1024xf32, #tpu.memory_space<vmem>>, vector<1x16xf32>,
      %parallel_loop3A_126 = vector.shape_cast %parallel_loop3A_125 : vector<1x16xf32> to vector<16xf32>
      %parallel_loop3A_127 = vector.shape_cast %parallel_loop3A_121 : vector<16xf32> to vector<1x16xf32>
      tpu.vector_store %arg8[%parallel_loop3A_123, %parallel_loop3A_124], %parallel_loop3A_127 {strides = array<i32>} : memref<32x1024xf32, #tpu.memory_space<vmem>>, vector<1x16xf32>,
    } {sc.loop_unroll_factor = 8 : i64, sc.parallel_access}
    %parallel_loop3A_99 = arith.constant 0 : i32
    %parallel_loop3A_100 = arith.constant 64 : i32
    %parallel_loop3A_101 = arith.constant 1 : i32
    scf.for %parallel_loop3A_108 = %parallel_loop3A_99 to %parallel_loop3A_100 step %parallel_loop3A_101  : i32 {
      %parallel_loop3A_109 = arith.constant 16 : i32
      %parallel_loop3A_110 = arith.muli %parallel_loop3A_108, %parallel_loop3A_109 : i32
      %parallel_loop3A_111 = arith.constant 29 : i32
      %parallel_loop3A_112 = arith.index_cast %parallel_loop3A_111 : i32 to index
      %parallel_loop3A_113 = arith.index_cast %parallel_loop3A_110 : i32 to index
      %parallel_loop3A_114 = tpu.vector_load %arg8[%parallel_loop3A_112, %parallel_loop3A_113] {strides = array<i32>} : memref<32x1024xf32, #tpu.memory_space<vmem>>, vector<1x16xf32>,
      %parallel_loop3A_115 = vector.shape_cast %parallel_loop3A_114 : vector<1x16xf32> to vector<16xf32>
      %parallel_loop3A_116 = arith.constant 29 : i32
      %parallel_loop3A_117 = arith.index_cast %parallel_loop3A_116 : i32 to index
      %parallel_loop3A_118 = arith.index_cast %parallel_loop3A_110 : i32 to index
      %parallel_loop3A_119 = tpu.vector_load %arg9[%parallel_loop3A_117, %parallel_loop3A_118] {strides = array<i32>} : memref<32x1024xf32, #tpu.memory_space<vmem>>, vector<1x16xf32>,
      %parallel_loop3A_120 = vector.shape_cast %parallel_loop3A_119 : vector<1x16xf32> to vector<16xf32>
      %parallel_loop3A_121 = arith.addf %parallel_loop3A_115, %parallel_loop3A_120 : vector<16xf32>
      %parallel_loop3A_122 = arith.constant 29 : i32
      %parallel_loop3A_123 = arith.index_cast %parallel_loop3A_122 : i32 to index
      %parallel_loop3A_124 = arith.index_cast %parallel_loop3A_110 : i32 to index
      %parallel_loop3A_125 = tpu.vector_load %arg8[%parallel_loop3A_123, %parallel_loop3A_124] {strides = array<i32>} : memref<32x1024xf32, #tpu.memory_space<vmem>>, vector<1x16xf32>,
      %parallel_loop3A_126 = vector.shape_cast %parallel_loop3A_125 : vector<1x16xf32> to vector<16xf32>
      %parallel_loop3A_127 = vector.shape_cast %parallel_loop3A_121 : vector<16xf32> to vector<1x16xf32>
      tpu.vector_store %arg8[%parallel_loop3A_123, %parallel_loop3A_124], %parallel_loop3A_127 {strides = array<i32>} : memref<32x1024xf32, #tpu.memory_space<vmem>>, vector<1x16xf32>,
    } {sc.loop_unroll_factor = 8 : i64, sc.parallel_access}
    %parallel_loop3A_102 = arith.constant 0 : i32
    %parallel_loop3A_103 = arith.constant 64 : i32
    %parallel_loop3A_104 = arith.constant 1 : i32
    scf.for %parallel_loop3A_108 = %parallel_loop3A_102 to %parallel_loop3A_103 step %parallel_loop3A_104  : i32 {
      %parallel_loop3A_109 = arith.constant 16 : i32
      %parallel_loop3A_110 = arith.muli %parallel_loop3A_108, %parallel_loop3A_109 : i32
      %parallel_loop3A_111 = arith.constant 30 : i32
      %parallel_loop3A_112 = arith.index_cast %parallel_loop3A_111 : i32 to index
      %parallel_loop3A_113 = arith.index_cast %parallel_loop3A_110 : i32 to index
      %parallel_loop3A_114 = tpu.vector_load %arg8[%parallel_loop3A_112, %parallel_loop3A_113] {strides = array<i32>} : memref<32x1024xf32, #tpu.memory_space<vmem>>, vector<1x16xf32>,
      %parallel_loop3A_115 = vector.shape_cast %parallel_loop3A_114 : vector<1x16xf32> to vector<16xf32>
      %parallel_loop3A_116 = arith.constant 30 : i32
      %parallel_loop3A_117 = arith.index_cast %parallel_loop3A_116 : i32 to index
      %parallel_loop3A_118 = arith.index_cast %parallel_loop3A_110 : i32 to index
      %parallel_loop3A_119 = tpu.vector_load %arg9[%parallel_loop3A_117, %parallel_loop3A_118] {strides = array<i32>} : memref<32x1024xf32, #tpu.memory_space<vmem>>, vector<1x16xf32>,
      %parallel_loop3A_120 = vector.shape_cast %parallel_loop3A_119 : vector<1x16xf32> to vector<16xf32>
      %parallel_loop3A_121 = arith.addf %parallel_loop3A_115, %parallel_loop3A_120 : vector<16xf32>
      %parallel_loop3A_122 = arith.constant 30 : i32
      %parallel_loop3A_123 = arith.index_cast %parallel_loop3A_122 : i32 to index
      %parallel_loop3A_124 = arith.index_cast %parallel_loop3A_110 : i32 to index
      %parallel_loop3A_125 = tpu.vector_load %arg8[%parallel_loop3A_123, %parallel_loop3A_124] {strides = array<i32>} : memref<32x1024xf32, #tpu.memory_space<vmem>>, vector<1x16xf32>,
      %parallel_loop3A_126 = vector.shape_cast %parallel_loop3A_125 : vector<1x16xf32> to vector<16xf32>
      %parallel_loop3A_127 = vector.shape_cast %parallel_loop3A_121 : vector<16xf32> to vector<1x16xf32>
      tpu.vector_store %arg8[%parallel_loop3A_123, %parallel_loop3A_124], %parallel_loop3A_127 {strides = array<i32>} : memref<32x1024xf32, #tpu.memory_space<vmem>>, vector<1x16xf32>,
    } {sc.loop_unroll_factor = 8 : i64, sc.parallel_access}
    %parallel_loop3A_105 = arith.constant 0 : i32
    %parallel_loop3A_106 = arith.constant 64 : i32
    %parallel_loop3A_107 = arith.constant 1 : i32
    scf.for %parallel_loop3A_108 = %parallel_loop3A_105 to %parallel_loop3A_106 step %parallel_loop3A_107  : i32 {
      %parallel_loop3A_109 = arith.constant 16 : i32
      %parallel_loop3A_110 = arith.muli %parallel_loop3A_108, %parallel_loop3A_109 : i32
      %parallel_loop3A_111 = arith.constant 31 : i32
      %parallel_loop3A_112 = arith.index_cast %parallel_loop3A_111 : i32 to index
      %parallel_loop3A_113 = arith.index_cast %parallel_loop3A_110 : i32 to index
      %parallel_loop3A_114 = tpu.vector_load %arg8[%parallel_loop3A_112, %parallel_loop3A_113] {strides = array<i32>} : memref<32x1024xf32, #tpu.memory_space<vmem>>, vector<1x16xf32>,
      %parallel_loop3A_115 = vector.shape_cast %parallel_loop3A_114 : vector<1x16xf32> to vector<16xf32>
      %parallel_loop3A_116 = arith.constant 31 : i32
      %parallel_loop3A_117 = arith.index_cast %parallel_loop3A_116 : i32 to index
      %parallel_loop3A_118 = arith.index_cast %parallel_loop3A_110 : i32 to index
      %parallel_loop3A_119 = tpu.vector_load %arg9[%parallel_loop3A_117, %parallel_loop3A_118] {strides = array<i32>} : memref<32x1024xf32, #tpu.memory_space<vmem>>, vector<1x16xf32>,
      %parallel_loop3A_120 = vector.shape_cast %parallel_loop3A_119 : vector<1x16xf32> to vector<16xf32>
      %parallel_loop3A_121 = arith.addf %parallel_loop3A_115, %parallel_loop3A_120 : vector<16xf32>
      %parallel_loop3A_122 = arith.constant 31 : i32
      %parallel_loop3A_123 = arith.index_cast %parallel_loop3A_122 : i32 to index
      %parallel_loop3A_124 = arith.index_cast %parallel_loop3A_110 : i32 to index
      %parallel_loop3A_125 = tpu.vector_load %arg8[%parallel_loop3A_123, %parallel_loop3A_124] {strides = array<i32>} : memref<32x1024xf32, #tpu.memory_space<vmem>>, vector<1x16xf32>,
      %parallel_loop3A_126 = vector.shape_cast %parallel_loop3A_125 : vector<1x16xf32> to vector<16xf32>
      %parallel_loop3A_127 = vector.shape_cast %parallel_loop3A_121 : vector<16xf32> to vector<1x16xf32>
      tpu.vector_store %arg8[%parallel_loop3A_123, %parallel_loop3A_124], %parallel_loop3A_127 {strides = array<i32>} : memref<32x1024xf32, #tpu.memory_space<vmem>>, vector<1x16xf32>,
    } {sc.loop_unroll_factor = 8 : i64, sc.parallel_access}
    "tpu.region"() ({
      %run_scoped3A = tpu.sem_alloc : memref<!tpu.dma_semaphore, #tpu.memory_space<semaphore_mem>>
      %dma_start3A_108 = arith.constant 0 : i32
      %dma_start3A_109 = tpu.memref_slice %arg5[%mul3A_2, %dma_start3A_108] : memref<1024x1024xf32, #tpu.memory_space<hbm>> -> memref<32x1024xf32, #tpu.memory_space<hbm>>
      %dma_start3A_110 = arith.constant 0 : i32
      %dma_start3A_111 = tpu.memref_slice %arg5[%mul3A_2, %dma_start3A_110] : memref<1024x1024xf32, #tpu.memory_space<hbm>> -> memref<32x1024xf32, #tpu.memory_space<hbm>>
      tpu.enqueue_dma source(%arg8 : memref<32x1024xf32, #tpu.memory_space<vmem>>) target(%dma_start3A_111 : memref<32x1024xf32, #tpu.memory_space<hbm>>) target_semaphore(%run_scoped3A : memref<!tpu.dma_semaphore, #tpu.memory_space<semaphore_mem>>)
      %dma_wait3A_112 = arith.constant 0 : i32
      %dma_wait3A_113 = tpu.memref_slice %arg5[%mul3A_2, %dma_wait3A_112] : memref<1024x1024xf32, #tpu.memory_space<hbm>> -> memref<32x1024xf32, #tpu.memory_space<hbm>>
      %dma_wait3A_114 = arith.constant 0 : i32
      %dma_wait3A_115 = tpu.memref_slice %arg5[%mul3A_2, %dma_wait3A_114] : memref<1024x1024xf32, #tpu.memory_space<hbm>> -> memref<32x1024xf32, #tpu.memory_space<hbm>>
      tpu.wait_dma2 semaphore(%run_scoped3A : memref<!tpu.dma_semaphore, #tpu.memory_space<semaphore_mem>>) src(%arg8 : memref<32x1024xf32, #tpu.memory_space<vmem>>) dst(%dma_wait3A_115 : memref<32x1024xf32, #tpu.memory_space<hbm>>)
      tpu.yield
    }) : () -> ()
    return
  }
}

module attributes {stable_mosaic.version = 14 : i64} {
  func.func @_blocks_body(%arg0: i32, %arg1: memref<24x1xi32, #tpu.memory_space<smem>>, %arg2: memref<1x1xi32, #tpu.memory_space<smem>>, %arg3: memref<1x1024xi32, #tpu.memory_space<vmem>>, %arg4: memref<1x1024xi32, #tpu.memory_space<vmem>>, %arg5: memref<1x1024xf32, #tpu.memory_space<vmem>>, %arg6: memref<1x1024xf32, #tpu.memory_space<vmem>>, %arg7: memref<1024x1024xf32, #tpu.memory_space<vmem>>, %arg8: memref<1x1024x512xf32, #tpu.memory_space<vmem>>, %arg9: memref<1x1024x512xf32, #tpu.memory_space<vmem>>, %arg10: memref<1x512x1024xf32, #tpu.memory_space<vmem>>, %arg11: memref<256x1024xf32, #tpu.memory_space<vmem>>) attributes {dimension_semantics = [#tpu.dimension_semantics<arbitrary>], iteration_bounds = array<i64: 24>, scalar_prefetch = 2 : i64, scratch_operands = 0 : i64, tpu.core_type = #tpu.core_type<tc>, window_params = [{pipeline_mode = #tpu.pipeline_mode<synchronous>, transform_indices = @transform_0, window_bounds = array<i64: 1, 1024>}, {pipeline_mode = #tpu.pipeline_mode<synchronous>, transform_indices = @transform_1, window_bounds = array<i64: 1, 1024>}, {pipeline_mode = #tpu.pipeline_mode<synchronous>, transform_indices = @transform_2, window_bounds = array<i64: 1, 1024>}, {pipeline_mode = #tpu.pipeline_mode<synchronous>, transform_indices = @transform_3, window_bounds = array<i64: 1, 1024>}, {pipeline_mode = #tpu.pipeline_mode<synchronous>, transform_indices = @transform_4, window_bounds = array<i64: 1024, 1024>}, {transform_indices = @transform_5, window_bounds = array<i64: 1, 1024, 512>}, {transform_indices = @transform_6, window_bounds = array<i64: 1, 1024, 512>}, {transform_indices = @transform_7, window_bounds = array<i64: 1, 512, 1024>}, {transform_indices = @transform_8, window_bounds = array<i64: 256, 1024>}]} {
    %get3A = arith.constant 0 : index
    %get3A_0 = arith.constant 0 : index
    %get3A_1 = memref.load %arg2[%get3A, %get3A_0] : memref<1x1xi32, #tpu.memory_space<smem>>
    %lt3A = arith.cmpi slt, %arg0, %get3A_1 : i32
    %convert_element_type3A = arith.extui %lt3A : i1 to i32
    %cond3A = arith.constant 0 : i32
    %cond3A_2 = arith.cmpi ne, %convert_element_type3A, %cond3A : i32
    scf.if %cond3A_2 {
      %mul3A = arith.constant 256 : i32
      %mul3A_3 = arith.muli %arg0, %mul3A : i32
      %iota3A = tpu.iota {dimensions = array<i32: 0>} : vector<256x1024xi32>
      %add3A = vector.broadcast %mul3A_3 : i32 to vector<256x1024xi32>
      %add3A_4 = arith.addi %iota3A, %add3A : vector<256x1024xi32>
      %get3A_5 = arith.constant 0 : index
      %get3A_6 = arith.constant 0 : index
      %get3A_7 = vector.load %arg3[%get3A_5, %get3A_6] : memref<1x1024xi32, #tpu.memory_space<vmem>>, vector<1x1024xi32>
      %eq3A = vector.broadcast %get3A_7 : vector<1x1024xi32> to vector<256x1024xi32>
      %eq3A_8 = arith.cmpi eq, %eq3A, %add3A_4 : vector<256x1024xi32>
      %jit3A = arith.constant 1.000000e+00 : f32
      %jit3A_9 = arith.constant 0.000000e+00 : f32
      %broadcast_in_dim3A = vector.broadcast %jit3A : f32 to vector<256x1024xf32>
      %broadcast_in_dim3A_10 = vector.broadcast %jit3A_9 : f32 to vector<256x1024xf32>
      %select_n3A = arith.select %eq3A_8, %broadcast_in_dim3A, %broadcast_in_dim3A_10 : vector<256x1024xi1>, vector<256x1024xf32>
      %get3A_11 = arith.constant 0 : index
      %get3A_12 = arith.constant 0 : index
      %get3A_13 = vector.load %arg4[%get3A_11, %get3A_12] : memref<1x1024xi32, #tpu.memory_space<vmem>>, vector<1x1024xi32>
      %eq3A_14 = vector.broadcast %get3A_13 : vector<1x1024xi32> to vector<256x1024xi32>
      %eq3A_15 = arith.cmpi eq, %eq3A_14, %add3A_4 : vector<256x1024xi32>
      %jit3A_16 = arith.constant 1.000000e+00 : f32
      %jit3A_17 = arith.constant 0.000000e+00 : f32
      %broadcast_in_dim3A_18 = vector.broadcast %jit3A_16 : f32 to vector<256x1024xf32>
      %broadcast_in_dim3A_19 = vector.broadcast %jit3A_17 : f32 to vector<256x1024xf32>
      %select_n3A_20 = arith.select %eq3A_15, %broadcast_in_dim3A_18, %broadcast_in_dim3A_19 : vector<256x1024xi1>, vector<256x1024xf32>
      %add3A_21 = arith.addf %select_n3A, %select_n3A_20 : vector<256x1024xf32>
      %get3A_22 = arith.constant 0 : index
      %get3A_23 = arith.constant 0 : index
      %get3A_24 = vector.load %arg7[%get3A_22, %get3A_23] : memref<1024x1024xf32, #tpu.memory_space<vmem>>, vector<1024x1024xf32>
      %dot_general3A = arith.constant dense<0.000000e+00> : vector<256x1024xf32>
      %dot_general3A_25 = tpu.matmul %add3A_21, %get3A_24, %dot_general3A {dimension_numbers = #tpu.dot_dimension_numbers<[1], [0], [0], [1], [0, 0, 1, 1], [], []>, transpose_lhs_hint = false} : vector<256x1024xf32>, vector<1024x1024xf32>, vector<256x1024xf32> -> vector<256x1024xf32>
      %get3A_26 = arith.constant 0 : index
      %get3A_27 = arith.constant 0 : index
      %get3A_28 = vector.load %arg5[%get3A_26, %get3A_27] : memref<1x1024xf32, #tpu.memory_space<vmem>>, vector<1x1024xf32>
      %mul3A_29 = vector.broadcast %get3A_28 : vector<1x1024xf32> to vector<256x1024xf32>
      %mul3A_30 = arith.mulf %select_n3A, %mul3A_29 : vector<256x1024xf32>
      %get3A_31 = arith.constant 0 : index
      %get3A_32 = arith.constant 0 : index
      %get3A_33 = vector.load %arg6[%get3A_31, %get3A_32] : memref<1x1024xf32, #tpu.memory_space<vmem>>, vector<1x1024xf32>
      %mul3A_34 = vector.broadcast %get3A_33 : vector<1x1024xf32> to vector<256x1024xf32>
      %mul3A_35 = arith.mulf %select_n3A_20, %mul3A_34 : vector<256x1024xf32>
      %add3A_36 = arith.addf %mul3A_30, %mul3A_35 : vector<256x1024xf32>
      %reduce_sum3A = arith.constant dense<0.000000e+00> : vector<256xf32>
      %reduce_sum3A_37 = vector.multi_reduction <add>, %add3A_36, %reduce_sum3A [1] : vector<256x1024xf32> to vector<256xf32>
      %broadcast_in_dim3A_38 = vector.shape_cast %reduce_sum3A_37 : vector<256xf32> to vector<256x1xf32>
      %get3A_39 = arith.constant 0 : index
      %get3A_40 = arith.constant 0 : index
      %get3A_41 = arith.constant 0 : index
      %get3A_42 = vector.load %arg8[%get3A_39, %get3A_40, %get3A_41] : memref<1x1024x512xf32, #tpu.memory_space<vmem>>, vector<1x1024x512xf32>
      %get3A_43 = vector.shape_cast %get3A_42 : vector<1x1024x512xf32> to vector<1024x512xf32>
      %dot_general3A_44 = arith.constant dense<0.000000e+00> : vector<256x512xf32>
      %dot_general3A_45 = tpu.matmul %dot_general3A_25, %get3A_43, %dot_general3A_44 {dimension_numbers = #tpu.dot_dimension_numbers<[1], [0], [0], [1], [0, 0, 1, 1], [], []>, transpose_lhs_hint = false} : vector<256x1024xf32>, vector<1024x512xf32>, vector<256x512xf32> -> vector<256x512xf32>
      %get3A_46 = arith.constant 0 : index
      %get3A_47 = arith.constant 0 : index
      %get3A_48 = arith.constant 0 : index
      %get3A_49 = vector.load %arg9[%get3A_46, %get3A_47, %get3A_48] : memref<1x1024x512xf32, #tpu.memory_space<vmem>>, vector<1x1024x512xf32>
      %get3A_50 = vector.shape_cast %get3A_49 : vector<1x1024x512xf32> to vector<1024x512xf32>
      %dot_general3A_51 = arith.constant dense<0.000000e+00> : vector<256x512xf32>
      %dot_general3A_52 = tpu.matmul %dot_general3A_25, %get3A_50, %dot_general3A_51 {dimension_numbers = #tpu.dot_dimension_numbers<[1], [0], [0], [1], [0, 0, 1, 1], [], []>, transpose_lhs_hint = false} : vector<256x1024xf32>, vector<1024x512xf32>, vector<256x512xf32> -> vector<256x512xf32>
      %logistic3A = arith.negf %dot_general3A_45 : vector<256x512xf32>
      %logistic3A_53 = math.exp %logistic3A : vector<256x512xf32>
      %logistic3A_54 = arith.constant 1.000000e+00 : f32
      %logistic3A_55 = vector.broadcast %logistic3A_54 : f32 to vector<256x512xf32>
      %logistic3A_56 = arith.addf %logistic3A_55, %logistic3A_53 : vector<256x512xf32>
      %logistic3A_57 = arith.divf %logistic3A_55, %logistic3A_56 : vector<256x512xf32>
      %mul3A_58 = arith.mulf %dot_general3A_45, %logistic3A_57 : vector<256x512xf32>
      %mul3A_59 = arith.mulf %mul3A_58, %dot_general3A_52 : vector<256x512xf32>
      %get3A_60 = arith.constant 0 : index
      %get3A_61 = arith.constant 0 : index
      %get3A_62 = arith.constant 0 : index
      %get3A_63 = vector.load %arg10[%get3A_60, %get3A_61, %get3A_62] : memref<1x512x1024xf32, #tpu.memory_space<vmem>>, vector<1x512x1024xf32>
      %get3A_64 = vector.shape_cast %get3A_63 : vector<1x512x1024xf32> to vector<512x1024xf32>
      %dot_general3A_65 = arith.constant dense<0.000000e+00> : vector<256x1024xf32>
      %dot_general3A_66 = tpu.matmul %mul3A_59, %get3A_64, %dot_general3A_65 {dimension_numbers = #tpu.dot_dimension_numbers<[1], [0], [0], [1], [0, 0, 1, 1], [], []>, transpose_lhs_hint = false} : vector<256x512xf32>, vector<512x1024xf32>, vector<256x1024xf32> -> vector<256x1024xf32>
      %mul3A_67 = vector.broadcast %broadcast_in_dim3A_38 : vector<256x1xf32> to vector<256x1024xf32>
      %mul3A_68 = arith.mulf %mul3A_67, %dot_general3A_66 : vector<256x1024xf32>
      %swap3A = arith.constant 0 : index
      %swap3A_69 = arith.constant 0 : index
      %swap3A_70 = vector.load %arg11[%swap3A, %swap3A_69] : memref<256x1024xf32, #tpu.memory_space<vmem>>, vector<256x1024xf32>
      tpu.vector_store %arg11[%swap3A, %swap3A_69], %mul3A_68 {strides = array<i32>} : memref<256x1024xf32, #tpu.memory_space<vmem>>, vector<256x1024xf32>,
    } else {
    }
    return
  }
  func.func @transform_0(%arg0: i32, %arg1: memref<24x1xi32, #tpu.memory_space<smem>>, %arg2: memref<1x1xi32, #tpu.memory_space<smem>>) -> (i32, i32) {
    %c0_i32 = arith.constant 0 : i32
    %c0_i32_0 = arith.constant 0 : i32
    %c0_i32_1 = arith.constant 0 : i32
    return %c0_i32, %c0_i32_0 : i32, i32
  }
  func.func @transform_1(%arg0: i32, %arg1: memref<24x1xi32, #tpu.memory_space<smem>>, %arg2: memref<1x1xi32, #tpu.memory_space<smem>>) -> (i32, i32) {
    %c0_i32 = arith.constant 0 : i32
    %c0_i32_0 = arith.constant 0 : i32
    %c0_i32_1 = arith.constant 0 : i32
    return %c0_i32, %c0_i32_0 : i32, i32
  }
  func.func @transform_2(%arg0: i32, %arg1: memref<24x1xi32, #tpu.memory_space<smem>>, %arg2: memref<1x1xi32, #tpu.memory_space<smem>>) -> (i32, i32) {
    %c0_i32 = arith.constant 0 : i32
    %c0_i32_0 = arith.constant 0 : i32
    %c0_i32_1 = arith.constant 0 : i32
    return %c0_i32, %c0_i32_0 : i32, i32
  }
  func.func @transform_3(%arg0: i32, %arg1: memref<24x1xi32, #tpu.memory_space<smem>>, %arg2: memref<1x1xi32, #tpu.memory_space<smem>>) -> (i32, i32) {
    %c0_i32 = arith.constant 0 : i32
    %c0_i32_0 = arith.constant 0 : i32
    %c0_i32_1 = arith.constant 0 : i32
    return %c0_i32, %c0_i32_0 : i32, i32
  }
  func.func @transform_4(%arg0: i32, %arg1: memref<24x1xi32, #tpu.memory_space<smem>>, %arg2: memref<1x1xi32, #tpu.memory_space<smem>>) -> (i32, i32) {
    %c0_i32 = arith.constant 0 : i32
    %c0_i32_0 = arith.constant 0 : i32
    %c0_i32_1 = arith.constant 0 : i32
    return %c0_i32, %c0_i32_0 : i32, i32
  }
  func.func @transform_5(%arg0: i32, %arg1: memref<24x1xi32, #tpu.memory_space<smem>>, %arg2: memref<1x1xi32, #tpu.memory_space<smem>>) -> (i32, i32, i32) {
    %get3A = arith.index_cast %arg0 : i32 to index
    %get3A_0 = arith.constant 0 : index
    %get3A_1 = memref.load %arg1[%get3A, %get3A_0] : memref<24x1xi32, #tpu.memory_space<smem>>
    %c0_i32 = arith.constant 0 : i32
    %c0_i32_2 = arith.constant 0 : i32
    %c0_i32_3 = arith.constant 0 : i32
    return %get3A_1, %c0_i32, %c0_i32_2 : i32, i32, i32
  }
  func.func @transform_6(%arg0: i32, %arg1: memref<24x1xi32, #tpu.memory_space<smem>>, %arg2: memref<1x1xi32, #tpu.memory_space<smem>>) -> (i32, i32, i32) {
    %get3A = arith.index_cast %arg0 : i32 to index
    %get3A_0 = arith.constant 0 : index
    %get3A_1 = memref.load %arg1[%get3A, %get3A_0] : memref<24x1xi32, #tpu.memory_space<smem>>
    %c0_i32 = arith.constant 0 : i32
    %c0_i32_2 = arith.constant 0 : i32
    %c0_i32_3 = arith.constant 0 : i32
    return %get3A_1, %c0_i32, %c0_i32_2 : i32, i32, i32
  }
  func.func @transform_7(%arg0: i32, %arg1: memref<24x1xi32, #tpu.memory_space<smem>>, %arg2: memref<1x1xi32, #tpu.memory_space<smem>>) -> (i32, i32, i32) {
    %get3A = arith.index_cast %arg0 : i32 to index
    %get3A_0 = arith.constant 0 : index
    %get3A_1 = memref.load %arg1[%get3A, %get3A_0] : memref<24x1xi32, #tpu.memory_space<smem>>
    %c0_i32 = arith.constant 0 : i32
    %c0_i32_2 = arith.constant 0 : i32
    %c0_i32_3 = arith.constant 0 : i32
    return %get3A_1, %c0_i32, %c0_i32_2 : i32, i32, i32
  }
  func.func @transform_8(%arg0: i32, %arg1: memref<24x1xi32, #tpu.memory_space<smem>>, %arg2: memref<1x1xi32, #tpu.memory_space<smem>>) -> (i32, i32) {
    %get3A = arith.constant 0 : index
    %get3A_0 = arith.constant 0 : index
    %get3A_1 = memref.load %arg2[%get3A, %get3A_0] : memref<1x1xi32, #tpu.memory_space<smem>>
    %sub3A = arith.constant 1 : i32
    %sub3A_2 = arith.subi %get3A_1, %sub3A : i32
    %min3A = arith.minsi %arg0, %sub3A_2 : i32
    %c0_i32 = arith.constant 0 : i32
    %c0_i32_3 = arith.constant 0 : i32
    return %min3A, %c0_i32 : i32, i32
  }
}

module attributes {stable_mosaic.version = 14 : i64} {
  func.func @_router_body(%arg0: memref<1024x1024xf32, #tpu.memory_space<vmem>>, %arg1: memref<16x1024xf32, #tpu.memory_space<vmem>>, %arg2: memref<1x16xf32, #tpu.memory_space<vmem>>, %arg3: memref<1024x1xi32, #tpu.memory_space<vmem>>, %arg4: memref<1024x1xi32, #tpu.memory_space<vmem>>, %arg5: memref<1024x1xf32, #tpu.memory_space<vmem>>, %arg6: memref<1024x1xf32, #tpu.memory_space<vmem>>, %arg7: memref<24x1xi32, #tpu.memory_space<vmem>>, %arg8: memref<1x1xi32, #tpu.memory_space<vmem>>) attributes {dimension_semantics = [], scalar_prefetch = 0 : i64, scratch_operands = 0 : i64, tpu.core_type = #tpu.core_type<tc>} {
    %get3A = arith.constant 0 : index
    %get3A_0 = arith.constant 0 : index
    %get3A_1 = vector.load %arg0[%get3A, %get3A_0] : memref<1024x1024xf32, #tpu.memory_space<vmem>>, vector<1024x1024xf32>
    %get3A_2 = arith.constant 0 : index
    %get3A_3 = arith.constant 0 : index
    %get3A_4 = vector.load %arg1[%get3A_2, %get3A_3] : memref<16x1024xf32, #tpu.memory_space<vmem>>, vector<16x1024xf32>
    %dot_general3A = arith.constant dense<0.000000e+00> : vector<1024x16xf32>
    %dot_general3A_5 = tpu.matmul %get3A_1, %get3A_4, %dot_general3A {dimension_numbers = #tpu.dot_dimension_numbers<[1], [1], [0], [0], [0, 0, 1, 0], [], []>, transpose_lhs_hint = false} : vector<1024x1024xf32>, vector<16x1024xf32>, vector<1024x16xf32> -> vector<1024x16xf32>
    %reduce_max3A = arith.constant dense<0xFF800000> : vector<1024xf32>
    %reduce_max3A_6 = vector.multi_reduction <maximumf>, %dot_general3A_5, %reduce_max3A [1] : vector<1024x16xf32> to vector<1024xf32>
    %broadcast_in_dim3A = vector.shape_cast %reduce_max3A_6 : vector<1024xf32> to vector<1024x1xf32>
    %sub3A = vector.broadcast %broadcast_in_dim3A : vector<1024x1xf32> to vector<1024x16xf32>
    %sub3A_7 = arith.subf %dot_general3A_5, %sub3A : vector<1024x16xf32>
    %exp3A = math.exp %sub3A_7 : vector<1024x16xf32>
    %reduce_sum3A = arith.constant dense<0.000000e+00> : vector<1024xf32>
    %reduce_sum3A_8 = vector.multi_reduction <add>, %exp3A, %reduce_sum3A [1] : vector<1024x16xf32> to vector<1024xf32>
    %broadcast_in_dim3A_9 = vector.shape_cast %reduce_sum3A_8 : vector<1024xf32> to vector<1024x1xf32>
    %div3A = vector.broadcast %broadcast_in_dim3A_9 : vector<1024x1xf32> to vector<1024x16xf32>
    %div3A_10 = arith.divf %exp3A, %div3A : vector<1024x16xf32>
    %iota3A = tpu.iota {dimensions = array<i32: 1>} : vector<1024x16xi32>
    %get3A_11 = arith.constant 0 : index
    %get3A_12 = arith.constant 0 : index
    %get3A_13 = vector.load %arg2[%get3A_11, %get3A_12] : memref<1x16xf32, #tpu.memory_space<vmem>>, vector<1x16xf32>
    %ge3A = arith.constant 0 : i32
    %ge3A_14 = vector.broadcast %ge3A : i32 to vector<1024x16xi32>
    %ge3A_15 = arith.cmpi sge, %iota3A, %ge3A_14 : vector<1024x16xi32>
    %lt3A = arith.constant 8 : i32
    %lt3A_16 = vector.broadcast %lt3A : i32 to vector<1024x16xi32>
    %lt3A_17 = arith.cmpi slt, %iota3A, %lt3A_16 : vector<1024x16xi32>
    %and3A = arith.andi %ge3A_15, %lt3A_17 : vector<1024x16xi1>
    %jit3A = arith.constant -1.000000e+00 : f32
    %broadcast_in_dim3A_18 = vector.broadcast %jit3A : f32 to vector<1024x16xf32>
    %select_n3A = arith.select %and3A, %div3A_10, %broadcast_in_dim3A_18 : vector<1024x16xi1>, vector<1024x16xf32>
    %reduce_max3A_19 = arith.constant dense<0xFF800000> : vector<1024xf32>
    %reduce_max3A_20 = vector.multi_reduction <maximumf>, %select_n3A, %reduce_max3A_19 [1] : vector<1024x16xf32> to vector<1024xf32>
    %broadcast_in_dim3A_21 = vector.shape_cast %reduce_max3A_20 : vector<1024xf32> to vector<1024x1xf32>
    %eq3A = vector.broadcast %broadcast_in_dim3A_21 : vector<1024x1xf32> to vector<1024x16xf32>
    %eq3A_22 = arith.cmpf oeq, %select_n3A, %eq3A : vector<1024x16xf32>
    %and3A_23 = arith.andi %eq3A_22, %and3A : vector<1024x16xi1>
    %jit3A_24 = arith.constant 16 : i32
    %broadcast_in_dim3A_25 = vector.broadcast %jit3A_24 : i32 to vector<1024x16xi32>
    %select_n3A_26 = arith.select %and3A_23, %iota3A, %broadcast_in_dim3A_25 : vector<1024x16xi1>, vector<1024x16xi32>
    %reduce_min3A = arith.constant dense<2147483647> : vector<1024xi32>
    %reduce_min3A_27 = vector.multi_reduction <minsi>, %select_n3A_26, %reduce_min3A [1] : vector<1024x16xi32> to vector<1024xi32>
    %broadcast_in_dim3A_28 = vector.shape_cast %reduce_min3A_27 : vector<1024xi32> to vector<1024x1xi32>
    %eq3A_29 = vector.broadcast %broadcast_in_dim3A_28 : vector<1024x1xi32> to vector<1024x16xi32>
    %eq3A_30 = arith.cmpi eq, %iota3A, %eq3A_29 : vector<1024x16xi32>
    %jit3A_31 = arith.constant 0.000000e+00 : f32
    %broadcast_in_dim3A_32 = vector.shape_cast %get3A_13 : vector<1x16xf32> to vector<1x16xf32>
    %broadcast_in_dim3A_33 = vector.broadcast %broadcast_in_dim3A_32 : vector<1x16xf32> to vector<1024x16xf32>
    %broadcast_in_dim3A_34 = vector.broadcast %jit3A_31 : f32 to vector<1024x16xf32>
    %select_n3A_35 = arith.select %eq3A_30, %broadcast_in_dim3A_33, %broadcast_in_dim3A_34 : vector<1024x16xi1>, vector<1024x16xf32>
    %reduce_sum3A_36 = arith.constant dense<0.000000e+00> : vector<1024xf32>
    %reduce_sum3A_37 = vector.multi_reduction <add>, %select_n3A_35, %reduce_sum3A_36 [1] : vector<1024x16xf32> to vector<1024xf32>
    %broadcast_in_dim3A_38 = vector.shape_cast %reduce_sum3A_37 : vector<1024xf32> to vector<1024x1xf32>
    %mul3A = arith.mulf %broadcast_in_dim3A_21, %broadcast_in_dim3A_38 : vector<1024x1xf32>
    %ge3A_39 = arith.constant 8 : i32
    %ge3A_40 = vector.broadcast %ge3A_39 : i32 to vector<1024x16xi32>
    %ge3A_41 = arith.cmpi sge, %iota3A, %ge3A_40 : vector<1024x16xi32>
    %lt3A_42 = arith.constant 16 : i32
    %lt3A_43 = vector.broadcast %lt3A_42 : i32 to vector<1024x16xi32>
    %lt3A_44 = arith.cmpi slt, %iota3A, %lt3A_43 : vector<1024x16xi32>
    %and3A_45 = arith.andi %ge3A_41, %lt3A_44 : vector<1024x16xi1>
    %jit3A_46 = arith.constant -1.000000e+00 : f32
    %broadcast_in_dim3A_47 = vector.broadcast %jit3A_46 : f32 to vector<1024x16xf32>
    %select_n3A_48 = arith.select %and3A_45, %div3A_10, %broadcast_in_dim3A_47 : vector<1024x16xi1>, vector<1024x16xf32>
    %reduce_max3A_49 = arith.constant dense<0xFF800000> : vector<1024xf32>
    %reduce_max3A_50 = vector.multi_reduction <maximumf>, %select_n3A_48, %reduce_max3A_49 [1] : vector<1024x16xf32> to vector<1024xf32>
    %broadcast_in_dim3A_51 = vector.shape_cast %reduce_max3A_50 : vector<1024xf32> to vector<1024x1xf32>
    %eq3A_52 = vector.broadcast %broadcast_in_dim3A_51 : vector<1024x1xf32> to vector<1024x16xf32>
    %eq3A_53 = arith.cmpf oeq, %select_n3A_48, %eq3A_52 : vector<1024x16xf32>
    %and3A_54 = arith.andi %eq3A_53, %and3A_45 : vector<1024x16xi1>
    %jit3A_55 = arith.constant 16 : i32
    %broadcast_in_dim3A_56 = vector.broadcast %jit3A_55 : i32 to vector<1024x16xi32>
    %select_n3A_57 = arith.select %and3A_54, %iota3A, %broadcast_in_dim3A_56 : vector<1024x16xi1>, vector<1024x16xi32>
    %reduce_min3A_58 = arith.constant dense<2147483647> : vector<1024xi32>
    %reduce_min3A_59 = vector.multi_reduction <minsi>, %select_n3A_57, %reduce_min3A_58 [1] : vector<1024x16xi32> to vector<1024xi32>
    %broadcast_in_dim3A_60 = vector.shape_cast %reduce_min3A_59 : vector<1024xi32> to vector<1024x1xi32>
    %eq3A_61 = vector.broadcast %broadcast_in_dim3A_60 : vector<1024x1xi32> to vector<1024x16xi32>
    %eq3A_62 = arith.cmpi eq, %iota3A, %eq3A_61 : vector<1024x16xi32>
    %jit3A_63 = arith.constant 0.000000e+00 : f32
    %broadcast_in_dim3A_64 = vector.shape_cast %get3A_13 : vector<1x16xf32> to vector<1x16xf32>
    %broadcast_in_dim3A_65 = vector.broadcast %broadcast_in_dim3A_64 : vector<1x16xf32> to vector<1024x16xf32>
    %broadcast_in_dim3A_66 = vector.broadcast %jit3A_63 : f32 to vector<1024x16xf32>
    %select_n3A_67 = arith.select %eq3A_62, %broadcast_in_dim3A_65, %broadcast_in_dim3A_66 : vector<1024x16xi1>, vector<1024x16xf32>
    %reduce_sum3A_68 = arith.constant dense<0.000000e+00> : vector<1024xf32>
    %reduce_sum3A_69 = vector.multi_reduction <add>, %select_n3A_67, %reduce_sum3A_68 [1] : vector<1024x16xf32> to vector<1024xf32>
    %broadcast_in_dim3A_70 = vector.shape_cast %reduce_sum3A_69 : vector<1024xf32> to vector<1024x1xf32>
    %mul3A_71 = arith.mulf %broadcast_in_dim3A_51, %broadcast_in_dim3A_70 : vector<1024x1xf32>
    %or3A = arith.ori %eq3A_30, %eq3A_62 : vector<1024x16xi1>
    %jit3A_72 = arith.constant 1.000000e+00 : f32
    %jit3A_73 = arith.constant 0.000000e+00 : f32
    %broadcast_in_dim3A_74 = vector.broadcast %jit3A_72 : f32 to vector<1024x16xf32>
    %broadcast_in_dim3A_75 = vector.broadcast %jit3A_73 : f32 to vector<1024x16xf32>
    %select_n3A_76 = arith.select %or3A, %broadcast_in_dim3A_74, %broadcast_in_dim3A_75 : vector<1024x16xi1>, vector<1024x16xf32>
    %iota3A_77 = tpu.iota {dimensions = array<i32: 0>} : vector<1024x1024xi32>
    %iota3A_78 = tpu.iota {dimensions = array<i32: 1>} : vector<1024x1024xi32>
    %lt3A_79 = arith.cmpi slt, %iota3A_78, %iota3A_77 : vector<1024x1024xi32>
    %jit3A_80 = arith.constant 1.000000e+00 : f32
    %jit3A_81 = arith.constant 0.000000e+00 : f32
    %broadcast_in_dim3A_82 = vector.broadcast %jit3A_80 : f32 to vector<1024x1024xf32>
    %broadcast_in_dim3A_83 = vector.broadcast %jit3A_81 : f32 to vector<1024x1024xf32>
    %select_n3A_84 = arith.select %lt3A_79, %broadcast_in_dim3A_82, %broadcast_in_dim3A_83 : vector<1024x1024xi1>, vector<1024x1024xf32>
    %dot_general3A_85 = arith.constant dense<0.000000e+00> : vector<1024x16xf32>
    %dot_general3A_86 = tpu.matmul %select_n3A_84, %select_n3A_76, %dot_general3A_85 {dimension_numbers = #tpu.dot_dimension_numbers<[1], [0], [0], [1], [0, 0, 1, 1], [], []>, transpose_lhs_hint = false} : vector<1024x1024xf32>, vector<1024x16xf32>, vector<1024x16xf32> -> vector<1024x16xf32>
    %reduce_sum3A_87 = arith.constant dense<0.000000e+00> : vector<16xf32>
    %reduce_sum3A_88 = vector.multi_reduction <add>, %select_n3A_76, %reduce_sum3A_87 [0] : vector<1024x16xf32> to vector<16xf32>
    %broadcast_in_dim3A_89 = vector.shape_cast %reduce_sum3A_88 : vector<16xf32> to vector<1x16xf32>
    %convert_element_type3A = arith.fptosi %broadcast_in_dim3A_89 : vector<1x16xf32> to vector<1x16xi32>
    %add3A = arith.constant 255 : i32
    %add3A_90 = vector.broadcast %add3A : i32 to vector<1x16xi32>
    %add3A_91 = arith.addi %convert_element_type3A, %add3A_90 : vector<1x16xi32>
    %jit3A_92 = arith.constant 256 : i32
    %div3A_93 = vector.broadcast %jit3A_92 : i32 to vector<1x16xi32>
    %div3A_94 = arith.divsi %add3A_91, %div3A_93 : vector<1x16xi32>
    %sign3A = arith.constant 0 : i32
    %sign3A_95 = vector.broadcast %sign3A : i32 to vector<1x16xi32>
    %sign3A_96 = arith.cmpi sgt, %add3A_91, %sign3A_95 : vector<1x16xi32>
    %sign3A_97 = arith.extui %sign3A_96 : vector<1x16xi1> to vector<1x16xi32>
    %sign3A_98 = arith.constant 0 : i32
    %sign3A_99 = vector.broadcast %sign3A_98 : i32 to vector<1x16xi32>
    %sign3A_100 = arith.cmpi slt, %add3A_91, %sign3A_99 : vector<1x16xi32>
    %sign3A_101 = arith.extui %sign3A_100 : vector<1x16xi1> to vector<1x16xi32>
    %sign3A_102 = arith.subi %sign3A_97, %sign3A_101 : vector<1x16xi32>
    %sign3A_103 = arith.constant 0 : i32
    %sign3A_104 = arith.cmpi sgt, %jit3A_92, %sign3A_103 : i32
    %sign3A_105 = arith.extui %sign3A_104 : i1 to i32
    %sign3A_106 = arith.constant 0 : i32
    %sign3A_107 = arith.cmpi slt, %jit3A_92, %sign3A_106 : i32
    %sign3A_108 = arith.extui %sign3A_107 : i1 to i32
    %sign3A_109 = arith.subi %sign3A_105, %sign3A_108 : i32
    %ne3A = vector.broadcast %sign3A_109 : i32 to vector<1x16xi32>
    %ne3A_110 = arith.cmpi ne, %sign3A_102, %ne3A : vector<1x16xi32>
    %rem3A = vector.broadcast %jit3A_92 : i32 to vector<1x16xi32>
    %rem3A_111 = arith.remsi %add3A_91, %rem3A : vector<1x16xi32>
    %ne3A_112 = arith.constant 0 : i32
    %ne3A_113 = vector.broadcast %ne3A_112 : i32 to vector<1x16xi32>
    %ne3A_114 = arith.cmpi ne, %rem3A_111, %ne3A_113 : vector<1x16xi32>
    %and3A_115 = arith.andi %ne3A_110, %ne3A_114 : vector<1x16xi1>
    %sub3A_116 = arith.constant 1 : i32
    %sub3A_117 = vector.broadcast %sub3A_116 : i32 to vector<1x16xi32>
    %sub3A_118 = arith.subi %div3A_94, %sub3A_117 : vector<1x16xi32>
    %select_n3A_119 = arith.select %and3A_115, %sub3A_118, %div3A_94 : vector<1x16xi1>, vector<1x16xi32>
    %convert_element_type3A_120 = arith.sitofp %select_n3A_119 : vector<1x16xi32> to vector<1x16xf32>
    %iota3A_121 = tpu.iota {dimensions = array<i32: 0>} : vector<16x16xi32>
    %iota3A_122 = tpu.iota {dimensions = array<i32: 1>} : vector<16x16xi32>
    %lt3A_123 = arith.cmpi slt, %iota3A_121, %iota3A_122 : vector<16x16xi32>
    %jit3A_124 = arith.constant 1.000000e+00 : f32
    %jit3A_125 = arith.constant 0.000000e+00 : f32
    %broadcast_in_dim3A_126 = vector.broadcast %jit3A_124 : f32 to vector<16x16xf32>
    %broadcast_in_dim3A_127 = vector.broadcast %jit3A_125 : f32 to vector<16x16xf32>
    %select_n3A_128 = arith.select %lt3A_123, %broadcast_in_dim3A_126, %broadcast_in_dim3A_127 : vector<16x16xi1>, vector<16x16xf32>
    %dot_general3A_129 = arith.constant dense<0.000000e+00> : vector<1x16xf32>
    %dot_general3A_130 = tpu.matmul %convert_element_type3A_120, %select_n3A_128, %dot_general3A_129 {dimension_numbers = #tpu.dot_dimension_numbers<[1], [0], [0], [1], [0, 0, 1, 1], [], []>, transpose_lhs_hint = false} : vector<1x16xf32>, vector<16x16xf32>, vector<1x16xf32> -> vector<1x16xf32>
    %mul3A_131 = arith.constant 2.560000e+02 : f32
    %mul3A_132 = vector.broadcast %mul3A_131 : f32 to vector<1x16xf32>
    %mul3A_133 = arith.mulf %dot_general3A_130, %mul3A_132 : vector<1x16xf32>
    %add3A_134 = vector.broadcast %mul3A_133 : vector<1x16xf32> to vector<1024x16xf32>
    %add3A_135 = arith.addf %add3A_134, %dot_general3A_86 : vector<1024x16xf32>
    %jit3A_136 = arith.constant 0.000000e+00 : f32
    %broadcast_in_dim3A_137 = vector.broadcast %jit3A_136 : f32 to vector<1024x16xf32>
    %select_n3A_138 = arith.select %eq3A_30, %add3A_135, %broadcast_in_dim3A_137 : vector<1024x16xi1>, vector<1024x16xf32>
    %reduce_sum3A_139 = arith.constant dense<0.000000e+00> : vector<1024xf32>
    %reduce_sum3A_140 = vector.multi_reduction <add>, %select_n3A_138, %reduce_sum3A_139 [1] : vector<1024x16xf32> to vector<1024xf32>
    %broadcast_in_dim3A_141 = vector.shape_cast %reduce_sum3A_140 : vector<1024xf32> to vector<1024x1xf32>
    %jit3A_142 = arith.constant 0.000000e+00 : f32
    %broadcast_in_dim3A_143 = vector.broadcast %jit3A_142 : f32 to vector<1024x16xf32>
    %select_n3A_144 = arith.select %eq3A_62, %add3A_135, %broadcast_in_dim3A_143 : vector<1024x16xi1>, vector<1024x16xf32>
    %reduce_sum3A_145 = arith.constant dense<0.000000e+00> : vector<1024xf32>
    %reduce_sum3A_146 = vector.multi_reduction <add>, %select_n3A_144, %reduce_sum3A_145 [1] : vector<1024x16xf32> to vector<1024xf32>
    %broadcast_in_dim3A_147 = vector.shape_cast %reduce_sum3A_146 : vector<1024xf32> to vector<1024x1xf32>
    %convert_element_type3A_148 = arith.fptosi %broadcast_in_dim3A_141 : vector<1024x1xf32> to vector<1024x1xi32>
    %swap3A = arith.constant 0 : index
    %swap3A_149 = arith.constant 0 : index
    %swap3A_150 = vector.load %arg3[%swap3A, %swap3A_149] : memref<1024x1xi32, #tpu.memory_space<vmem>>, vector<1024x1xi32>
    tpu.vector_store %arg3[%swap3A, %swap3A_149], %convert_element_type3A_148 {strides = array<i32>} : memref<1024x1xi32, #tpu.memory_space<vmem>>, vector<1024x1xi32>,
    %convert_element_type3A_151 = arith.fptosi %broadcast_in_dim3A_147 : vector<1024x1xf32> to vector<1024x1xi32>
    %swap3A_152 = arith.constant 0 : index
    %swap3A_153 = arith.constant 0 : index
    %swap3A_154 = vector.load %arg4[%swap3A_152, %swap3A_153] : memref<1024x1xi32, #tpu.memory_space<vmem>>, vector<1024x1xi32>
    tpu.vector_store %arg4[%swap3A_152, %swap3A_153], %convert_element_type3A_151 {strides = array<i32>} : memref<1024x1xi32, #tpu.memory_space<vmem>>, vector<1024x1xi32>,
    %swap3A_155 = arith.constant 0 : index
    %swap3A_156 = arith.constant 0 : index
    %swap3A_157 = vector.load %arg5[%swap3A_155, %swap3A_156] : memref<1024x1xf32, #tpu.memory_space<vmem>>, vector<1024x1xf32>
    tpu.vector_store %arg5[%swap3A_155, %swap3A_156], %mul3A {strides = array<i32>} : memref<1024x1xf32, #tpu.memory_space<vmem>>, vector<1024x1xf32>,
    %swap3A_158 = arith.constant 0 : index
    %swap3A_159 = arith.constant 0 : index
    %swap3A_160 = vector.load %arg6[%swap3A_158, %swap3A_159] : memref<1024x1xf32, #tpu.memory_space<vmem>>, vector<1024x1xf32>
    tpu.vector_store %arg6[%swap3A_158, %swap3A_159], %mul3A_71 {strides = array<i32>} : memref<1024x1xf32, #tpu.memory_space<vmem>>, vector<1024x1xf32>,
    %add3A_161 = arith.addf %dot_general3A_130, %convert_element_type3A_120 : vector<1x16xf32>
    %slice3A = vector.extract_strided_slice %add3A_161 {offsets = [0, 15], sizes = [1, 1], strides = [1, 1]} : vector<1x16xf32> to vector<1x1xf32>
    %convert_element_type3A_162 = arith.fptosi %slice3A : vector<1x1xf32> to vector<1x1xi32>
    %swap3A_163 = arith.constant 0 : index
    %swap3A_164 = arith.constant 0 : index
    %swap3A_165 = vector.load %arg8[%swap3A_163, %swap3A_164] : memref<1x1xi32, #tpu.memory_space<vmem>>, vector<1x1xi32>
    tpu.vector_store %arg8[%swap3A_163, %swap3A_164], %convert_element_type3A_162 {strides = array<i32>} : memref<1x1xi32, #tpu.memory_space<vmem>>, vector<1x1xi32>,
    %convert_element_type3A_166 = arith.fptosi %add3A_161 : vector<1x16xf32> to vector<1x16xi32>
    %broadcast_in_dim3A_167 = vector.shape_cast %convert_element_type3A_166 : vector<1x16xi32> to vector<1x16xi32>
    %broadcast_in_dim3A_168 = vector.broadcast %broadcast_in_dim3A_167 : vector<1x16xi32> to vector<24x16xi32>
    %iota3A_169 = tpu.iota {dimensions = array<i32: 0>} : vector<24x16xi32>
    %le3A = arith.cmpi sle, %broadcast_in_dim3A_168, %iota3A_169 : vector<24x16xi32>
    %jit3A_170 = arith.constant 1 : i32
    %jit3A_171 = arith.constant 0 : i32
    %broadcast_in_dim3A_172 = vector.broadcast %jit3A_170 : i32 to vector<24x16xi32>
    %broadcast_in_dim3A_173 = vector.broadcast %jit3A_171 : i32 to vector<24x16xi32>
    %select_n3A_174 = arith.select %le3A, %broadcast_in_dim3A_172, %broadcast_in_dim3A_173 : vector<24x16xi1>, vector<24x16xi32>
    %reduce_sum3A_175 = arith.constant dense<0> : vector<24xi32>
    %reduce_sum3A_176 = vector.multi_reduction <add>, %select_n3A_174, %reduce_sum3A_175 [1] : vector<24x16xi32> to vector<24xi32>
    %broadcast_in_dim3A_177 = vector.shape_cast %reduce_sum3A_176 : vector<24xi32> to vector<24x1xi32>
    %min3A = arith.constant 15 : i32
    %min3A_178 = vector.broadcast %min3A : i32 to vector<24x1xi32>
    %min3A_179 = arith.minsi %broadcast_in_dim3A_177, %min3A_178 : vector<24x1xi32>
    %swap3A_180 = arith.constant 0 : index
    %swap3A_181 = arith.constant 0 : index
    %swap3A_182 = vector.load %arg7[%swap3A_180, %swap3A_181] : memref<24x1xi32, #tpu.memory_space<vmem>>, vector<24x1xi32>
    tpu.vector_store %arg7[%swap3A_180, %swap3A_181], %min3A_179 {strides = array<i32>} : memref<24x1xi32, #tpu.memory_space<vmem>>, vector<24x1xi32>,
    return
  }
}

</mosaic_0001>

<sc_bundles>
// kernel: kernel.5.cloned.1.call-start
scs
__scs_entry_jumppad:
0x0: {  	(pc) =	sbr.rel $0x88, $3  }
0x1: {  	(tag) =	ssettag $0x0;
	lr =	simm.s32 $0x1  }
0x2: {  	[smem:$0x3F9B] =	sst lr;
	_ =	strace $0xD0000000  }
0x3: {  	_ = 	snop  }
0x4: {  	_ = 	snop  }
0x5: {  	_ = 	snop  }
0x6: {  	_ = 	snop  }
0x7: {  	_ = 	snop  }
__scs_overlays_trampoline_lowered:
0x8: {  	[smem:$0x3FAA] =	sst s0  }
0x9: {  	[smem:$0x3FAB] =	sst s1  }
0xa: {  	[smem:$0x3FAC] =	sst s2  }
0xb: {  	[smem:$0x3FAD] =	sst s3  }
0xc: {  	[smem:$0x3FAE] =	sst s4  }
0xd: {  	[smem:$0x3FAF] =	sst s5  }
0xe: {  	[smem:$0x3FB0] =	sst s6  }
0xf: {  	[smem:$0x3FB1] =	sst s7  }
0x10: {  	[smem:$0x3FB2] =	sst s8  }
0x11: {  	[smem:$0x3FB3] =	sst s9;
	s0 =	simm.s32 @!p0 $0x0  }
0x12: {  	s1 =	sld [smem:$0x3F99];
	s0 =	simm.s32 @p0 $0x1  }
0x13: {  	[smem:$0x3FB4] =	sst s0;
	s0 =	simm.s32 @!p1 $0x0  }
0x14: {  	s2 =	sld [smem:$0x3F98];
	s0 =	simm.s32 @p1 $0x1  }
0x15: {  	[smem:$0x3FB5] =	sst s0;
	s0 =	simm.s32 @!p2 $0x0  }
0x16: {  	s3 =	sld [smem:$0x3FDB];
	s0 =	simm.s32 @p2 $0x1  }
0x17: {  	s4 =	simm.s32 $0x1BF5;
	[smem:$0x3FB7] =	sst s0  }
0x18: {  	s0 =	sld [smem:$0x3F9A];
	_ =	swait.ge [sflag:s4], $0x0  }
0x19: {  	s7 =	sld [smem:$0x3F9B]  }
0x1a: {  	s8 =	sadd.s32 $0xFFFFE003, lr  }
0x1b: {  	s9 =	sadd.s32 $0xFFFFFEF7, lr;
	s5 =	simm.s32 $0xFFFFFFFF;
	p2 =	slt.u32 s8, $0xFFFFF086  }
0x1c: {  	p1 =	slt.u32 s9, $0xF7A;
	s5 =	simm.s32 @!p2 $0x0  }
0x1d: {  	s5 =	simm.s32 @p1 $0x1;
	p0 =	seq.s32 s7, s2  }
0x1e: {  	s7 =	smul.u32 @!p0 $0xF7A, s2;
	p2 =	seq.s32 @!p0 s5, $0x0  }
0x1f: {  	s9 =	smul.u32 $0xF7A, s1;
	s8 =	simm.s32 @!p0 $0x1BF5;
	p2 =	por !p2, p0  }
0x20: {  	[sflag:s8] =	ssyncset.s32 @!p0 $0xFFFFF086;
	s6 =	sadd.s32 @!p0 s3, s7;
	s7 =	simm.s32 @!p0 $0x108  }
0x21: {  	s3 =	sadd.s32 s3, s9;
	s6 =	sadd.s32 @!p0 $0x88, s6;
	s7 =	simm.s32 @p2 $0x1082  }
0x22: {  	[simem:s7], [sflag:s8] =	dma.local @!p0 [hbm:s6], $0xF7A  }
0x23: {  	s9 =	sor.u32 $0xD0000000, s2;
	s6 =	simm.s32 $0x108;
	_ =	swait.ge @!p0 [sflag:s8], $0x0  }
0x24: {  	s3 =	sadd.s32 $0x88, s3;
	s6 =	simm.s32 @!p1 $0x1082;
	[sflag:s4] =	ssyncset.s32 $0xFFFFF086  }
0x25: {  	[simem:s6], [sflag:s4] =	dma.local [hbm:s3], $0xF7A  }
0x26: {  	[smem:$0x3F9B] =	sst s1;
	(tag) =	ssettag s2;
	_ =	strace s9  }
0x27: {  	s1 =	sld [smem:$0x3FAB]  }
0x28: {  	s2 =	sld [smem:$0x3FAC]  }
0x29: {  	s4 =	sld [smem:$0x3FAE]  }
0x2a: {  	p0 =	seq.s32 s5, $0x0;
	s5 =	sld [smem:$0x3FAF]  }
0x2b: {  	s6 =	sld [smem:$0x3FB0]  }
0x2c: {  	s7 =	sld [smem:$0x3FB1]  }
0x2d: {  	s3 =	simm.s32 $0x108;
	s8 =	sld [smem:$0x3FB2]  }
0x2e: {  	s3 =	simm.s32 @!p0 $0x1082;
	s9 =	sld [smem:$0x3FB3]  }
0x2f: {  	lr =	sadd.s32 s0, s3;
	s0 =	sld [smem:$0x3FAA]  }
0x30: {  	s3 =	sld [smem:$0x3FAD]  }
0x31: {  	[smem:$0x3FB6] =	sst s10  }
0x32: {  	s10 =	sld [smem:$0x3FB4];
	_ =	sdelay $0x3  }
0x33: {  	p0 =	seq.s32 s10, $0x1;
	s10 =	sld [smem:$0x3FB6];
	_ =	sdelay $0x3  }
0x34: {  	[smem:$0x3FB6] =	sst s10  }
0x35: {  	s10 =	sld [smem:$0x3FB5];
	_ =	sdelay $0x3  }
0x36: {  	p1 =	seq.s32 s10, $0x1;
	s10 =	sld [smem:$0x3FB6];
	_ =	sdelay $0x3  }
0x37: {  	[smem:$0x3FB6] =	sst s10  }
0x38: {  	s10 =	sld [smem:$0x3FB7]  }
0x39: {  	_ = 	snop;
	(pc) =	sbr.ind lr, $3  }
0x3a: {  	_ = 	snop  }
0x3b: {  	_ = 	snop  }
0x3c: {  	p2 =	seq.s32 s10, $0x1;
	s10 =	sld [smem:$0x3FB6]  }
0x3d: {  	_ =	shalt  }
0x3e: {  	_ =	shalt  }
0x3f: {  	_ =	shalt  }
0x40: {  	_ =	shalt  }
0x41: {  	_ =	shalt  }
0x42: {  	_ =	shalt  }
0x43: {  	_ =	shalt  }
0x44: {  	_ =	shalt  }
0x45: {  	_ =	shalt  }
0x46: {  	_ =	shalt  }
0x47: {  	_ =	shalt  }
0x48: {  	_ =	shalt  }
0x49: {  	_ =	shalt  }
0x4a: {  	_ =	shalt  }
0x4b: {  	_ =	shalt  }
0x4c: {  	_ =	shalt  }
0x4d: {  	_ =	shalt  }
0x4e: {  	_ =	shalt  }
0x4f: {  	_ =	shalt  }
0x50: {  	_ =	shalt  }
0x51: {  	_ =	shalt  }
0x52: {  	_ =	shalt  }
0x53: {  	_ =	shalt  }
0x54: {  	_ =	shalt  }
0x55: {  	_ =	shalt  }
0x56: {  	_ =	shalt  }
0x57: {  	_ =	shalt  }
0x58: {  	_ =	shalt  }
0x59: {  	_ =	shalt  }
0x5a: {  	_ =	shalt  }
0x5b: {  	_ =	shalt  }
0x5c: {  	_ =	shalt  }
0x5d: {  	_ =	shalt  }
0x5e: {  	_ =	shalt  }
0x5f: {  	_ =	shalt  }
0x60: {  	_ =	shalt  }
0x61: {  	_ =	shalt  }
0x62: {  	_ =	shalt  }
0x63: {  	_ =	shalt  }
0x64: {  	_ =	shalt  }
0x65: {  	_ =	shalt  }
0x66: {  	_ =	shalt  }
0x67: {  	_ =	shalt  }
0x68: {  	_ =	shalt  }
0x69: {  	_ =	shalt  }
0x6a: {  	_ =	shalt  }
0x6b: {  	_ =	shalt  }
0x6c: {  	_ =	shalt  }
0x6d: {  	_ =	shalt  }
0x6e: {  	_ =	shalt  }
0x6f: {  	_ =	shalt  }
0x70: {  	_ =	shalt  }
0x71: {  	_ =	shalt  }
0x72: {  	_ =	shalt  }
0x73: {  	_ =	shalt  }
0x74: {  	_ =	shalt  }
0x75: {  	_ =	shalt  }
0x76: {  	_ =	shalt  }
0x77: {  	_ =	shalt  }
0x78: {  	_ =	shalt  }
0x79: {  	_ =	shalt  }
0x7a: {  	_ =	shalt  }
0x7b: {  	_ =	shalt  }
0x7c: {  	_ =	shalt  }
0x7d: {  	_ =	shalt  }
0x7e: {  	_ =	shalt  }
0x7f: {  	_ =	shalt  }
0x80: {  	_ =	shalt  }
0x81: {  	_ =	shalt  }
0x82: {  	_ =	shalt  }
0x83: {  	_ =	shalt  }
0x84: {  	_ =	shalt  }
0x85: {  	_ =	shalt  }
0x86: {  	_ =	shalt  }
0x87: {  	_ =	shalt  }
.Lfunc_end0:
.L_simem_size_0:
called_computation_lowered:
.L_overlay_start_0:
0x88: {  	s2 =	sld [smem:$0x3FD9]  }
0x89: {  	s3 =	sld [smem:$0x3FFE];
	_ =	sdelay $0x1  }
0x8a: {  	s1 =	srdreg.scid  }
0x8b: {  	s0 =	sand.u32 $0x1, s1  }
0x8c: {  	s17 =	sshll.u32 s0, $0xA;
	s2 =	sadd.s32 s3, s2  }
0x8d: {  	s2 =	sadd.s32 s2, s17  }
0x8e: {  	[smem:$0x3FC2] =	sst s2  }
0x8f: {  	_ = 	snop  }
0x90: {  	s2 =	sld [smem:$0x3FD0];
	(tm) =	ssettm $0x1  }
0x91: {  	s18 =	sld [smem:$0x3FFB];
	_ =	sdelay $0x3  }
0x92: {  	_ =	strace s18  }
0x93: {  	s3 =	sld [smem:$0x3FFC];
	_ =	sdelay $0x3  }
0x94: {  	_ =	strace s3  }
0x95: {  	s3 =	sld [smem:$0x3FFD];
	_ =	sdelay $0x3  }
0x96: {  	_ =	strace s3  }
0x97: {  	_ =	strace $0x8FFFFFFF  }
0x98: {  	s19 =	sld [smem:$0x3FDB];
	_ =	sdelay $0x1  }
0x99: {  	s4 =	simm.s32 $_scs_section_size  }
0x9a: {  	s5 =	simm.s32 $_size__tile_overlayer_lowered;
	s6 =	simm.s32 $_tile_overlayer_lowered  }
0x9b: {  	s22 =	simm.s32 $0x1BFF;
	s21 =	sshll.u32 s6, $0x1;
	s3 =	sadd.s32 s4, s19  }
0x9c: {  	s7 =	simm.s32 $0x0;
	s20 =	sshll.u32 s5, $0x1;
	s5 =	sadd.s32 s21, s3  }
0x9d: {  	[timem:s7], [sflag:s22] =	dma.local [hbm:s5], s20  }
0x9e: {  	_ =	swait.ge [sflag:s22], s20  }
0x9f: {  	s4 =	ssub.s32 $0x0, s20;
	[sflag:s22] =	ssyncset.done $0x0  }
0xa0: {  	[sflag:s22] =	ssyncadd.s32 s4;
	_ =	sdelay $0x1  }
0xa1: {  	s23 =	simm.s32 $0x1B8B  }
0xa2: {  	_ =	swait.ge [sflag:s23], $0x1  }
0xa3: {  	[sflag:s23] =	ssyncset.done $0x0  }
0xa4: {  	s25 =	simm.s32 $0x1B8E;
	s24 =	sld [smem:$0x3FFE];
	[sflag:s23] =	ssyncadd.s32 $0xFFFFFFFF  }
0xa5: {  	s26 =	simm.s32 $execute0_lowered;
	[smem:$0x3FD2] =	sst s25  }
0xa6: {  	s5 =	sshll.u32 s26, $0x1;
	_ =	strace $0x80000046;
	[dreg:$0x1] =	wrdreg $0xFFFFFFFF  }
0xa7: {  	s28 =	simm.s32 $_size_execute0_lowered;
	s3 =	sadd.s32 s3, s5;
	[dreg:$0x0] =	wrdreg $0x0  }
0xa8: {  	s5 =	sshll.u32 s28, $0x1;
	[dreg:$0x2] =	wrdreg s3  }
0xa9: {  	[dreg:$0x3] =	wrdreg s5  }
0xaa: {  	[dreg:$0x4] =	wrdreg $0xC0  }
0xab: {  	_ =	task [dreg:s7], $0x5FFFF  }
0xac: {  	[dreg:$0x1] =	wrdreg $0xFFFFFFFF  }
0xad: {  	[dreg:$0x0] =	wrdreg $0x60  }
0xae: {  	[dreg:$0x2] =	wrdreg s24  }
0xaf: {  	[dreg:$0x3] =	wrdreg s2  }
0xb0: {  	[dreg:$0x4] =	wrdreg $0x9  }
0xb1: {  	_ =	task.clear_ibuf [dreg:s7], $0x5FFFF;
	_ =	strace $0x90000046  }
0xb2: {  	s29 =	simm.s32 $0x9;
	_ =	strace $0x80000048  }
0xb3: {  	_ =	swait.ge [sflag:s29], $0x1  }
0xb4: {  	[sflag:s29] =	ssyncadd.s32 $0xFFFFFFFF  }
0xb5: {  	_ =	strace $0x90000048  }
0xb6: {  	_ =	sfence  }
0xb7: {  	s30 =	sld [smem:$0x0];
	_ =	sdelay $0x2  }
0xb8: {  	s31 =	sshll.u32 s1, $0xD;
	s1 =	sshrl.u32 s1, $0x2  }
0xb9: {  	s3 =	sand.u32 $0x4000, s31;
	s1 =	sadd.s32 s1, s30  }
0xba: {  	s0 =	sor.u32 s3, s0;
	s1 =	sshll.u32 s1, $0x11  }
0xbb: {  	s0 =	sor.u32 s1, s0  }
0xbc: {  	s0 =	sadd.s32 $0x8F2B, s0  }
0xbd: {  	[sflag:s0] =	ssyncadd.remote.s32 $0x1  }
0xbe: {  	_ =	sfence.sel $0xFFFF  }
0xbf: {  	[dreg:$0x0] =	wrdreg $0xFFFFFFFF;
	(pc) =	sbr.abs _section_cstart, $3  }
0xc0: {  	[dreg:$0x1] =	wrdreg $0xFFFFFFFF  }
0xc1: {  	_ =	task.clear_ibuf [dreg:s7], $0x2FFFF;
	_ =	strace $0x9FFFFFFF  }
0xc2: {  	(tm) =	ssettm $0x7FFFFFFF  }
0xc3: {  	_ =	shalt  }
tec
execute0_lowered:
.L_overlay_start_1:
0x0: {  	(tag) =	ssettag $0x1  }
0x1: {  	s0 =	rddreg [dreg:$0x0]  }
0x2: {  	s1 =	rddreg [dreg:$0x1]  }
0x3: {  	s2 =	srdreg.scid;
	s5 =	stileid.u32  }
0x4: {  	s11 =	simm.s32 $0x3;
	s13 =	simm.s32 $0x100;
	s14 =	simm.s32 $0xA900  }
0x5: {  	s15 =	simm.s32 $0xB100;
	s16 =	simm.s32 $0xB900;
	s17 =	simm.s32 $0xC100  }
0x6: {  	s18 =	simm.s32 $0xC900;
	s19 =	simm.s32 $0xD100;
	s20 =	simm.s32 $0xD900  }
0x7: {  	s21 =	simm.s32 $0xE100;
	s22 =	simm.s32 $0xE900;
	s23 =	simm.s32 $0xF100  }
0x8: {  	s24 =	simm.s32 $0xF900;
	s25 =	simm.s32 $0x1;
	s26 =	simm.s32 $0x2  }
0x9: {  	s28 =	simm.s32 $0x0;
	s3 =	sand.u32 $0x1, s2;
	s2 =	simm.s32 $0x0  }
0xa: {  	s5 =	sshll.u32 s5, $0x5;
	s7 =	sadd.s32 $0x600, s0;
	s8 =	sadd.s32 $0x700, s0  }
0xb: {  	s4 =	sshll.u32 s3, $0x9;
	[smem:$0x7FF] =	sst s2;
	s30 =	ssub.s32 $0x2, s3  }
0xc: {  	s3 =	sadd.s32 $0x400, s0;
	s9 =	sor.u32 s5, s4;
	s6 =	sshrl.u32 s30, $0x1  }
0xd: {  	v2 =	vlaneseq.u32;
	_ =	strace $0x80000047;
	s4 =	sshrl.u32 s9, $0x3;
	s10 =	ssub.s32 s30, s6  }
0xe: {  	vm0 =	vmmov $0xffff;
	v1 =	vshrl.u32 v2, $0x3;
	s6 =	sadd.s32 $0x500, s0;
	s31 =	sshll.u32 s9, $0x7;
	s4 =	sadd.s32 s0, s4  }
0xf: {  	v0 =	vand.u32 $0x7, v2;
	v2 =	vor.u32 $0x8, v2;
	v1 =	vmul.u32 $0x8, v1;
	s9 =	sadd.s32 s1, s31;
	s10 =	smax.u32 s10, $0x1;
	s5 =	sadd.s32 $0x200, s4  }
.LBB2_1:
0x10: {  	[tilespmem:s2], [sflag:$0x3] =	stream.linear.gather [hbm4b:s4+s2], $0x20, $0x38;
	[tilespmem:$0x10100] =	vst v63  }
0x11: {  	_ =	swait.ge [sflag:s11], $0x20  }
0x12: {  	[sflag:s11] =	ssyncset.done $0x0  }
0x13: {  	s0 =	simm.s32 $0x80;
	[sflag:s11] =	ssyncadd.s32 $0xFFFFFFE0  }
0x14: {  	[tilespmem:s0], [sflag:$0x3] =	stream.linear.gather [hbm4b:s5+s2], $0x20, $0x38;
	[tilespmem:$0x10100] =	vst v63  }
0x15: {  	_ =	swait.ge [sflag:s11], $0x20  }
0x16: {  	[sflag:s11] =	ssyncset.done $0x0  }
0x17: {  	[sflag:s11] =	ssyncadd.s32 $0xFFFFFFE0  }
0x18: {  	v3 =	vld [tilespmem:$0x0];
	_ =	sdelay $0x4  }
0x19: {  	v4 =	vshll.u32 v3, $0x3  }
0x1a: {  	v3 =	vand.u32 $0x7, v3;
	v4 =	vand.u32 $0xFFFFFFC0, v4  }
0x1b: {  	v3 =	vor.u32 v3, v4  }
0x1c: {  	v4 =	vperm.xlane v3, v0;
	_ =	sdelay $0x1  }
0x1d: {  	v4 =	vadd.s32 v1, v4;
	_ =	sdelay $0x4  }
0x1e: {  	[tilespmem:s13], [sflag:$0x1] =	stream.indirect_vreg.gather [hbm4b:s3+s2], $0x80, v4, vm0, $0xb8;
	[tilespmem:$0x10100] =	vst v63  }
0x1f: {  	s1 =	simm.s32 $0x900;
	v3 =	vperm.xlane v3, v2  }
0x20: {  	[tilespmem:s1], [sflag:$0x1] =	stream.indirect_vreg.gather [hbm4b:s6+s2], $0x80, v4, vm0, $0xb8;
	[tilespmem:$0x10100] =	vst v63  }
0x21: {  	s12 =	simm.s32 $0x1100;
	v3 =	vadd.s32 v1, v3  }
0x22: {  	[tilespmem:s12], [sflag:$0x1] =	stream.indirect_vreg.gather [hbm4b:s7+s2], $0x80, v4, vm0, $0xb8;
	[tilespmem:$0x10100] =	vst v63  }
0x23: {  	s1 =	simm.s32 $0x1900  }
0x24: {  	[tilespmem:s1], [sflag:$0x1] =	stream.indirect_vreg.gather [hbm4b:s8+s2], $0x80, v4, vm0, $0xb8;
	[tilespmem:$0x10100] =	vst v63  }
0x25: {  	s12 =	simm.s32 $0x2100  }
0x26: {  	[tilespmem:s12], [sflag:$0x1] =	stream.indirect_vreg.gather [hbm4b:s3+s2], $0x80, v3, vm0, $0xb8;
	[tilespmem:$0x10100] =	vst v63  }
0x27: {  	s1 =	simm.s32 $0x2900  }
0x28: {  	[tilespmem:s1], [sflag:$0x1] =	stream.indirect_vreg.gather [hbm4b:s6+s2], $0x80, v3, vm0, $0xb8;
	[tilespmem:$0x10100] =	vst v63  }
0x29: {  	s12 =	simm.s32 $0x3100  }
0x2a: {  	[tilespmem:s12], [sflag:$0x1] =	stream.indirect_vreg.gather [hbm4b:s7+s2], $0x80, v3, vm0, $0xb8;
	[tilespmem:$0x10100] =	vst v63  }
0x2b: {  	s1 =	simm.s32 $0x3900  }
0x2c: {  	[tilespmem:s1], [sflag:$0x1] =	stream.indirect_vreg.gather [hbm4b:s8+s2], $0x80, v3, vm0, $0xb8;
	[tilespmem:$0x10100] =	vst v63  }
0x2d: {  	v3 =	vld [tilespmem:$0x10];
	_ =	sdelay $0x4  }
0x2e: {  	v4 =	vshll.u32 v3, $0x3  }
0x2f: {  	v3 =	vand.u32 $0x7, v3;
	v4 =	vand.u32 $0xFFFFFFC0, v4  }
0x30: {  	v3 =	vor.u32 v3, v4  }
0x31: {  	v4 =	vperm.xlane v3, v0;
	_ =	sdelay $0x1  }
0x32: {  	v4 =	vadd.s32 v1, v4;
	_ =	sdelay $0x3  }
0x33: {  	s12 =	simm.s32 $0x4100  }
0x34: {  	[tilespmem:s12], [sflag:$0x1] =	stream.indirect_vreg.gather [hbm4b:s3+s2], $0x80, v4, vm0, $0xb8;
	[tilespmem:$0x10100] =	vst v63  }
0x35: {  	s1 =	simm.s32 $0x4900;
	v3 =	vperm.xlane v3, v2  }
0x36: {  	[tilespmem:s1], [sflag:$0x1] =	stream.indirect_vreg.gather [hbm4b:s6+s2], $0x80, v4, vm0, $0xb8;
	[tilespmem:$0x10100] =	vst v63  }
0x37: {  	v3 =	vadd.s32 v1, v3;
	s12 =	simm.s32 $0x5100  }
0x38: {  	[tilespmem:s12], [sflag:$0x1] =	stream.indirect_vreg.gather [hbm4b:s7+s2], $0x80, v4, vm0, $0xb8;
	[tilespmem:$0x10100] =	vst v63  }
0x39: {  	s1 =	simm.s32 $0x5900  }
0x3a: {  	[tilespmem:s1], [sflag:$0x1] =	stream.indirect_vreg.gather [hbm4b:s8+s2], $0x80, v4, vm0, $0xb8;
	[tilespmem:$0x10100] =	vst v63  }
0x3b: {  	s12 =	simm.s32 $0x6100  }
0x3c: {  	[tilespmem:s12], [sflag:$0x1] =	stream.indirect_vreg.gather [hbm4b:s3+s2], $0x80, v3, vm0, $0xb8;
	[tilespmem:$0x10100] =	vst v63  }
0x3d: {  	s1 =	simm.s32 $0x6900  }
0x3e: {  	[tilespmem:s1], [sflag:$0x1] =	stream.indirect_vreg.gather [hbm4b:s6+s2], $0x80, v3, vm0, $0xb8;
	[tilespmem:$0x10100] =	vst v63  }
0x3f: {  	s12 =	simm.s32 $0x7100  }
0x40: {  	[tilespmem:s12], [sflag:$0x1] =	stream.indirect_vreg.gather [hbm4b:s7+s2], $0x80, v3, vm0, $0xb8;
	[tilespmem:$0x10100] =	vst v63  }
0x41: {  	s1 =	simm.s32 $0x7900  }
0x42: {  	[tilespmem:s1], [sflag:$0x1] =	stream.indirect_vreg.gather [hbm4b:s8+s2], $0x80, v3, vm0, $0xb8;
	[tilespmem:$0x10100] =	vst v63  }
0x43: {  	v3 =	vld [tilespmem:$0x80];
	_ =	sdelay $0x4  }
0x44: {  	v4 =	vshll.u32 v3, $0x3  }
0x45: {  	v3 =	vand.u32 $0x7, v3;
	v4 =	vand.u32 $0xFFFFFFC0, v4  }
0x46: {  	v3 =	vor.u32 v3, v4  }
0x47: {  	v4 =	vperm.xlane v3, v0;
	_ =	sdelay $0x1  }
0x48: {  	v4 =	vadd.s32 v1, v4;
	_ =	sdelay $0x3  }
0x49: {  	s12 =	simm.s32 $0x8100  }
0x4a: {  	[tilespmem:s12], [sflag:$0x2] =	stream.indirect_vreg.gather [hbm4b:s3+s2], $0x80, v4, vm0, $0xb8;
	[tilespmem:$0x10100] =	vst v63  }
0x4b: {  	s1 =	simm.s32 $0x8900;
	v3 =	vperm.xlane v3, v2  }
0x4c: {  	[tilespmem:s1], [sflag:$0x2] =	stream.indirect_vreg.gather [hbm4b:s6+s2], $0x80, v4, vm0, $0xb8;
	[tilespmem:$0x10100] =	vst v63  }
0x4d: {  	v3 =	vadd.s32 v1, v3;
	s12 =	simm.s32 $0x9100  }
0x4e: {  	[tilespmem:s12], [sflag:$0x2] =	stream.indirect_vreg.gather [hbm4b:s7+s2], $0x80, v4, vm0, $0xb8;
	[tilespmem:$0x10100] =	vst v63  }
0x4f: {  	s1 =	simm.s32 $0x9900  }
0x50: {  	[tilespmem:s1], [sflag:$0x2] =	stream.indirect_vreg.gather [hbm4b:s8+s2], $0x80, v4, vm0, $0xb8;
	[tilespmem:$0x10100] =	vst v63  }
0x51: {  	s12 =	simm.s32 $0xA100  }
0x52: {  	[tilespmem:s12], [sflag:$0x2] =	stream.indirect_vreg.gather [hbm4b:s3+s2], $0x80, v3, vm0, $0xb8;
	[tilespmem:$0x10100] =	vst v63  }
0x53: {  	_ = 	snop  }
0x54: {  	[tilespmem:s14], [sflag:$0x2] =	stream.indirect_vreg.gather [hbm4b:s6+s2], $0x80, v3, vm0, $0xb8;
	[tilespmem:$0x10100] =	vst v63  }
0x55: {  	_ = 	snop  }
0x56: {  	[tilespmem:s15], [sflag:$0x2] =	stream.indirect_vreg.gather [hbm4b:s7+s2], $0x80, v3, vm0, $0xb8;
	[tilespmem:$0x10100] =	vst v63  }
0x57: {  	_ = 	snop  }
0x58: {  	[tilespmem:s16], [sflag:$0x2] =	stream.indirect_vreg.gather [hbm4b:s8+s2], $0x80, v3, vm0, $0xb8;
	[tilespmem:$0x10100] =	vst v63  }
0x59: {  	v3 =	vld [tilespmem:$0x90];
	_ =	sdelay $0x4  }
0x5a: {  	v4 =	vshll.u32 v3, $0x3  }
0x5b: {  	v3 =	vand.u32 $0x7, v3;
	v4 =	vand.u32 $0xFFFFFFC0, v4  }
0x5c: {  	v3 =	vor.u32 v3, v4  }
0x5d: {  	v4 =	vperm.xlane v3, v0;
	_ =	sdelay $0x1  }
0x5e: {  	v4 =	vadd.s32 v1, v4;
	_ =	sdelay $0x4  }
0x5f: {  	[tilespmem:s17], [sflag:$0x2] =	stream.indirect_vreg.gather [hbm4b:s3+s2], $0x80, v4, vm0, $0xb8;
	[tilespmem:$0x10100] =	vst v63  }
0x60: {  	v3 =	vperm.xlane v3, v2  }
0x61: {  	[tilespmem:s18], [sflag:$0x2] =	stream.indirect_vreg.gather [hbm4b:s6+s2], $0x80, v4, vm0, $0xb8;
	[tilespmem:$0x10100] =	vst v63  }
0x62: {  	v3 =	vadd.s32 v1, v3  }
0x63: {  	[tilespmem:s19], [sflag:$0x2] =	stream.indirect_vreg.gather [hbm4b:s7+s2], $0x80, v4, vm0, $0xb8;
	[tilespmem:$0x10100] =	vst v63  }
0x64: {  	_ = 	snop  }
0x65: {  	[tilespmem:s20], [sflag:$0x2] =	stream.indirect_vreg.gather [hbm4b:s8+s2], $0x80, v4, vm0, $0xb8;
	[tilespmem:$0x10100] =	vst v63  }
0x66: {  	_ = 	snop  }
0x67: {  	[tilespmem:s21], [sflag:$0x2] =	stream.indirect_vreg.gather [hbm4b:s3+s2], $0x80, v3, vm0, $0xb8;
	[tilespmem:$0x10100] =	vst v63  }
0x68: {  	_ = 	snop  }
0x69: {  	[tilespmem:s22], [sflag:$0x2] =	stream.indirect_vreg.gather [hbm4b:s6+s2], $0x80, v3, vm0, $0xb8;
	[tilespmem:$0x10100] =	vst v63  }
0x6a: {  	_ = 	snop  }
0x6b: {  	[tilespmem:s23], [sflag:$0x2] =	stream.indirect_vreg.gather [hbm4b:s7+s2], $0x80, v3, vm0, $0xb8;
	[tilespmem:$0x10100] =	vst v63  }
0x6c: {  	_ = 	snop  }
0x6d: {  	[tilespmem:s24], [sflag:$0x2] =	stream.indirect_vreg.gather [hbm4b:s8+s2], $0x80, v3, vm0, $0xb8;
	[tilespmem:$0x10100] =	vst v63  }
0x6e: {  	_ =	swait.ge [sflag:s25], $0x8000  }
0x6f: {  	[sflag:s25] =	ssyncset.done $0x0  }
0x70: {  	[sflag:s25] =	ssyncadd.s32 $0xFFFF8000  }
0x71: {  	_ =	swait.ge [sflag:s26], $0x8000  }
0x72: {  	[sflag:s26] =	ssyncset.done $0x0  }
0x73: {  	s0 =	simm.s32 $0x140;
	[sflag:s26] =	ssyncadd.s32 $0xFFFF8000  }
0x74: {  	s1 =	simm.s32 $0x8140;
	v4 =	vld [tilespmem:s0+$0x30]  }
0x75: {  	v5 =	vld [tilespmem:s1+$0x30]  }
0x76: {  	v3 =	vld [tilespmem:s1+$0xFFFFFFC0]  }
0x77: {  	v6 =	vld [tilespmem:s0+$0xFFFFFFD0]  }
0x78: {  	v7 =	vld [tilespmem:s1+$0xFFFFFFD0]  }
0x79: {  	v8 =	vld [tilespmem:s0+$0xFFFFFFE0]  }
0x7a: {  	v9 =	vld [tilespmem:s1+$0xFFFFFFE0]  }
0x7b: {  	v10 =	vld [tilespmem:s0+$0xFFFFFFF0]  }
0x7c: {  	v11 =	vld [tilespmem:s1+$0xFFFFFFF0]  }
0x7d: {  	v12 =	vld [tilespmem:s0+$0x0]  }
0x7e: {  	v13 =	vld [tilespmem:s1+$0x0];
	v5 =	vadd.f32 v5, v4  }
0x7f: {  	v7 =	vadd.f32 v7, v6;
	v4 =	vld [tilespmem:s0+$0x10]  }
0x80: {  	v8 =	vadd.f32 v9, v8;
	v6 =	vld [tilespmem:s1+$0x10];
	[tilespmem:s0+$0x30] =	vst v5  }
0x81: {  	v9 =	vadd.f32 v11, v10;
	[tilespmem:s0+$0xFFFFFFD0] =	vst v7;
	v5 =	vld [tilespmem:s0+$0x20]  }
0x82: {  	s30 =	simm.s32 $0x0;
	[tilespmem:s0+$0xFFFFFFE0] =	vst v8;
	v7 =	vld [tilespmem:s1+$0x20]  }
0x83: {  	s31 =	simm.s32 $0x81F0;
	s29 =	simm.s32 $0x1F0;
	s12 =	simm.s32 $0x540;
	v8 =	vld [tilespmem:s0+$0xFFFFFFC0];
	[tilespmem:s0+$0xFFFFFFF0] =	vst v9;
	v9 =	vadd.f32 v13, v12  }
.LBB2_2:
0x84: {  	v10 =	vld [tilespmem:s12+$0x30];
	s1 =	sadd.s32 $0x400, s1  }
0x85: {  	s30 =	sadd.s32 $0x8, s30;
	v11 =	vld [tilespmem:s1+$0x30];
	[tilespmem:s0+$0x0] =	vst v9;
	v4 =	vadd.f32 v6, v4  }
0x86: {  	p0 =	slt.u32 s30, $0x38;
	v6 =	vld [tilespmem:s1+$0xFFFFFFC0]  }
0x87: {  	v9 =	vld [tilespmem:s12+$0xFFFFFFD0];
	[tilespmem:s0+$0x10] =	vst v4;
	v4 =	vadd.f32 v7, v5  }
0x88: {  	v5 =	vld [tilespmem:s1+$0xFFFFFFD0];
	v12 =	vadd.f32 v3, v8  }
0x89: {  	v7 =	vld [tilespmem:s12+$0xFFFFFFE0];
	[tilespmem:s0+$0x20] =	vst v4  }
0x8a: {  	v4 =	vld [tilespmem:s1+$0xFFFFFFE0];
	v8 =	vadd.f32 v11, v10;
	[tilespmem:s0+$0xFFFFFFC0] =	vst v12;
	s0 =	smov.u32 s12  }
0x8b: {  	v10 =	vld [tilespmem:s12+$0xFFFFFFF0];
	v3 =	vmov v6  }
0x8c: {  	v11 =	vld [tilespmem:s1+$0xFFFFFFF0];
	[tilespmem:s12+$0x30] =	vst v8  }
0x8d: {  	v5 =	vadd.f32 v5, v9;
	v9 =	vld [tilespmem:s12+$0x0]  }
0x8e: {  	v12 =	vld [tilespmem:s1+$0x0]  }
.Ltmp0:
0x8f: {  	[tilespmem:s12+$0xFFFFFFD0] =	vst v5;
	v5 =	vadd.f32 v4, v7;
	v4 =	vld [tilespmem:s12+$0x10];
	(pc) =	sbr.rel @p0 .LBB2_2-.Ltmp0, $4  }
0x90: {  	v6 =	vld [tilespmem:s1+$0x10]  }
0x91: {  	[tilespmem:s12+$0xFFFFFFE0] =	vst v5;
	v10 =	vadd.f32 v11, v10;
	v5 =	vld [tilespmem:s12+$0x20]  }
0x92: {  	v7 =	vld [tilespmem:s1+$0x20]  }
0x93: {  	s12 =	sadd.s32 $0x400, s12;
	v8 =	vld [tilespmem:s0+$0xFFFFFFC0];
	[tilespmem:s0+$0xFFFFFFF0] =	vst v10;
	v9 =	vadd.f32 v12, v9  }
0x94: {  	_ =	sdelay $0x1  }
0x95: {  	v4 =	vadd.f32 v6, v4  }
0x96: {  	[tilespmem:s0+$0x0] =	vst v9;
	v5 =	vadd.f32 v7, v5  }
0x97: {  	[tilespmem:s0+$0x10] =	vst v4;
	v3 =	vadd.f32 v3, v8  }
0x98: {  	[tilespmem:s0+$0x20] =	vst v5  }
0x99: {  	[tilespmem:s0+$0xFFFFFFC0] =	vst v3  }
0x9a: {  	v4 =	vld [tilespmem:s29+$0x0]  }
0x9b: {  	v5 =	vld [tilespmem:s31+$0x0]  }
0x9c: {  	v3 =	vld [tilespmem:s31+$0xFFFFFF90]  }
0x9d: {  	v6 =	vld [tilespmem:s29+$0xFFFFFFA0]  }
0x9e: {  	v7 =	vld [tilespmem:s31+$0xFFFFFFA0]  }
0x9f: {  	v8 =	vld [tilespmem:s29+$0xFFFFFFB0]  }
0xa0: {  	v9 =	vld [tilespmem:s31+$0xFFFFFFB0]  }
0xa1: {  	v10 =	vld [tilespmem:s29+$0xFFFFFFC0]  }
0xa2: {  	v11 =	vld [tilespmem:s31+$0xFFFFFFC0]  }
0xa3: {  	v12 =	vld [tilespmem:s29+$0xFFFFFFD0]  }
0xa4: {  	v13 =	vld [tilespmem:s31+$0xFFFFFFD0];
	v5 =	vadd.f32 v5, v4  }
0xa5: {  	v7 =	vadd.f32 v7, v6;
	v4 =	vld [tilespmem:s29+$0xFFFFFFE0]  }
0xa6: {  	v8 =	vadd.f32 v9, v8;
	v6 =	vld [tilespmem:s31+$0xFFFFFFE0];
	[tilespmem:s29+$0x0] =	vst v5  }
0xa7: {  	v9 =	vadd.f32 v11, v10;
	[tilespmem:s29+$0xFFFFFFA0] =	vst v7;
	v5 =	vld [tilespmem:s29+$0xFFFFFFF0]  }
0xa8: {  	s1 =	simm.s32 $0x0;
	[tilespmem:s29+$0xFFFFFFB0] =	vst v8;
	v7 =	vld [tilespmem:s31+$0xFFFFFFF0]  }
0xa9: {  	s30 =	simm.s32 $0x270;
	s12 =	simm.s32 $0x5F0;
	s0 =	simm.s32 $0x8270;
	v8 =	vld [tilespmem:s29+$0xFFFFFF90];
	[tilespmem:s29+$0xFFFFFFC0] =	vst v9;
	v9 =	vadd.f32 v13, v12  }
.LBB2_4:
0xaa: {  	v10 =	vld [tilespmem:s12+$0x0];
	s31 =	sadd.s32 $0x400, s31  }
0xab: {  	s1 =	sadd.s32 $0x8, s1;
	v11 =	vld [tilespmem:s31+$0x0];
	[tilespmem:s29+$0xFFFFFFD0] =	vst v9;
	v4 =	vadd.f32 v6, v4  }
0xac: {  	p0 =	slt.u32 s1, $0x38;
	v6 =	vld [tilespmem:s31+$0xFFFFFF90]  }
0xad: {  	v9 =	vld [tilespmem:s12+$0xFFFFFFA0];
	[tilespmem:s29+$0xFFFFFFE0] =	vst v4;
	v4 =	vadd.f32 v7, v5  }
0xae: {  	v5 =	vld [tilespmem:s31+$0xFFFFFFA0];
	v12 =	vadd.f32 v3, v8  }
0xaf: {  	v7 =	vld [tilespmem:s12+$0xFFFFFFB0];
	[tilespmem:s29+$0xFFFFFFF0] =	vst v4  }
0xb0: {  	v4 =	vld [tilespmem:s31+$0xFFFFFFB0];
	v8 =	vadd.f32 v11, v10;
	[tilespmem:s29+$0xFFFFFF90] =	vst v12;
	s29 =	smov.u32 s12  }
0xb1: {  	v10 =	vld [tilespmem:s12+$0xFFFFFFC0];
	v3 =	vmov v6  }
0xb2: {  	v11 =	vld [tilespmem:s31+$0xFFFFFFC0];
	[tilespmem:s12+$0x0] =	vst v8  }
0xb3: {  	v5 =	vadd.f32 v5, v9;
	v9 =	vld [tilespmem:s12+$0xFFFFFFD0]  }
0xb4: {  	v12 =	vld [tilespmem:s31+$0xFFFFFFD0]  }
.Ltmp1:
0xb5: {  	[tilespmem:s12+$0xFFFFFFA0] =	vst v5;
	v5 =	vadd.f32 v4, v7;
	v4 =	vld [tilespmem:s12+$0xFFFFFFE0];
	(pc) =	sbr.rel @p0 .LBB2_4-.Ltmp1, $4  }
0xb6: {  	v6 =	vld [tilespmem:s31+$0xFFFFFFE0]  }
0xb7: {  	[tilespmem:s12+$0xFFFFFFB0] =	vst v5;
	v10 =	vadd.f32 v11, v10;
	v5 =	vld [tilespmem:s12+$0xFFFFFFF0]  }
0xb8: {  	v7 =	vld [tilespmem:s31+$0xFFFFFFF0]  }
0xb9: {  	s12 =	sadd.s32 $0x400, s12;
	v8 =	vld [tilespmem:s29+$0xFFFFFF90];
	[tilespmem:s29+$0xFFFFFFC0] =	vst v10;
	v9 =	vadd.f32 v12, v9  }
0xba: {  	_ =	sdelay $0x1  }
0xbb: {  	v4 =	vadd.f32 v6, v4  }
0xbc: {  	[tilespmem:s29+$0xFFFFFFD0] =	vst v9;
	v5 =	vadd.f32 v7, v5  }
0xbd: {  	[tilespmem:s29+$0xFFFFFFE0] =	vst v4;
	v3 =	vadd.f32 v3, v8  }
0xbe: {  	[tilespmem:s29+$0xFFFFFFF0] =	vst v5  }
0xbf: {  	[tilespmem:s29+$0xFFFFFF90] =	vst v3  }
0xc0: {  	v4 =	vld [tilespmem:s30+$0x0]  }
0xc1: {  	v5 =	vld [tilespmem:s0+$0x0]  }
0xc2: {  	v3 =	vld [tilespmem:s0+$0xFFFFFF90]  }
0xc3: {  	v6 =	vld [tilespmem:s30+$0xFFFFFFA0]  }
0xc4: {  	v7 =	vld [tilespmem:s0+$0xFFFFFFA0]  }
0xc5: {  	v8 =	vld [tilespmem:s30+$0xFFFFFFB0]  }
0xc6: {  	v9 =	vld [tilespmem:s0+$0xFFFFFFB0]  }
0xc7: {  	v10 =	vld [tilespmem:s30+$0xFFFFFFC0]  }
0xc8: {  	v11 =	vld [tilespmem:s0+$0xFFFFFFC0]  }
0xc9: {  	v12 =	vld [tilespmem:s30+$0xFFFFFFD0]  }
0xca: {  	v13 =	vld [tilespmem:s0+$0xFFFFFFD0];
	v5 =	vadd.f32 v5, v4  }
0xcb: {  	v7 =	vadd.f32 v7, v6;
	v4 =	vld [tilespmem:s30+$0xFFFFFFE0]  }
0xcc: {  	v8 =	vadd.f32 v9, v8;
	v6 =	vld [tilespmem:s0+$0xFFFFFFE0];
	[tilespmem:s30+$0x0] =	vst v5  }
0xcd: {  	v9 =	vadd.f32 v11, v10;
	[tilespmem:s30+$0xFFFFFFA0] =	vst v7;
	v5 =	vld [tilespmem:s30+$0xFFFFFFF0]  }
0xce: {  	s1 =	simm.s32 $0x0;
	[tilespmem:s30+$0xFFFFFFB0] =	vst v8;
	v7 =	vld [tilespmem:s0+$0xFFFFFFF0]  }
0xcf: {  	s31 =	simm.s32 $0x82F0;
	s12 =	simm.s32 $0x670;
	s29 =	simm.s32 $0x2F0;
	v8 =	vld [tilespmem:s30+$0xFFFFFF90];
	[tilespmem:s30+$0xFFFFFFC0] =	vst v9;
	v9 =	vadd.f32 v13, v12  }
.LBB2_6:
0xd0: {  	v10 =	vld [tilespmem:s12+$0x0];
	s0 =	sadd.s32 $0x400, s0  }
0xd1: {  	s1 =	sadd.s32 $0x8, s1;
	v11 =	vld [tilespmem:s0+$0x0];
	[tilespmem:s30+$0xFFFFFFD0] =	vst v9;
	v4 =	vadd.f32 v6, v4  }
0xd2: {  	p0 =	slt.u32 s1, $0x38;
	v6 =	vld [tilespmem:s0+$0xFFFFFF90]  }
0xd3: {  	v9 =	vld [tilespmem:s12+$0xFFFFFFA0];
	[tilespmem:s30+$0xFFFFFFE0] =	vst v4;
	v4 =	vadd.f32 v7, v5  }
0xd4: {  	v5 =	vld [tilespmem:s0+$0xFFFFFFA0];
	v12 =	vadd.f32 v3, v8  }
0xd5: {  	v7 =	vld [tilespmem:s12+$0xFFFFFFB0];
	[tilespmem:s30+$0xFFFFFFF0] =	vst v4  }
0xd6: {  	v4 =	vld [tilespmem:s0+$0xFFFFFFB0];
	v8 =	vadd.f32 v11, v10;
	[tilespmem:s30+$0xFFFFFF90] =	vst v12;
	s30 =	smov.u32 s12  }
0xd7: {  	v10 =	vld [tilespmem:s12+$0xFFFFFFC0];
	v3 =	vmov v6  }
0xd8: {  	v11 =	vld [tilespmem:s0+$0xFFFFFFC0];
	[tilespmem:s12+$0x0] =	vst v8  }
0xd9: {  	v5 =	vadd.f32 v5, v9;
	v9 =	vld [tilespmem:s12+$0xFFFFFFD0]  }
0xda: {  	v12 =	vld [tilespmem:s0+$0xFFFFFFD0]  }
.Ltmp2:
0xdb: {  	[tilespmem:s12+$0xFFFFFFA0] =	vst v5;
	v5 =	vadd.f32 v4, v7;
	v4 =	vld [tilespmem:s12+$0xFFFFFFE0];
	(pc) =	sbr.rel @p0 .LBB2_6-.Ltmp2, $4  }
0xdc: {  	v6 =	vld [tilespmem:s0+$0xFFFFFFE0]  }
0xdd: {  	[tilespmem:s12+$0xFFFFFFB0] =	vst v5;
	v10 =	vadd.f32 v11, v10;
	v5 =	vld [tilespmem:s12+$0xFFFFFFF0]  }
0xde: {  	v7 =	vld [tilespmem:s0+$0xFFFFFFF0]  }
0xdf: {  	s12 =	sadd.s32 $0x400, s12;
	v8 =	vld [tilespmem:s30+$0xFFFFFF90];
	[tilespmem:s30+$0xFFFFFFC0] =	vst v10;
	v9 =	vadd.f32 v12, v9  }
0xe0: {  	_ =	sdelay $0x1  }
0xe1: {  	v4 =	vadd.f32 v6, v4  }
0xe2: {  	[tilespmem:s30+$0xFFFFFFD0] =	vst v9;
	v5 =	vadd.f32 v7, v5  }
0xe3: {  	[tilespmem:s30+$0xFFFFFFE0] =	vst v4;
	v3 =	vadd.f32 v3, v8  }
0xe4: {  	[tilespmem:s30+$0xFFFFFFF0] =	vst v5  }
0xe5: {  	[tilespmem:s30+$0xFFFFFF90] =	vst v3  }
0xe6: {  	v4 =	vld [tilespmem:s29+$0x0]  }
0xe7: {  	v5 =	vld [tilespmem:s31+$0x0]  }
0xe8: {  	v3 =	vld [tilespmem:s31+$0xFFFFFF90]  }
0xe9: {  	v6 =	vld [tilespmem:s29+$0xFFFFFFA0]  }
0xea: {  	v7 =	vld [tilespmem:s31+$0xFFFFFFA0]  }
0xeb: {  	v8 =	vld [tilespmem:s29+$0xFFFFFFB0]  }
0xec: {  	v9 =	vld [tilespmem:s31+$0xFFFFFFB0]  }
0xed: {  	v10 =	vld [tilespmem:s29+$0xFFFFFFC0]  }
0xee: {  	v11 =	vld [tilespmem:s31+$0xFFFFFFC0]  }
0xef: {  	v12 =	vld [tilespmem:s29+$0xFFFFFFD0]  }
0xf0: {  	v13 =	vld [tilespmem:s31+$0xFFFFFFD0];
	v5 =	vadd.f32 v5, v4  }
0xf1: {  	v7 =	vadd.f32 v7, v6;
	v4 =	vld [tilespmem:s29+$0xFFFFFFE0]  }
0xf2: {  	v8 =	vadd.f32 v9, v8;
	v6 =	vld [tilespmem:s31+$0xFFFFFFE0];
	[tilespmem:s29+$0x0] =	vst v5  }
0xf3: {  	v9 =	vadd.f32 v11, v10;
	[tilespmem:s29+$0xFFFFFFA0] =	vst v7;
	v5 =	vld [tilespmem:s29+$0xFFFFFFF0]  }
0xf4: {  	s1 =	simm.s32 $0x0;
	[tilespmem:s29+$0xFFFFFFB0] =	vst v8;
	v7 =	vld [tilespmem:s31+$0xFFFFFFF0]  }
0xf5: {  	s0 =	simm.s32 $0x8370;
	s12 =	simm.s32 $0x6F0;
	s30 =	simm.s32 $0x370;
	v8 =	vld [tilespmem:s29+$0xFFFFFF90];
	[tilespmem:s29+$0xFFFFFFC0] =	vst v9;
	v9 =	vadd.f32 v13, v12  }
.LBB2_8:
0xf6: {  	v10 =	vld [tilespmem:s12+$0x0];
	s31 =	sadd.s32 $0x400, s31  }
0xf7: {  	s1 =	sadd.s32 $0x8, s1;
	v11 =	vld [tilespmem:s31+$0x0];
	[tilespmem:s29+$0xFFFFFFD0] =	vst v9;
	v4 =	vadd.f32 v6, v4  }
0xf8: {  	p0 =	slt.u32 s1, $0x38;
	v6 =	vld [tilespmem:s31+$0xFFFFFF90]  }
0xf9: {  	v9 =	vld [tilespmem:s12+$0xFFFFFFA0];
	[tilespmem:s29+$0xFFFFFFE0] =	vst v4;
	v4 =	vadd.f32 v7, v5  }
0xfa: {  	v5 =	vld [tilespmem:s31+$0xFFFFFFA0];
	v12 =	vadd.f32 v3, v8  }
0xfb: {  	v7 =	vld [tilespmem:s12+$0xFFFFFFB0];
	[tilespmem:s29+$0xFFFFFFF0] =	vst v4  }
0xfc: {  	v4 =	vld [tilespmem:s31+$0xFFFFFFB0];
	v8 =	vadd.f32 v11, v10;
	[tilespmem:s29+$0xFFFFFF90] =	vst v12;
	s29 =	smov.u32 s12  }
0xfd: {  	v10 =	vld [tilespmem:s12+$0xFFFFFFC0];
	v3 =	vmov v6  }
0xfe: {  	v11 =	vld [tilespmem:s31+$0xFFFFFFC0];
	[tilespmem:s12+$0x0] =	vst v8  }
0xff: {  	v5 =	vadd.f32 v5, v9;
	v9 =	vld [tilespmem:s12+$0xFFFFFFD0]  }
0x100: {  	v12 =	vld [tilespmem:s31+$0xFFFFFFD0]  }
.Ltmp3:
0x101: {  	[tilespmem:s12+$0xFFFFFFA0] =	vst v5;
	v5 =	vadd.f32 v4, v7;
	v4 =	vld [tilespmem:s12+$0xFFFFFFE0];
	(pc) =	sbr.rel @p0 .LBB2_8-.Ltmp3, $4  }
0x102: {  	v6 =	vld [tilespmem:s31+$0xFFFFFFE0]  }
0x103: {  	[tilespmem:s12+$0xFFFFFFB0] =	vst v5;
	v10 =	vadd.f32 v11, v10;
	v5 =	vld [tilespmem:s12+$0xFFFFFFF0]  }
0x104: {  	v7 =	vld [tilespmem:s31+$0xFFFFFFF0]  }
0x105: {  	s12 =	sadd.s32 $0x400, s12;
	v8 =	vld [tilespmem:s29+$0xFFFFFF90];
	[tilespmem:s29+$0xFFFFFFC0] =	vst v10;
	v9 =	vadd.f32 v12, v9  }
0x106: {  	_ =	sdelay $0x1  }
0x107: {  	v4 =	vadd.f32 v6, v4  }
0x108: {  	[tilespmem:s29+$0xFFFFFFD0] =	vst v9;
	v5 =	vadd.f32 v7, v5  }
0x109: {  	[tilespmem:s29+$0xFFFFFFE0] =	vst v4;
	v3 =	vadd.f32 v3, v8  }
0x10a: {  	[tilespmem:s29+$0xFFFFFFF0] =	vst v5  }
0x10b: {  	[tilespmem:s29+$0xFFFFFF90] =	vst v3  }
0x10c: {  	v4 =	vld [tilespmem:s30+$0x0]  }
0x10d: {  	v5 =	vld [tilespmem:s0+$0x0]  }
0x10e: {  	v3 =	vld [tilespmem:s0+$0xFFFFFF90]  }
0x10f: {  	v6 =	vld [tilespmem:s30+$0xFFFFFFA0]  }
0x110: {  	v7 =	vld [tilespmem:s0+$0xFFFFFFA0]  }
0x111: {  	v8 =	vld [tilespmem:s30+$0xFFFFFFB0]  }
0x112: {  	v9 =	vld [tilespmem:s0+$0xFFFFFFB0]  }
0x113: {  	v10 =	vld [tilespmem:s30+$0xFFFFFFC0]  }
0x114: {  	v11 =	vld [tilespmem:s0+$0xFFFFFFC0]  }
0x115: {  	v12 =	vld [tilespmem:s30+$0xFFFFFFD0]  }
0x116: {  	v13 =	vld [tilespmem:s0+$0xFFFFFFD0];
	v5 =	vadd.f32 v5, v4  }
0x117: {  	v7 =	vadd.f32 v7, v6;
	v4 =	vld [tilespmem:s30+$0xFFFFFFE0]  }
0x118: {  	v8 =	vadd.f32 v9, v8;
	v6 =	vld [tilespmem:s0+$0xFFFFFFE0];
	[tilespmem:s30+$0x0] =	vst v5  }
0x119: {  	v9 =	vadd.f32 v11, v10;
	[tilespmem:s30+$0xFFFFFFA0] =	vst v7;
	v5 =	vld [tilespmem:s30+$0xFFFFFFF0]  }
0x11a: {  	s1 =	simm.s32 $0x0;
	[tilespmem:s30+$0xFFFFFFB0] =	vst v8;
	v7 =	vld [tilespmem:s0+$0xFFFFFFF0]  }
0x11b: {  	s31 =	simm.s32 $0x83F0;
	s12 =	simm.s32 $0x770;
	s29 =	simm.s32 $0x3F0;
	v8 =	vld [tilespmem:s30+$0xFFFFFF90];
	[tilespmem:s30+$0xFFFFFFC0] =	vst v9;
	v9 =	vadd.f32 v13, v12  }
.LBB2_10:
0x11c: {  	v10 =	vld [tilespmem:s12+$0x0];
	s0 =	sadd.s32 $0x400, s0  }
0x11d: {  	s1 =	sadd.s32 $0x8, s1;
	v11 =	vld [tilespmem:s0+$0x0];
	[tilespmem:s30+$0xFFFFFFD0] =	vst v9;
	v4 =	vadd.f32 v6, v4  }
0x11e: {  	p0 =	slt.u32 s1, $0x38;
	v6 =	vld [tilespmem:s0+$0xFFFFFF90]  }
0x11f: {  	v9 =	vld [tilespmem:s12+$0xFFFFFFA0];
	[tilespmem:s30+$0xFFFFFFE0] =	vst v4;
	v4 =	vadd.f32 v7, v5  }
0x120: {  	v5 =	vld [tilespmem:s0+$0xFFFFFFA0];
	v12 =	vadd.f32 v3, v8  }
0x121: {  	v7 =	vld [tilespmem:s12+$0xFFFFFFB0];
	[tilespmem:s30+$0xFFFFFFF0] =	vst v4  }
0x122: {  	v4 =	vld [tilespmem:s0+$0xFFFFFFB0];
	v8 =	vadd.f32 v11, v10;
	[tilespmem:s30+$0xFFFFFF90] =	vst v12;
	s30 =	smov.u32 s12  }
0x123: {  	v10 =	vld [tilespmem:s12+$0xFFFFFFC0];
	v3 =	vmov v6  }
0x124: {  	v11 =	vld [tilespmem:s0+$0xFFFFFFC0];
	[tilespmem:s12+$0x0] =	vst v8  }
0x125: {  	v5 =	vadd.f32 v5, v9;
	v9 =	vld [tilespmem:s12+$0xFFFFFFD0]  }
0x126: {  	v12 =	vld [tilespmem:s0+$0xFFFFFFD0]  }
.Ltmp4:
0x127: {  	[tilespmem:s12+$0xFFFFFFA0] =	vst v5;
	v5 =	vadd.f32 v4, v7;
	v4 =	vld [tilespmem:s12+$0xFFFFFFE0];
	(pc) =	sbr.rel @p0 .LBB2_10-.Ltmp4, $4  }
0x128: {  	v6 =	vld [tilespmem:s0+$0xFFFFFFE0]  }
0x129: {  	[tilespmem:s12+$0xFFFFFFB0] =	vst v5;
	v10 =	vadd.f32 v11, v10;
	v5 =	vld [tilespmem:s12+$0xFFFFFFF0]  }
0x12a: {  	v7 =	vld [tilespmem:s0+$0xFFFFFFF0]  }
0x12b: {  	s12 =	sadd.s32 $0x400, s12;
	v8 =	vld [tilespmem:s30+$0xFFFFFF90];
	[tilespmem:s30+$0xFFFFFFC0] =	vst v10;
	v9 =	vadd.f32 v12, v9  }
0x12c: {  	_ =	sdelay $0x1  }
0x12d: {  	v4 =	vadd.f32 v6, v4  }
0x12e: {  	[tilespmem:s30+$0xFFFFFFD0] =	vst v9;
	v5 =	vadd.f32 v7, v5  }
0x12f: {  	[tilespmem:s30+$0xFFFFFFE0] =	vst v4;
	v3 =	vadd.f32 v3, v8  }
0x130: {  	[tilespmem:s30+$0xFFFFFFF0] =	vst v5  }
0x131: {  	[tilespmem:s30+$0xFFFFFF90] =	vst v3  }
0x132: {  	v4 =	vld [tilespmem:s29+$0x0]  }
0x133: {  	v5 =	vld [tilespmem:s31+$0x0]  }
0x134: {  	v3 =	vld [tilespmem:s31+$0xFFFFFF90]  }
0x135: {  	v6 =	vld [tilespmem:s29+$0xFFFFFFA0]  }
0x136: {  	v7 =	vld [tilespmem:s31+$0xFFFFFFA0]  }
0x137: {  	v8 =	vld [tilespmem:s29+$0xFFFFFFB0]  }
0x138: {  	v9 =	vld [tilespmem:s31+$0xFFFFFFB0]  }
0x139: {  	v10 =	vld [tilespmem:s29+$0xFFFFFFC0]  }
0x13a: {  	v11 =	vld [tilespmem:s31+$0xFFFFFFC0]  }
0x13b: {  	v12 =	vld [tilespmem:s29+$0xFFFFFFD0]  }
0x13c: {  	v13 =	vld [tilespmem:s31+$0xFFFFFFD0];
	v5 =	vadd.f32 v5, v4  }
0x13d: {  	v7 =	vadd.f32 v7, v6;
	v4 =	vld [tilespmem:s29+$0xFFFFFFE0]  }
0x13e: {  	v8 =	vadd.f32 v9, v8;
	v6 =	vld [tilespmem:s31+$0xFFFFFFE0];
	[tilespmem:s29+$0x0] =	vst v5  }
0x13f: {  	v9 =	vadd.f32 v11, v10;
	[tilespmem:s29+$0xFFFFFFA0] =	vst v7;
	v5 =	vld [tilespmem:s29+$0xFFFFFFF0]  }
0x140: {  	s1 =	simm.s32 $0x0;
	[tilespmem:s29+$0xFFFFFFB0] =	vst v8;
	v7 =	vld [tilespmem:s31+$0xFFFFFFF0]  }
0x141: {  	s0 =	simm.s32 $0x8470;
	s12 =	simm.s32 $0x7F0;
	s30 =	simm.s32 $0x470;
	v8 =	vld [tilespmem:s29+$0xFFFFFF90];
	[tilespmem:s29+$0xFFFFFFC0] =	vst v9;
	v9 =	vadd.f32 v13, v12  }
.LBB2_12:
0x142: {  	v10 =	vld [tilespmem:s12+$0x0];
	s31 =	sadd.s32 $0x400, s31  }
0x143: {  	s1 =	sadd.s32 $0x8, s1;
	v11 =	vld [tilespmem:s31+$0x0];
	[tilespmem:s29+$0xFFFFFFD0] =	vst v9;
	v4 =	vadd.f32 v6, v4  }
0x144: {  	p0 =	slt.u32 s1, $0x38;
	v6 =	vld [tilespmem:s31+$0xFFFFFF90]  }
0x145: {  	v9 =	vld [tilespmem:s12+$0xFFFFFFA0];
	[tilespmem:s29+$0xFFFFFFE0] =	vst v4;
	v4 =	vadd.f32 v7, v5  }
0x146: {  	v5 =	vld [tilespmem:s31+$0xFFFFFFA0];
	v12 =	vadd.f32 v3, v8  }
0x147: {  	v7 =	vld [tilespmem:s12+$0xFFFFFFB0];
	[tilespmem:s29+$0xFFFFFFF0] =	vst v4  }
0x148: {  	v4 =	vld [tilespmem:s31+$0xFFFFFFB0];
	v8 =	vadd.f32 v11, v10;
	[tilespmem:s29+$0xFFFFFF90] =	vst v12;
	s29 =	smov.u32 s12  }
0x149: {  	v10 =	vld [tilespmem:s12+$0xFFFFFFC0];
	v3 =	vmov v6  }
0x14a: {  	v11 =	vld [tilespmem:s31+$0xFFFFFFC0];
	[tilespmem:s12+$0x0] =	vst v8  }
0x14b: {  	v5 =	vadd.f32 v5, v9;
	v9 =	vld [tilespmem:s12+$0xFFFFFFD0]  }
0x14c: {  	v12 =	vld [tilespmem:s31+$0xFFFFFFD0]  }
.Ltmp5:
0x14d: {  	[tilespmem:s12+$0xFFFFFFA0] =	vst v5;
	v5 =	vadd.f32 v4, v7;
	v4 =	vld [tilespmem:s12+$0xFFFFFFE0];
	(pc) =	sbr.rel @p0 .LBB2_12-.Ltmp5, $4  }
0x14e: {  	v6 =	vld [tilespmem:s31+$0xFFFFFFE0]  }
0x14f: {  	[tilespmem:s12+$0xFFFFFFB0] =	vst v5;
	v10 =	vadd.f32 v11, v10;
	v5 =	vld [tilespmem:s12+$0xFFFFFFF0]  }
0x150: {  	v7 =	vld [tilespmem:s31+$0xFFFFFFF0]  }
0x151: {  	s12 =	sadd.s32 $0x400, s12;
	v8 =	vld [tilespmem:s29+$0xFFFFFF90];
	[tilespmem:s29+$0xFFFFFFC0] =	vst v10;
	v9 =	vadd.f32 v12, v9  }
0x152: {  	_ =	sdelay $0x1  }
0x153: {  	v4 =	vadd.f32 v6, v4  }
0x154: {  	[tilespmem:s29+$0xFFFFFFD0] =	vst v9;
	v5 =	vadd.f32 v7, v5  }
0x155: {  	[tilespmem:s29+$0xFFFFFFE0] =	vst v4;
	v3 =	vadd.f32 v3, v8  }
0x156: {  	[tilespmem:s29+$0xFFFFFFF0] =	vst v5  }
0x157: {  	[tilespmem:s29+$0xFFFFFF90] =	vst v3  }
0x158: {  	v4 =	vld [tilespmem:s30+$0x0]  }
0x159: {  	v5 =	vld [tilespmem:s0+$0x0]  }
0x15a: {  	v3 =	vld [tilespmem:s0+$0xFFFFFF90]  }
0x15b: {  	v6 =	vld [tilespmem:s30+$0xFFFFFFA0]  }
0x15c: {  	v7 =	vld [tilespmem:s0+$0xFFFFFFA0]  }
0x15d: {  	v8 =	vld [tilespmem:s30+$0xFFFFFFB0]  }
0x15e: {  	v9 =	vld [tilespmem:s0+$0xFFFFFFB0]  }
0x15f: {  	v10 =	vld [tilespmem:s30+$0xFFFFFFC0]  }
0x160: {  	v11 =	vld [tilespmem:s0+$0xFFFFFFC0]  }
0x161: {  	v12 =	vld [tilespmem:s30+$0xFFFFFFD0]  }
0x162: {  	v13 =	vld [tilespmem:s0+$0xFFFFFFD0];
	v5 =	vadd.f32 v5, v4  }
0x163: {  	v7 =	vadd.f32 v7, v6;
	v4 =	vld [tilespmem:s30+$0xFFFFFFE0]  }
0x164: {  	v8 =	vadd.f32 v9, v8;
	v6 =	vld [tilespmem:s0+$0xFFFFFFE0];
	[tilespmem:s30+$0x0] =	vst v5  }
0x165: {  	v9 =	vadd.f32 v11, v10;
	[tilespmem:s30+$0xFFFFFFA0] =	vst v7;
	v5 =	vld [tilespmem:s30+$0xFFFFFFF0]  }
0x166: {  	s1 =	simm.s32 $0x84F0;
	[tilespmem:s30+$0xFFFFFFB0] =	vst v8;
	v7 =	vld [tilespmem:s0+$0xFFFFFFF0]  }
0x167: {  	s31 =	simm.s32 $0x4F0;
	s12 =	simm.s32 $0x870;
	s29 =	simm.s32 $0x0;
	v8 =	vld [tilespmem:s30+$0xFFFFFF90];
	[tilespmem:s30+$0xFFFFFFC0] =	vst v9;
	v9 =	vadd.f32 v13, v12  }
.LBB2_14:
0x168: {  	v10 =	vld [tilespmem:s12+$0x0];
	s0 =	sadd.s32 $0x400, s0  }
0x169: {  	s29 =	sadd.s32 $0x8, s29;
	v11 =	vld [tilespmem:s0+$0x0];
	[tilespmem:s30+$0xFFFFFFD0] =	vst v9;
	v4 =	vadd.f32 v6, v4  }
0x16a: {  	p0 =	slt.u32 s29, $0x38;
	v6 =	vld [tilespmem:s0+$0xFFFFFF90]  }
0x16b: {  	v9 =	vld [tilespmem:s12+$0xFFFFFFA0];
	[tilespmem:s30+$0xFFFFFFE0] =	vst v4;
	v4 =	vadd.f32 v7, v5  }
0x16c: {  	v5 =	vld [tilespmem:s0+$0xFFFFFFA0];
	v12 =	vadd.f32 v3, v8  }
0x16d: {  	v7 =	vld [tilespmem:s12+$0xFFFFFFB0];
	[tilespmem:s30+$0xFFFFFFF0] =	vst v4  }
0x16e: {  	v4 =	vld [tilespmem:s0+$0xFFFFFFB0];
	v8 =	vadd.f32 v11, v10;
	[tilespmem:s30+$0xFFFFFF90] =	vst v12;
	s30 =	smov.u32 s12  }
0x16f: {  	v10 =	vld [tilespmem:s12+$0xFFFFFFC0];
	v3 =	vmov v6  }
0x170: {  	v11 =	vld [tilespmem:s0+$0xFFFFFFC0];
	[tilespmem:s12+$0x0] =	vst v8  }
0x171: {  	v5 =	vadd.f32 v5, v9;
	v9 =	vld [tilespmem:s12+$0xFFFFFFD0]  }
0x172: {  	v12 =	vld [tilespmem:s0+$0xFFFFFFD0]  }
.Ltmp6:
0x173: {  	[tilespmem:s12+$0xFFFFFFA0] =	vst v5;
	v5 =	vadd.f32 v4, v7;
	v4 =	vld [tilespmem:s12+$0xFFFFFFE0];
	(pc) =	sbr.rel @p0 .LBB2_14-.Ltmp6, $4  }
0x174: {  	v6 =	vld [tilespmem:s0+$0xFFFFFFE0]  }
0x175: {  	[tilespmem:s12+$0xFFFFFFB0] =	vst v5;
	v10 =	vadd.f32 v11, v10;
	v5 =	vld [tilespmem:s12+$0xFFFFFFF0]  }
0x176: {  	v7 =	vld [tilespmem:s0+$0xFFFFFFF0]  }
0x177: {  	s12 =	sadd.s32 $0x400, s12;
	v8 =	vld [tilespmem:s30+$0xFFFFFF90];
	[tilespmem:s30+$0xFFFFFFC0] =	vst v10;
	v9 =	vadd.f32 v12, v9  }
0x178: {  	_ =	sdelay $0x1  }
0x179: {  	v4 =	vadd.f32 v6, v4  }
0x17a: {  	[tilespmem:s30+$0xFFFFFFD0] =	vst v9;
	v5 =	vadd.f32 v7, v5  }
0x17b: {  	[tilespmem:s30+$0xFFFFFFE0] =	vst v4;
	v3 =	vadd.f32 v3, v8  }
0x17c: {  	[tilespmem:s30+$0xFFFFFFF0] =	vst v5  }
0x17d: {  	[tilespmem:s30+$0xFFFFFF90] =	vst v3  }
0x17e: {  	v4 =	vld [tilespmem:s31+$0x0]  }
0x17f: {  	v5 =	vld [tilespmem:s1+$0x0]  }
0x180: {  	v3 =	vld [tilespmem:s1+$0xFFFFFF90]  }
0x181: {  	v6 =	vld [tilespmem:s31+$0xFFFFFFA0]  }
0x182: {  	v7 =	vld [tilespmem:s1+$0xFFFFFFA0]  }
0x183: {  	v8 =	vld [tilespmem:s31+$0xFFFFFFB0]  }
0x184: {  	v9 =	vld [tilespmem:s1+$0xFFFFFFB0]  }
0x185: {  	v10 =	vld [tilespmem:s31+$0xFFFFFFC0]  }
0x186: {  	v11 =	vld [tilespmem:s1+$0xFFFFFFC0]  }
0x187: {  	v12 =	vld [tilespmem:s31+$0xFFFFFFD0]  }
0x188: {  	v13 =	vld [tilespmem:s1+$0xFFFFFFD0];
	v5 =	vadd.f32 v5, v4  }
0x189: {  	v7 =	vadd.f32 v7, v6;
	v4 =	vld [tilespmem:s31+$0xFFFFFFE0]  }
0x18a: {  	v8 =	vadd.f32 v9, v8;
	v6 =	vld [tilespmem:s1+$0xFFFFFFE0];
	[tilespmem:s31+$0x0] =	vst v5  }
0x18b: {  	v9 =	vadd.f32 v11, v10;
	[tilespmem:s31+$0xFFFFFFA0] =	vst v7;
	v5 =	vld [tilespmem:s31+$0xFFFFFFF0]  }
0x18c: {  	s29 =	simm.s32 $0x2170;
	[tilespmem:s31+$0xFFFFFFB0] =	vst v8;
	v7 =	vld [tilespmem:s1+$0xFFFFFFF0]  }
0x18d: {  	s0 =	simm.s32 $0xA170;
	s12 =	simm.s32 $0x8F0;
	s30 =	simm.s32 $0x0;
	v8 =	vld [tilespmem:s31+$0xFFFFFF90];
	[tilespmem:s31+$0xFFFFFFC0] =	vst v9;
	v9 =	vadd.f32 v13, v12  }
.LBB2_16:
0x18e: {  	v10 =	vld [tilespmem:s12+$0x0];
	s1 =	sadd.s32 $0x400, s1  }
0x18f: {  	s30 =	sadd.s32 $0x8, s30;
	v11 =	vld [tilespmem:s1+$0x0];
	[tilespmem:s31+$0xFFFFFFD0] =	vst v9;
	v4 =	vadd.f32 v6, v4  }
0x190: {  	p0 =	slt.u32 s30, $0x38;
	v6 =	vld [tilespmem:s1+$0xFFFFFF90]  }
0x191: {  	v9 =	vld [tilespmem:s12+$0xFFFFFFA0];
	[tilespmem:s31+$0xFFFFFFE0] =	vst v4;
	v4 =	vadd.f32 v7, v5  }
0x192: {  	v5 =	vld [tilespmem:s1+$0xFFFFFFA0];
	v12 =	vadd.f32 v3, v8  }
0x193: {  	v7 =	vld [tilespmem:s12+$0xFFFFFFB0];
	[tilespmem:s31+$0xFFFFFFF0] =	vst v4  }
0x194: {  	v4 =	vld [tilespmem:s1+$0xFFFFFFB0];
	v8 =	vadd.f32 v11, v10;
	[tilespmem:s31+$0xFFFFFF90] =	vst v12;
	s31 =	smov.u32 s12  }
0x195: {  	v10 =	vld [tilespmem:s12+$0xFFFFFFC0];
	v3 =	vmov v6  }
0x196: {  	v11 =	vld [tilespmem:s1+$0xFFFFFFC0];
	[tilespmem:s12+$0x0] =	vst v8  }
0x197: {  	v5 =	vadd.f32 v5, v9;
	v9 =	vld [tilespmem:s12+$0xFFFFFFD0]  }
0x198: {  	v12 =	vld [tilespmem:s1+$0xFFFFFFD0]  }
.Ltmp7:
0x199: {  	[tilespmem:s12+$0xFFFFFFA0] =	vst v5;
	v5 =	vadd.f32 v4, v7;
	v4 =	vld [tilespmem:s12+$0xFFFFFFE0];
	(pc) =	sbr.rel @p0 .LBB2_16-.Ltmp7, $4  }
0x19a: {  	v6 =	vld [tilespmem:s1+$0xFFFFFFE0]  }
0x19b: {  	[tilespmem:s12+$0xFFFFFFB0] =	vst v5;
	v10 =	vadd.f32 v11, v10;
	v5 =	vld [tilespmem:s12+$0xFFFFFFF0]  }
0x19c: {  	v7 =	vld [tilespmem:s1+$0xFFFFFFF0]  }
0x19d: {  	s12 =	sadd.s32 $0x400, s12;
	v8 =	vld [tilespmem:s31+$0xFFFFFF90];
	[tilespmem:s31+$0xFFFFFFC0] =	vst v10;
	v9 =	vadd.f32 v12, v9  }
0x19e: {  	_ =	sdelay $0x1  }
0x19f: {  	v4 =	vadd.f32 v6, v4  }
0x1a0: {  	[tilespmem:s31+$0xFFFFFFD0] =	vst v9;
	v5 =	vadd.f32 v7, v5  }
0x1a1: {  	[tilespmem:s31+$0xFFFFFFE0] =	vst v4;
	v3 =	vadd.f32 v3, v8  }
0x1a2: {  	[tilespmem:s31+$0xFFFFFFF0] =	vst v5  }
0x1a3: {  	[tilespmem:s31+$0xFFFFFF90] =	vst v3  }
0x1a4: {  	v4 =	vld [tilespmem:s29+$0x0]  }
0x1a5: {  	v5 =	vld [tilespmem:s0+$0x0]  }
0x1a6: {  	v3 =	vld [tilespmem:s0+$0xFFFFFF90]  }
0x1a7: {  	v6 =	vld [tilespmem:s29+$0xFFFFFFA0]  }
0x1a8: {  	v7 =	vld [tilespmem:s0+$0xFFFFFFA0]  }
0x1a9: {  	v8 =	vld [tilespmem:s29+$0xFFFFFFB0]  }
0x1aa: {  	v9 =	vld [tilespmem:s0+$0xFFFFFFB0]  }
0x1ab: {  	v10 =	vld [tilespmem:s29+$0xFFFFFFC0]  }
0x1ac: {  	v11 =	vld [tilespmem:s0+$0xFFFFFFC0]  }
0x1ad: {  	v12 =	vld [tilespmem:s29+$0xFFFFFFD0]  }
0x1ae: {  	v13 =	vld [tilespmem:s0+$0xFFFFFFD0];
	v5 =	vadd.f32 v5, v4  }
0x1af: {  	v7 =	vadd.f32 v7, v6;
	v4 =	vld [tilespmem:s29+$0xFFFFFFE0]  }
0x1b0: {  	v8 =	vadd.f32 v9, v8;
	v6 =	vld [tilespmem:s0+$0xFFFFFFE0];
	[tilespmem:s29+$0x0] =	vst v5  }
0x1b1: {  	v9 =	vadd.f32 v11, v10;
	[tilespmem:s29+$0xFFFFFFA0] =	vst v7;
	v5 =	vld [tilespmem:s29+$0xFFFFFFF0]  }
0x1b2: {  	s30 =	simm.s32 $0x21F0;
	[tilespmem:s29+$0xFFFFFFB0] =	vst v8;
	v7 =	vld [tilespmem:s0+$0xFFFFFFF0]  }
0x1b3: {  	s1 =	simm.s32 $0xA1F0;
	s12 =	simm.s32 $0x2570;
	s31 =	simm.s32 $0x0;
	v8 =	vld [tilespmem:s29+$0xFFFFFF90];
	[tilespmem:s29+$0xFFFFFFC0] =	vst v9;
	v9 =	vadd.f32 v13, v12  }
.LBB2_18:
0x1b4: {  	v10 =	vld [tilespmem:s12+$0x0];
	s0 =	sadd.s32 $0x400, s0  }
0x1b5: {  	s31 =	sadd.s32 $0x8, s31;
	v11 =	vld [tilespmem:s0+$0x0];
	[tilespmem:s29+$0xFFFFFFD0] =	vst v9;
	v4 =	vadd.f32 v6, v4  }
0x1b6: {  	p0 =	slt.u32 s31, $0x38;
	v6 =	vld [tilespmem:s0+$0xFFFFFF90]  }
0x1b7: {  	v9 =	vld [tilespmem:s12+$0xFFFFFFA0];
	[tilespmem:s29+$0xFFFFFFE0] =	vst v4;
	v4 =	vadd.f32 v7, v5  }
0x1b8: {  	v5 =	vld [tilespmem:s0+$0xFFFFFFA0];
	v12 =	vadd.f32 v3, v8  }
0x1b9: {  	v7 =	vld [tilespmem:s12+$0xFFFFFFB0];
	[tilespmem:s29+$0xFFFFFFF0] =	vst v4  }
0x1ba: {  	v4 =	vld [tilespmem:s0+$0xFFFFFFB0];
	v8 =	vadd.f32 v11, v10;
	[tilespmem:s29+$0xFFFFFF90] =	vst v12;
	s29 =	smov.u32 s12  }
0x1bb: {  	v10 =	vld [tilespmem:s12+$0xFFFFFFC0];
	v3 =	vmov v6  }
0x1bc: {  	v11 =	vld [tilespmem:s0+$0xFFFFFFC0];
	[tilespmem:s12+$0x0] =	vst v8  }
0x1bd: {  	v5 =	vadd.f32 v5, v9;
	v9 =	vld [tilespmem:s12+$0xFFFFFFD0]  }
0x1be: {  	v12 =	vld [tilespmem:s0+$0xFFFFFFD0]  }
.Ltmp8:
0x1bf: {  	[tilespmem:s12+$0xFFFFFFA0] =	vst v5;
	v5 =	vadd.f32 v4, v7;
	v4 =	vld [tilespmem:s12+$0xFFFFFFE0];
	(pc) =	sbr.rel @p0 .LBB2_18-.Ltmp8, $4  }
0x1c0: {  	v6 =	vld [tilespmem:s0+$0xFFFFFFE0]  }
0x1c1: {  	[tilespmem:s12+$0xFFFFFFB0] =	vst v5;
	v10 =	vadd.f32 v11, v10;
	v5 =	vld [tilespmem:s12+$0xFFFFFFF0]  }
0x1c2: {  	v7 =	vld [tilespmem:s0+$0xFFFFFFF0]  }
0x1c3: {  	s12 =	sadd.s32 $0x400, s12;
	v8 =	vld [tilespmem:s29+$0xFFFFFF90];
	[tilespmem:s29+$0xFFFFFFC0] =	vst v10;
	v9 =	vadd.f32 v12, v9  }
0x1c4: {  	_ =	sdelay $0x1  }
0x1c5: {  	v4 =	vadd.f32 v6, v4  }
0x1c6: {  	[tilespmem:s29+$0xFFFFFFD0] =	vst v9;
	v5 =	vadd.f32 v7, v5  }
0x1c7: {  	[tilespmem:s29+$0xFFFFFFE0] =	vst v4;
	v3 =	vadd.f32 v3, v8  }
0x1c8: {  	[tilespmem:s29+$0xFFFFFFF0] =	vst v5  }
0x1c9: {  	[tilespmem:s29+$0xFFFFFF90] =	vst v3  }
0x1ca: {  	v4 =	vld [tilespmem:s30+$0x0]  }
0x1cb: {  	v5 =	vld [tilespmem:s1+$0x0]  }
0x1cc: {  	v3 =	vld [tilespmem:s1+$0xFFFFFF90]  }
0x1cd: {  	v6 =	vld [tilespmem:s30+$0xFFFFFFA0]  }
0x1ce: {  	v7 =	vld [tilespmem:s1+$0xFFFFFFA0]  }
0x1cf: {  	v8 =	vld [tilespmem:s30+$0xFFFFFFB0]  }
0x1d0: {  	v9 =	vld [tilespmem:s1+$0xFFFFFFB0]  }
0x1d1: {  	v10 =	vld [tilespmem:s30+$0xFFFFFFC0]  }
0x1d2: {  	v11 =	vld [tilespmem:s1+$0xFFFFFFC0]  }
0x1d3: {  	v12 =	vld [tilespmem:s30+$0xFFFFFFD0]  }
0x1d4: {  	v13 =	vld [tilespmem:s1+$0xFFFFFFD0];
	v5 =	vadd.f32 v5, v4  }
0x1d5: {  	v7 =	vadd.f32 v7, v6;
	v4 =	vld [tilespmem:s30+$0xFFFFFFE0]  }
0x1d6: {  	v8 =	vadd.f32 v9, v8;
	v6 =	vld [tilespmem:s1+$0xFFFFFFE0];
	[tilespmem:s30+$0x0] =	vst v5  }
0x1d7: {  	v9 =	vadd.f32 v11, v10;
	[tilespmem:s30+$0xFFFFFFA0] =	vst v7;
	v5 =	vld [tilespmem:s30+$0xFFFFFFF0]  }
0x1d8: {  	s31 =	simm.s32 $0x0;
	[tilespmem:s30+$0xFFFFFFB0] =	vst v8;
	v7 =	vld [tilespmem:s1+$0xFFFFFFF0]  }
0x1d9: {  	s0 =	simm.s32 $0xA270;
	s12 =	simm.s32 $0x25F0;
	s29 =	simm.s32 $0x2270;
	v8 =	vld [tilespmem:s30+$0xFFFFFF90];
	[tilespmem:s30+$0xFFFFFFC0] =	vst v9;
	v9 =	vadd.f32 v13, v12  }
.LBB2_20:
0x1da: {  	v10 =	vld [tilespmem:s12+$0x0];
	s1 =	sadd.s32 $0x400, s1  }
0x1db: {  	s31 =	sadd.s32 $0x8, s31;
	v11 =	vld [tilespmem:s1+$0x0];
	[tilespmem:s30+$0xFFFFFFD0] =	vst v9;
	v4 =	vadd.f32 v6, v4  }
0x1dc: {  	p0 =	slt.u32 s31, $0x38;
	v6 =	vld [tilespmem:s1+$0xFFFFFF90]  }
0x1dd: {  	v9 =	vld [tilespmem:s12+$0xFFFFFFA0];
	[tilespmem:s30+$0xFFFFFFE0] =	vst v4;
	v4 =	vadd.f32 v7, v5  }
0x1de: {  	v5 =	vld [tilespmem:s1+$0xFFFFFFA0];
	v12 =	vadd.f32 v3, v8  }
0x1df: {  	v7 =	vld [tilespmem:s12+$0xFFFFFFB0];
	[tilespmem:s30+$0xFFFFFFF0] =	vst v4  }
0x1e0: {  	v4 =	vld [tilespmem:s1+$0xFFFFFFB0];
	v8 =	vadd.f32 v11, v10;
	[tilespmem:s30+$0xFFFFFF90] =	vst v12;
	s30 =	smov.u32 s12  }
0x1e1: {  	v10 =	vld [tilespmem:s12+$0xFFFFFFC0];
	v3 =	vmov v6  }
0x1e2: {  	v11 =	vld [tilespmem:s1+$0xFFFFFFC0];
	[tilespmem:s12+$0x0] =	vst v8  }
0x1e3: {  	v5 =	vadd.f32 v5, v9;
	v9 =	vld [tilespmem:s12+$0xFFFFFFD0]  }
0x1e4: {  	v12 =	vld [tilespmem:s1+$0xFFFFFFD0]  }
.Ltmp9:
0x1e5: {  	[tilespmem:s12+$0xFFFFFFA0] =	vst v5;
	v5 =	vadd.f32 v4, v7;
	v4 =	vld [tilespmem:s12+$0xFFFFFFE0];
	(pc) =	sbr.rel @p0 .LBB2_20-.Ltmp9, $4  }
0x1e6: {  	v6 =	vld [tilespmem:s1+$0xFFFFFFE0]  }
0x1e7: {  	[tilespmem:s12+$0xFFFFFFB0] =	vst v5;
	v10 =	vadd.f32 v11, v10;
	v5 =	vld [tilespmem:s12+$0xFFFFFFF0]  }
0x1e8: {  	v7 =	vld [tilespmem:s1+$0xFFFFFFF0]  }
0x1e9: {  	s12 =	sadd.s32 $0x400, s12;
	v8 =	vld [tilespmem:s30+$0xFFFFFF90];
	[tilespmem:s30+$0xFFFFFFC0] =	vst v10;
	v9 =	vadd.f32 v12, v9  }
0x1ea: {  	_ =	sdelay $0x1  }
0x1eb: {  	v4 =	vadd.f32 v6, v4  }
0x1ec: {  	[tilespmem:s30+$0xFFFFFFD0] =	vst v9;
	v5 =	vadd.f32 v7, v5  }
0x1ed: {  	[tilespmem:s30+$0xFFFFFFE0] =	vst v4;
	v3 =	vadd.f32 v3, v8  }
0x1ee: {  	[tilespmem:s30+$0xFFFFFFF0] =	vst v5  }
0x1ef: {  	[tilespmem:s30+$0xFFFFFF90] =	vst v3  }
0x1f0: {  	v4 =	vld [tilespmem:s29+$0x0]  }
0x1f1: {  	v5 =	vld [tilespmem:s0+$0x0]  }
0x1f2: {  	v3 =	vld [tilespmem:s0+$0xFFFFFF90]  }
0x1f3: {  	v6 =	vld [tilespmem:s29+$0xFFFFFFA0]  }
0x1f4: {  	v7 =	vld [tilespmem:s0+$0xFFFFFFA0]  }
0x1f5: {  	v8 =	vld [tilespmem:s29+$0xFFFFFFB0]  }
0x1f6: {  	v9 =	vld [tilespmem:s0+$0xFFFFFFB0]  }
0x1f7: {  	v10 =	vld [tilespmem:s29+$0xFFFFFFC0]  }
0x1f8: {  	v11 =	vld [tilespmem:s0+$0xFFFFFFC0]  }
0x1f9: {  	v12 =	vld [tilespmem:s29+$0xFFFFFFD0]  }
0x1fa: {  	v13 =	vld [tilespmem:s0+$0xFFFFFFD0];
	v5 =	vadd.f32 v5, v4  }
0x1fb: {  	v7 =	vadd.f32 v7, v6;
	v4 =	vld [tilespmem:s29+$0xFFFFFFE0]  }
0x1fc: {  	v8 =	vadd.f32 v9, v8;
	v6 =	vld [tilespmem:s0+$0xFFFFFFE0];
	[tilespmem:s29+$0x0] =	vst v5  }
0x1fd: {  	v9 =	vadd.f32 v11, v10;
	[tilespmem:s29+$0xFFFFFFA0] =	vst v7;
	v5 =	vld [tilespmem:s29+$0xFFFFFFF0]  }
0x1fe: {  	s31 =	simm.s32 $0x0;
	[tilespmem:s29+$0xFFFFFFB0] =	vst v8;
	v7 =	vld [tilespmem:s0+$0xFFFFFFF0]  }
0x1ff: {  	s1 =	simm.s32 $0xA2F0;
	s12 =	simm.s32 $0x2670;
	s30 =	simm.s32 $0x22F0;
	v8 =	vld [tilespmem:s29+$0xFFFFFF90];
	[tilespmem:s29+$0xFFFFFFC0] =	vst v9;
	v9 =	vadd.f32 v13, v12  }
.LBB2_22:
0x200: {  	v10 =	vld [tilespmem:s12+$0x0];
	s0 =	sadd.s32 $0x400, s0  }
0x201: {  	s31 =	sadd.s32 $0x8, s31;
	v11 =	vld [tilespmem:s0+$0x0];
	[tilespmem:s29+$0xFFFFFFD0] =	vst v9;
	v4 =	vadd.f32 v6, v4  }
0x202: {  	p0 =	slt.u32 s31, $0x38;
	v6 =	vld [tilespmem:s0+$0xFFFFFF90]  }
0x203: {  	v9 =	vld [tilespmem:s12+$0xFFFFFFA0];
	[tilespmem:s29+$0xFFFFFFE0] =	vst v4;
	v4 =	vadd.f32 v7, v5  }
0x204: {  	v5 =	vld [tilespmem:s0+$0xFFFFFFA0];
	v12 =	vadd.f32 v3, v8  }
0x205: {  	v7 =	vld [tilespmem:s12+$0xFFFFFFB0];
	[tilespmem:s29+$0xFFFFFFF0] =	vst v4  }
0x206: {  	v4 =	vld [tilespmem:s0+$0xFFFFFFB0];
	v8 =	vadd.f32 v11, v10;
	[tilespmem:s29+$0xFFFFFF90] =	vst v12;
	s29 =	smov.u32 s12  }
0x207: {  	v10 =	vld [tilespmem:s12+$0xFFFFFFC0];
	v3 =	vmov v6  }
0x208: {  	v11 =	vld [tilespmem:s0+$0xFFFFFFC0];
	[tilespmem:s12+$0x0] =	vst v8  }
0x209: {  	v5 =	vadd.f32 v5, v9;
	v9 =	vld [tilespmem:s12+$0xFFFFFFD0]  }
0x20a: {  	v12 =	vld [tilespmem:s0+$0xFFFFFFD0]  }
.Ltmp10:
0x20b: {  	[tilespmem:s12+$0xFFFFFFA0] =	vst v5;
	v5 =	vadd.f32 v4, v7;
	v4 =	vld [tilespmem:s12+$0xFFFFFFE0];
	(pc) =	sbr.rel @p0 .LBB2_22-.Ltmp10, $4  }
0x20c: {  	v6 =	vld [tilespmem:s0+$0xFFFFFFE0]  }
0x20d: {  	[tilespmem:s12+$0xFFFFFFB0] =	vst v5;
	v10 =	vadd.f32 v11, v10;
	v5 =	vld [tilespmem:s12+$0xFFFFFFF0]  }
0x20e: {  	v7 =	vld [tilespmem:s0+$0xFFFFFFF0]  }
0x20f: {  	s12 =	sadd.s32 $0x400, s12;
	v8 =	vld [tilespmem:s29+$0xFFFFFF90];
	[tilespmem:s29+$0xFFFFFFC0] =	vst v10;
	v9 =	vadd.f32 v12, v9  }
0x210: {  	_ =	sdelay $0x1  }
0x211: {  	v4 =	vadd.f32 v6, v4  }
0x212: {  	[tilespmem:s29+$0xFFFFFFD0] =	vst v9;
	v5 =	vadd.f32 v7, v5  }
0x213: {  	[tilespmem:s29+$0xFFFFFFE0] =	vst v4;
	v3 =	vadd.f32 v3, v8  }
0x214: {  	[tilespmem:s29+$0xFFFFFFF0] =	vst v5  }
0x215: {  	[tilespmem:s29+$0xFFFFFF90] =	vst v3  }
0x216: {  	v4 =	vld [tilespmem:s30+$0x0]  }
0x217: {  	v5 =	vld [tilespmem:s1+$0x0]  }
0x218: {  	v3 =	vld [tilespmem:s1+$0xFFFFFF90]  }
0x219: {  	v6 =	vld [tilespmem:s30+$0xFFFFFFA0]  }
0x21a: {  	v7 =	vld [tilespmem:s1+$0xFFFFFFA0]  }
0x21b: {  	v8 =	vld [tilespmem:s30+$0xFFFFFFB0]  }
0x21c: {  	v9 =	vld [tilespmem:s1+$0xFFFFFFB0]  }
0x21d: {  	v10 =	vld [tilespmem:s30+$0xFFFFFFC0]  }
0x21e: {  	v11 =	vld [tilespmem:s1+$0xFFFFFFC0]  }
0x21f: {  	v12 =	vld [tilespmem:s30+$0xFFFFFFD0]  }
0x220: {  	v13 =	vld [tilespmem:s1+$0xFFFFFFD0];
	v5 =	vadd.f32 v5, v4  }
0x221: {  	v7 =	vadd.f32 v7, v6;
	v4 =	vld [tilespmem:s30+$0xFFFFFFE0]  }
0x222: {  	v8 =	vadd.f32 v9, v8;
	v6 =	vld [tilespmem:s1+$0xFFFFFFE0];
	[tilespmem:s30+$0x0] =	vst v5  }
0x223: {  	v9 =	vadd.f32 v11, v10;
	[tilespmem:s30+$0xFFFFFFA0] =	vst v7;
	v5 =	vld [tilespmem:s30+$0xFFFFFFF0]  }
0x224: {  	s31 =	simm.s32 $0x0;
	[tilespmem:s30+$0xFFFFFFB0] =	vst v8;
	v7 =	vld [tilespmem:s1+$0xFFFFFFF0]  }
0x225: {  	s0 =	simm.s32 $0xA370;
	s12 =	simm.s32 $0x26F0;
	s29 =	simm.s32 $0x2370;
	v8 =	vld [tilespmem:s30+$0xFFFFFF90];
	[tilespmem:s30+$0xFFFFFFC0] =	vst v9;
	v9 =	vadd.f32 v13, v12  }
.LBB2_24:
0x226: {  	v10 =	vld [tilespmem:s12+$0x0];
	s1 =	sadd.s32 $0x400, s1  }
0x227: {  	s31 =	sadd.s32 $0x8, s31;
	v11 =	vld [tilespmem:s1+$0x0];
	[tilespmem:s30+$0xFFFFFFD0] =	vst v9;
	v4 =	vadd.f32 v6, v4  }
0x228: {  	p0 =	slt.u32 s31, $0x38;
	v6 =	vld [tilespmem:s1+$0xFFFFFF90]  }
0x229: {  	v9 =	vld [tilespmem:s12+$0xFFFFFFA0];
	[tilespmem:s30+$0xFFFFFFE0] =	vst v4;
	v4 =	vadd.f32 v7, v5  }
0x22a: {  	v5 =	vld [tilespmem:s1+$0xFFFFFFA0];
	v12 =	vadd.f32 v3, v8  }
0x22b: {  	v7 =	vld [tilespmem:s12+$0xFFFFFFB0];
	[tilespmem:s30+$0xFFFFFFF0] =	vst v4  }
0x22c: {  	v4 =	vld [tilespmem:s1+$0xFFFFFFB0];
	v8 =	vadd.f32 v11, v10;
	[tilespmem:s30+$0xFFFFFF90] =	vst v12;
	s30 =	smov.u32 s12  }
0x22d: {  	v10 =	vld [tilespmem:s12+$0xFFFFFFC0];
	v3 =	vmov v6  }
0x22e: {  	v11 =	vld [tilespmem:s1+$0xFFFFFFC0];
	[tilespmem:s12+$0x0] =	vst v8  }
0x22f: {  	v5 =	vadd.f32 v5, v9;
	v9 =	vld [tilespmem:s12+$0xFFFFFFD0]  }
0x230: {  	v12 =	vld [tilespmem:s1+$0xFFFFFFD0]  }
.Ltmp11:
0x231: {  	[tilespmem:s12+$0xFFFFFFA0] =	vst v5;
	v5 =	vadd.f32 v4, v7;
	v4 =	vld [tilespmem:s12+$0xFFFFFFE0];
	(pc) =	sbr.rel @p0 .LBB2_24-.Ltmp11, $4  }
0x232: {  	v6 =	vld [tilespmem:s1+$0xFFFFFFE0]  }
0x233: {  	[tilespmem:s12+$0xFFFFFFB0] =	vst v5;
	v10 =	vadd.f32 v11, v10;
	v5 =	vld [tilespmem:s12+$0xFFFFFFF0]  }
0x234: {  	v7 =	vld [tilespmem:s1+$0xFFFFFFF0]  }
0x235: {  	s12 =	sadd.s32 $0x400, s12;
	v8 =	vld [tilespmem:s30+$0xFFFFFF90];
	[tilespmem:s30+$0xFFFFFFC0] =	vst v10;
	v9 =	vadd.f32 v12, v9  }
0x236: {  	_ =	sdelay $0x1  }
0x237: {  	v4 =	vadd.f32 v6, v4  }
0x238: {  	[tilespmem:s30+$0xFFFFFFD0] =	vst v9;
	v5 =	vadd.f32 v7, v5  }
0x239: {  	[tilespmem:s30+$0xFFFFFFE0] =	vst v4;
	v3 =	vadd.f32 v3, v8  }
0x23a: {  	[tilespmem:s30+$0xFFFFFFF0] =	vst v5  }
0x23b: {  	[tilespmem:s30+$0xFFFFFF90] =	vst v3  }
0x23c: {  	v4 =	vld [tilespmem:s29+$0x0]  }
0x23d: {  	v5 =	vld [tilespmem:s0+$0x0]  }
0x23e: {  	v3 =	vld [tilespmem:s0+$0xFFFFFF90]  }
0x23f: {  	v6 =	vld [tilespmem:s29+$0xFFFFFFA0]  }
0x240: {  	v7 =	vld [tilespmem:s0+$0xFFFFFFA0]  }
0x241: {  	v8 =	vld [tilespmem:s29+$0xFFFFFFB0]  }
0x242: {  	v9 =	vld [tilespmem:s0+$0xFFFFFFB0]  }
0x243: {  	v10 =	vld [tilespmem:s29+$0xFFFFFFC0]  }
0x244: {  	v11 =	vld [tilespmem:s0+$0xFFFFFFC0]  }
0x245: {  	v12 =	vld [tilespmem:s29+$0xFFFFFFD0]  }
0x246: {  	v13 =	vld [tilespmem:s0+$0xFFFFFFD0];
	v5 =	vadd.f32 v5, v4  }
0x247: {  	v7 =	vadd.f32 v7, v6;
	v4 =	vld [tilespmem:s29+$0xFFFFFFE0]  }
0x248: {  	v8 =	vadd.f32 v9, v8;
	v6 =	vld [tilespmem:s0+$0xFFFFFFE0];
	[tilespmem:s29+$0x0] =	vst v5  }
0x249: {  	v9 =	vadd.f32 v11, v10;
	[tilespmem:s29+$0xFFFFFFA0] =	vst v7;
	v5 =	vld [tilespmem:s29+$0xFFFFFFF0]  }
0x24a: {  	s31 =	simm.s32 $0x0;
	[tilespmem:s29+$0xFFFFFFB0] =	vst v8;
	v7 =	vld [tilespmem:s0+$0xFFFFFFF0]  }
0x24b: {  	s1 =	simm.s32 $0xA3F0;
	s12 =	simm.s32 $0x2770;
	s30 =	simm.s32 $0x23F0;
	v8 =	vld [tilespmem:s29+$0xFFFFFF90];
	[tilespmem:s29+$0xFFFFFFC0] =	vst v9;
	v9 =	vadd.f32 v13, v12  }
.LBB2_26:
0x24c: {  	v10 =	vld [tilespmem:s12+$0x0];
	s0 =	sadd.s32 $0x400, s0  }
0x24d: {  	s31 =	sadd.s32 $0x8, s31;
	v11 =	vld [tilespmem:s0+$0x0];
	[tilespmem:s29+$0xFFFFFFD0] =	vst v9;
	v4 =	vadd.f32 v6, v4  }
0x24e: {  	p0 =	slt.u32 s31, $0x38;
	v6 =	vld [tilespmem:s0+$0xFFFFFF90]  }
0x24f: {  	v9 =	vld [tilespmem:s12+$0xFFFFFFA0];
	[tilespmem:s29+$0xFFFFFFE0] =	vst v4;
	v4 =	vadd.f32 v7, v5  }
0x250: {  	v5 =	vld [tilespmem:s0+$0xFFFFFFA0];
	v12 =	vadd.f32 v3, v8  }
0x251: {  	v7 =	vld [tilespmem:s12+$0xFFFFFFB0];
	[tilespmem:s29+$0xFFFFFFF0] =	vst v4  }
0x252: {  	v4 =	vld [tilespmem:s0+$0xFFFFFFB0];
	v8 =	vadd.f32 v11, v10;
	[tilespmem:s29+$0xFFFFFF90] =	vst v12;
	s29 =	smov.u32 s12  }
0x253: {  	v10 =	vld [tilespmem:s12+$0xFFFFFFC0];
	v3 =	vmov v6  }
0x254: {  	v11 =	vld [tilespmem:s0+$0xFFFFFFC0];
	[tilespmem:s12+$0x0] =	vst v8  }
0x255: {  	v5 =	vadd.f32 v5, v9;
	v9 =	vld [tilespmem:s12+$0xFFFFFFD0]  }
0x256: {  	v12 =	vld [tilespmem:s0+$0xFFFFFFD0]  }
.Ltmp12:
0x257: {  	[tilespmem:s12+$0xFFFFFFA0] =	vst v5;
	v5 =	vadd.f32 v4, v7;
	v4 =	vld [tilespmem:s12+$0xFFFFFFE0];
	(pc) =	sbr.rel @p0 .LBB2_26-.Ltmp12, $4  }
0x258: {  	v6 =	vld [tilespmem:s0+$0xFFFFFFE0]  }
0x259: {  	[tilespmem:s12+$0xFFFFFFB0] =	vst v5;
	v10 =	vadd.f32 v11, v10;
	v5 =	vld [tilespmem:s12+$0xFFFFFFF0]  }
0x25a: {  	v7 =	vld [tilespmem:s0+$0xFFFFFFF0]  }
0x25b: {  	s12 =	sadd.s32 $0x400, s12;
	v8 =	vld [tilespmem:s29+$0xFFFFFF90];
	[tilespmem:s29+$0xFFFFFFC0] =	vst v10;
	v9 =	vadd.f32 v12, v9  }
0x25c: {  	_ =	sdelay $0x1  }
0x25d: {  	v4 =	vadd.f32 v6, v4  }
0x25e: {  	[tilespmem:s29+$0xFFFFFFD0] =	vst v9;
	v5 =	vadd.f32 v7, v5  }
0x25f: {  	[tilespmem:s29+$0xFFFFFFE0] =	vst v4;
	v3 =	vadd.f32 v3, v8  }
0x260: {  	[tilespmem:s29+$0xFFFFFFF0] =	vst v5  }
0x261: {  	[tilespmem:s29+$0xFFFFFF90] =	vst v3  }
0x262: {  	v4 =	vld [tilespmem:s30+$0x0]  }
0x263: {  	v5 =	vld [tilespmem:s1+$0x0]  }
0x264: {  	v3 =	vld [tilespmem:s1+$0xFFFFFF90]  }
0x265: {  	v6 =	vld [tilespmem:s30+$0xFFFFFFA0]  }
0x266: {  	v7 =	vld [tilespmem:s1+$0xFFFFFFA0]  }
0x267: {  	v8 =	vld [tilespmem:s30+$0xFFFFFFB0]  }
0x268: {  	v9 =	vld [tilespmem:s1+$0xFFFFFFB0]  }
0x269: {  	v10 =	vld [tilespmem:s30+$0xFFFFFFC0]  }
0x26a: {  	v11 =	vld [tilespmem:s1+$0xFFFFFFC0]  }
0x26b: {  	v12 =	vld [tilespmem:s30+$0xFFFFFFD0]  }
0x26c: {  	v13 =	vld [tilespmem:s1+$0xFFFFFFD0];
	v5 =	vadd.f32 v5, v4  }
0x26d: {  	v7 =	vadd.f32 v7, v6;
	v4 =	vld [tilespmem:s30+$0xFFFFFFE0]  }
0x26e: {  	v8 =	vadd.f32 v9, v8;
	v6 =	vld [tilespmem:s1+$0xFFFFFFE0];
	[tilespmem:s30+$0x0] =	vst v5  }
0x26f: {  	v9 =	vadd.f32 v11, v10;
	[tilespmem:s30+$0xFFFFFFA0] =	vst v7;
	v5 =	vld [tilespmem:s30+$0xFFFFFFF0]  }
0x270: {  	s31 =	simm.s32 $0x0;
	[tilespmem:s30+$0xFFFFFFB0] =	vst v8;
	v7 =	vld [tilespmem:s1+$0xFFFFFFF0]  }
0x271: {  	s0 =	simm.s32 $0xA470;
	s12 =	simm.s32 $0x27F0;
	s29 =	simm.s32 $0x2470;
	v8 =	vld [tilespmem:s30+$0xFFFFFF90];
	[tilespmem:s30+$0xFFFFFFC0] =	vst v9;
	v9 =	vadd.f32 v13, v12  }
.LBB2_28:
0x272: {  	v10 =	vld [tilespmem:s12+$0x0];
	s1 =	sadd.s32 $0x400, s1  }
0x273: {  	s31 =	sadd.s32 $0x8, s31;
	v11 =	vld [tilespmem:s1+$0x0];
	[tilespmem:s30+$0xFFFFFFD0] =	vst v9;
	v4 =	vadd.f32 v6, v4  }
0x274: {  	p0 =	slt.u32 s31, $0x38;
	v6 =	vld [tilespmem:s1+$0xFFFFFF90]  }
0x275: {  	v9 =	vld [tilespmem:s12+$0xFFFFFFA0];
	[tilespmem:s30+$0xFFFFFFE0] =	vst v4;
	v4 =	vadd.f32 v7, v5  }
0x276: {  	v5 =	vld [tilespmem:s1+$0xFFFFFFA0];
	v12 =	vadd.f32 v3, v8  }
0x277: {  	v7 =	vld [tilespmem:s12+$0xFFFFFFB0];
	[tilespmem:s30+$0xFFFFFFF0] =	vst v4  }
0x278: {  	v4 =	vld [tilespmem:s1+$0xFFFFFFB0];
	v8 =	vadd.f32 v11, v10;
	[tilespmem:s30+$0xFFFFFF90] =	vst v12;
	s30 =	smov.u32 s12  }
0x279: {  	v10 =	vld [tilespmem:s12+$0xFFFFFFC0];
	v3 =	vmov v6  }
0x27a: {  	v11 =	vld [tilespmem:s1+$0xFFFFFFC0];
	[tilespmem:s12+$0x0] =	vst v8  }
0x27b: {  	v5 =	vadd.f32 v5, v9;
	v9 =	vld [tilespmem:s12+$0xFFFFFFD0]  }
0x27c: {  	v12 =	vld [tilespmem:s1+$0xFFFFFFD0]  }
.Ltmp13:
0x27d: {  	[tilespmem:s12+$0xFFFFFFA0] =	vst v5;
	v5 =	vadd.f32 v4, v7;
	v4 =	vld [tilespmem:s12+$0xFFFFFFE0];
	(pc) =	sbr.rel @p0 .LBB2_28-.Ltmp13, $4  }
0x27e: {  	v6 =	vld [tilespmem:s1+$0xFFFFFFE0]  }
0x27f: {  	[tilespmem:s12+$0xFFFFFFB0] =	vst v5;
	v10 =	vadd.f32 v11, v10;
	v5 =	vld [tilespmem:s12+$0xFFFFFFF0]  }
0x280: {  	v7 =	vld [tilespmem:s1+$0xFFFFFFF0]  }
0x281: {  	s12 =	sadd.s32 $0x400, s12;
	v8 =	vld [tilespmem:s30+$0xFFFFFF90];
	[tilespmem:s30+$0xFFFFFFC0] =	vst v10;
	v9 =	vadd.f32 v12, v9  }
0x282: {  	_ =	sdelay $0x1  }
0x283: {  	v4 =	vadd.f32 v6, v4  }
0x284: {  	[tilespmem:s30+$0xFFFFFFD0] =	vst v9;
	v5 =	vadd.f32 v7, v5  }
0x285: {  	[tilespmem:s30+$0xFFFFFFE0] =	vst v4;
	v3 =	vadd.f32 v3, v8  }
0x286: {  	[tilespmem:s30+$0xFFFFFFF0] =	vst v5  }
0x287: {  	[tilespmem:s30+$0xFFFFFF90] =	vst v3  }
0x288: {  	v4 =	vld [tilespmem:s29+$0x0]  }
0x289: {  	v5 =	vld [tilespmem:s0+$0x0]  }
0x28a: {  	v3 =	vld [tilespmem:s0+$0xFFFFFF90]  }
0x28b: {  	v6 =	vld [tilespmem:s29+$0xFFFFFFA0]  }
0x28c: {  	v7 =	vld [tilespmem:s0+$0xFFFFFFA0]  }
0x28d: {  	v8 =	vld [tilespmem:s29+$0xFFFFFFB0]  }
0x28e: {  	v9 =	vld [tilespmem:s0+$0xFFFFFFB0]  }
0x28f: {  	v10 =	vld [tilespmem:s29+$0xFFFFFFC0]  }
0x290: {  	v11 =	vld [tilespmem:s0+$0xFFFFFFC0]  }
0x291: {  	v12 =	vld [tilespmem:s29+$0xFFFFFFD0]  }
0x292: {  	v13 =	vld [tilespmem:s0+$0xFFFFFFD0];
	v5 =	vadd.f32 v5, v4  }
0x293: {  	v7 =	vadd.f32 v7, v6;
	v4 =	vld [tilespmem:s29+$0xFFFFFFE0]  }
0x294: {  	v8 =	vadd.f32 v9, v8;
	v6 =	vld [tilespmem:s0+$0xFFFFFFE0];
	[tilespmem:s29+$0x0] =	vst v5  }
0x295: {  	v9 =	vadd.f32 v11, v10;
	[tilespmem:s29+$0xFFFFFFA0] =	vst v7;
	v5 =	vld [tilespmem:s29+$0xFFFFFFF0]  }
0x296: {  	s31 =	simm.s32 $0x0;
	[tilespmem:s29+$0xFFFFFFB0] =	vst v8;
	v7 =	vld [tilespmem:s0+$0xFFFFFFF0]  }
0x297: {  	s1 =	simm.s32 $0xA4F0;
	s12 =	simm.s32 $0x2870;
	s30 =	simm.s32 $0x24F0;
	v8 =	vld [tilespmem:s29+$0xFFFFFF90];
	[tilespmem:s29+$0xFFFFFFC0] =	vst v9;
	v9 =	vadd.f32 v13, v12  }
.LBB2_30:
0x298: {  	v10 =	vld [tilespmem:s12+$0x0];
	s0 =	sadd.s32 $0x400, s0  }
0x299: {  	s31 =	sadd.s32 $0x8, s31;
	v11 =	vld [tilespmem:s0+$0x0];
	[tilespmem:s29+$0xFFFFFFD0] =	vst v9;
	v4 =	vadd.f32 v6, v4  }
0x29a: {  	p0 =	slt.u32 s31, $0x38;
	v6 =	vld [tilespmem:s0+$0xFFFFFF90]  }
0x29b: {  	v9 =	vld [tilespmem:s12+$0xFFFFFFA0];
	[tilespmem:s29+$0xFFFFFFE0] =	vst v4;
	v4 =	vadd.f32 v7, v5  }
0x29c: {  	v5 =	vld [tilespmem:s0+$0xFFFFFFA0];
	v12 =	vadd.f32 v3, v8  }
0x29d: {  	v7 =	vld [tilespmem:s12+$0xFFFFFFB0];
	[tilespmem:s29+$0xFFFFFFF0] =	vst v4  }
0x29e: {  	v4 =	vld [tilespmem:s0+$0xFFFFFFB0];
	v8 =	vadd.f32 v11, v10;
	[tilespmem:s29+$0xFFFFFF90] =	vst v12;
	s29 =	smov.u32 s12  }
0x29f: {  	v10 =	vld [tilespmem:s12+$0xFFFFFFC0];
	v3 =	vmov v6  }
0x2a0: {  	v11 =	vld [tilespmem:s0+$0xFFFFFFC0];
	[tilespmem:s12+$0x0] =	vst v8  }
0x2a1: {  	v5 =	vadd.f32 v5, v9;
	v9 =	vld [tilespmem:s12+$0xFFFFFFD0]  }
0x2a2: {  	v12 =	vld [tilespmem:s0+$0xFFFFFFD0]  }
.Ltmp14:
0x2a3: {  	[tilespmem:s12+$0xFFFFFFA0] =	vst v5;
	v5 =	vadd.f32 v4, v7;
	v4 =	vld [tilespmem:s12+$0xFFFFFFE0];
	(pc) =	sbr.rel @p0 .LBB2_30-.Ltmp14, $4  }
0x2a4: {  	v6 =	vld [tilespmem:s0+$0xFFFFFFE0]  }
0x2a5: {  	[tilespmem:s12+$0xFFFFFFB0] =	vst v5;
	v10 =	vadd.f32 v11, v10;
	v5 =	vld [tilespmem:s12+$0xFFFFFFF0]  }
0x2a6: {  	v7 =	vld [tilespmem:s0+$0xFFFFFFF0]  }
0x2a7: {  	s12 =	sadd.s32 $0x400, s12;
	v8 =	vld [tilespmem:s29+$0xFFFFFF90];
	[tilespmem:s29+$0xFFFFFFC0] =	vst v10;
	v9 =	vadd.f32 v12, v9  }
0x2a8: {  	_ =	sdelay $0x1  }
0x2a9: {  	v4 =	vadd.f32 v6, v4  }
0x2aa: {  	[tilespmem:s29+$0xFFFFFFD0] =	vst v9;
	v5 =	vadd.f32 v7, v5  }
0x2ab: {  	[tilespmem:s29+$0xFFFFFFE0] =	vst v4;
	v3 =	vadd.f32 v3, v8  }
0x2ac: {  	[tilespmem:s29+$0xFFFFFFF0] =	vst v5  }
0x2ad: {  	[tilespmem:s29+$0xFFFFFF90] =	vst v3  }
0x2ae: {  	v4 =	vld [tilespmem:s30+$0x0]  }
0x2af: {  	v5 =	vld [tilespmem:s1+$0x0]  }
0x2b0: {  	v3 =	vld [tilespmem:s1+$0xFFFFFF90]  }
0x2b1: {  	v6 =	vld [tilespmem:s30+$0xFFFFFFA0]  }
0x2b2: {  	v7 =	vld [tilespmem:s1+$0xFFFFFFA0]  }
0x2b3: {  	v8 =	vld [tilespmem:s30+$0xFFFFFFB0]  }
0x2b4: {  	v9 =	vld [tilespmem:s1+$0xFFFFFFB0]  }
0x2b5: {  	v10 =	vld [tilespmem:s30+$0xFFFFFFC0]  }
0x2b6: {  	v11 =	vld [tilespmem:s1+$0xFFFFFFC0]  }
0x2b7: {  	v12 =	vld [tilespmem:s30+$0xFFFFFFD0]  }
0x2b8: {  	v13 =	vld [tilespmem:s1+$0xFFFFFFD0];
	v5 =	vadd.f32 v5, v4  }
0x2b9: {  	v7 =	vadd.f32 v7, v6;
	v4 =	vld [tilespmem:s30+$0xFFFFFFE0]  }
0x2ba: {  	v8 =	vadd.f32 v9, v8;
	v6 =	vld [tilespmem:s1+$0xFFFFFFE0];
	[tilespmem:s30+$0x0] =	vst v5  }
0x2bb: {  	v9 =	vadd.f32 v11, v10;
	[tilespmem:s30+$0xFFFFFFA0] =	vst v7;
	v5 =	vld [tilespmem:s30+$0xFFFFFFF0]  }
0x2bc: {  	[tilespmem:s30+$0xFFFFFFB0] =	vst v8;
	v8 =	vld [tilespmem:s1+$0xFFFFFFF0]  }
0x2bd: {  	s0 =	simm.s32 $0x0;
	s12 =	simm.s32 $0x28F0;
	v7 =	vld [tilespmem:s30+$0xFFFFFF90];
	[tilespmem:s30+$0xFFFFFFC0] =	vst v9;
	v9 =	vadd.f32 v13, v12  }
.LBB2_32:
0x2be: {  	v10 =	vld [tilespmem:s12+$0x0];
	s1 =	sadd.s32 $0x400, s1  }
0x2bf: {  	s0 =	sadd.s32 $0x8, s0;
	v11 =	vld [tilespmem:s1+$0x0];
	[tilespmem:s30+$0xFFFFFFD0] =	vst v9;
	v4 =	vadd.f32 v6, v4  }
0x2c0: {  	p0 =	slt.u32 s0, $0x38;
	v6 =	vld [tilespmem:s1+$0xFFFFFF90]  }
0x2c1: {  	v9 =	vld [tilespmem:s12+$0xFFFFFFA0];
	[tilespmem:s30+$0xFFFFFFE0] =	vst v4;
	v4 =	vadd.f32 v8, v5  }
0x2c2: {  	v5 =	vld [tilespmem:s1+$0xFFFFFFA0];
	v12 =	vadd.f32 v3, v7  }
0x2c3: {  	v7 =	vld [tilespmem:s12+$0xFFFFFFB0];
	[tilespmem:s30+$0xFFFFFFF0] =	vst v4  }
0x2c4: {  	v4 =	vld [tilespmem:s1+$0xFFFFFFB0];
	v8 =	vadd.f32 v11, v10;
	[tilespmem:s30+$0xFFFFFF90] =	vst v12;
	s30 =	smov.u32 s12  }
0x2c5: {  	v10 =	vld [tilespmem:s12+$0xFFFFFFC0];
	v3 =	vmov v6  }
0x2c6: {  	v11 =	vld [tilespmem:s1+$0xFFFFFFC0];
	[tilespmem:s12+$0x0] =	vst v8  }
0x2c7: {  	v5 =	vadd.f32 v5, v9;
	v9 =	vld [tilespmem:s12+$0xFFFFFFD0]  }
0x2c8: {  	v12 =	vld [tilespmem:s1+$0xFFFFFFD0]  }
.Ltmp15:
0x2c9: {  	[tilespmem:s12+$0xFFFFFFA0] =	vst v5;
	v5 =	vadd.f32 v4, v7;
	v4 =	vld [tilespmem:s12+$0xFFFFFFE0];
	(pc) =	sbr.rel @p0 .LBB2_32-.Ltmp15, $4  }
0x2ca: {  	v6 =	vld [tilespmem:s1+$0xFFFFFFE0]  }
0x2cb: {  	[tilespmem:s12+$0xFFFFFFB0] =	vst v5;
	v10 =	vadd.f32 v11, v10;
	v5 =	vld [tilespmem:s12+$0xFFFFFFF0]  }
0x2cc: {  	v8 =	vld [tilespmem:s1+$0xFFFFFFF0]  }
0x2cd: {  	s12 =	sadd.s32 $0x400, s12;
	v7 =	vld [tilespmem:s30+$0xFFFFFF90];
	[tilespmem:s30+$0xFFFFFFC0] =	vst v10;
	v9 =	vadd.f32 v12, v9  }
0x2ce: {  	_ =	sdelay $0x1  }
0x2cf: {  	v4 =	vadd.f32 v6, v4  }
0x2d0: {  	[tilespmem:s30+$0xFFFFFFD0] =	vst v9;
	v5 =	vadd.f32 v8, v5  }
0x2d1: {  	[tilespmem:s30+$0xFFFFFFE0] =	vst v4;
	v3 =	vadd.f32 v3, v7  }
0x2d2: {  	[tilespmem:s30+$0xFFFFFFF0] =	vst v5  }
0x2d3: {  	s29 =	simm.s32 $0x0;
	[tilespmem:s30+$0xFFFFFF90] =	vst v3  }
0x2d4: {  	v3 =	vld [tilespmem:s29+$0x4170]  }
0x2d5: {  	v4 =	vld [tilespmem:s29+$0xC170]  }
0x2d6: {  	v5 =	vld [tilespmem:s29+$0x4100]  }
0x2d7: {  	v6 =	vld [tilespmem:s29+$0xC100]  }
0x2d8: {  	v7 =	vld [tilespmem:s29+$0x4110]  }
0x2d9: {  	v8 =	vld [tilespmem:s29+$0xC110]  }
0x2da: {  	v9 =	vld [tilespmem:s29+$0x4120]  }
0x2db: {  	v10 =	vld [tilespmem:s29+$0xC120]  }
0x2dc: {  	v11 =	vld [tilespmem:s29+$0x4130]  }
0x2dd: {  	v12 =	vld [tilespmem:s29+$0xC130];
	v4 =	vadd.f32 v4, v3  }
0x2de: {  	v6 =	vadd.f32 v6, v5;
	v3 =	vld [tilespmem:s29+$0x4140]  }
0x2df: {  	v7 =	vadd.f32 v8, v7;
	v5 =	vld [tilespmem:s29+$0xC140];
	[tilespmem:s29+$0x4170] =	vst v4  }
0x2e0: {  	v8 =	vadd.f32 v10, v9;
	[tilespmem:s29+$0x4100] =	vst v6;
	v4 =	vld [tilespmem:s29+$0x4150]  }
0x2e1: {  	[tilespmem:s29+$0x4110] =	vst v7;
	v6 =	vld [tilespmem:s29+$0xC150]  }
0x2e2: {  	s1 =	simm.s32 $0x0;
	s12 =	simm.s32 $0x1000;
	s0 =	simm.s32 $0x0;
	[tilespmem:s29+$0x4120] =	vst v8;
	v8 =	vadd.f32 v12, v11;
	v7 =	vld [tilespmem:s29+$0x4160]  }
.LBB2_34:
0x2e3: {  	s30 =	sshra.s32 s12, $0x2;
	v9 =	vld [tilespmem:s0+$0xC160]  }
0x2e4: {  	s1 =	sadd.s32 $0x8, s1;
	v10 =	vld [tilespmem:s30+$0x4170];
	[tilespmem:s0+$0x4130] =	vst v8;
	v3 =	vadd.f32 v5, v3  }
0x2e5: {  	p0 =	slt.u32 s1, $0x38;
	v5 =	vld [tilespmem:s30+$0xC170]  }
0x2e6: {  	v8 =	vld [tilespmem:s30+$0x4100];
	[tilespmem:s0+$0x4140] =	vst v3;
	v3 =	vadd.f32 v6, v4  }
0x2e7: {  	v4 =	vld [tilespmem:s30+$0xC100]  }
0x2e8: {  	v6 =	vld [tilespmem:s30+$0x4110];
	[tilespmem:s0+$0x4150] =	vst v3;
	v3 =	vadd.f32 v9, v7  }
0x2e9: {  	v7 =	vld [tilespmem:s30+$0xC110]  }
0x2ea: {  	v9 =	vld [tilespmem:s30+$0x4120];
	v5 =	vadd.f32 v5, v10;
	[tilespmem:s0+$0x4160] =	vst v3;
	s0 =	smov.u32 s30  }
0x2eb: {  	v10 =	vld [tilespmem:s0+$0xC120]  }
0x2ec: {  	v3 =	vadd.f32 v4, v8;
	v8 =	vld [tilespmem:s0+$0x4130];
	[tilespmem:s0+$0x4170] =	vst v5  }
0x2ed: {  	v11 =	vld [tilespmem:s0+$0xC130]  }
.Ltmp16:
0x2ee: {  	[tilespmem:s0+$0x4100] =	vst v3;
	v4 =	vadd.f32 v7, v6;
	v3 =	vld [tilespmem:s0+$0x4140];
	(pc) =	sbr.rel @p0 .LBB2_34-.Ltmp16, $4  }
0x2ef: {  	v5 =	vld [tilespmem:s0+$0xC140]  }
0x2f0: {  	[tilespmem:s0+$0x4110] =	vst v4;
	v7 =	vadd.f32 v10, v9;
	v4 =	vld [tilespmem:s0+$0x4150]  }
0x2f1: {  	v6 =	vld [tilespmem:s0+$0xC150]  }
0x2f2: {  	s12 =	sadd.s32 $0x1000, s12;
	[tilespmem:s0+$0x4120] =	vst v7;
	v8 =	vadd.f32 v11, v8;
	v7 =	vld [tilespmem:s0+$0x4160]  }
0x2f3: {  	v9 =	vld [tilespmem:s0+$0xC160];
	_ =	sdelay $0x2  }
0x2f4: {  	v3 =	vadd.f32 v5, v3  }
0x2f5: {  	[tilespmem:s0+$0x4130] =	vst v8;
	v4 =	vadd.f32 v6, v4  }
0x2f6: {  	[tilespmem:s0+$0x4140] =	vst v3;
	v3 =	vadd.f32 v9, v7  }
0x2f7: {  	[tilespmem:s0+$0x4150] =	vst v4  }
0x2f8: {  	[tilespmem:s0+$0x4160] =	vst v3  }
0x2f9: {  	v3 =	vld [tilespmem:s29+$0x41F0]  }
0x2fa: {  	v4 =	vld [tilespmem:s29+$0xC1F0]  }
0x2fb: {  	v5 =	vld [tilespmem:s29+$0x4180]  }
0x2fc: {  	v6 =	vld [tilespmem:s29+$0xC180]  }
0x2fd: {  	v7 =	vld [tilespmem:s29+$0x4190]  }
0x2fe: {  	v8 =	vld [tilespmem:s29+$0xC190]  }
0x2ff: {  	v9 =	vld [tilespmem:s29+$0x41A0]  }
0x300: {  	v10 =	vld [tilespmem:s29+$0xC1A0]  }
0x301: {  	v11 =	vld [tilespmem:s29+$0x41B0]  }
0x302: {  	v12 =	vld [tilespmem:s29+$0xC1B0];
	v4 =	vadd.f32 v4, v3  }
0x303: {  	v6 =	vadd.f32 v6, v5;
	v3 =	vld [tilespmem:s29+$0x41C0]  }
0x304: {  	v7 =	vadd.f32 v8, v7;
	v5 =	vld [tilespmem:s29+$0xC1C0];
	[tilespmem:s29+$0x41F0] =	vst v4  }
0x305: {  	v8 =	vadd.f32 v10, v9;
	[tilespmem:s29+$0x4180] =	vst v6;
	v4 =	vld [tilespmem:s29+$0x41D0]  }
0x306: {  	[tilespmem:s29+$0x4190] =	vst v7;
	v6 =	vld [tilespmem:s29+$0xC1D0]  }
0x307: {  	s1 =	simm.s32 $0x1000;
	s0 =	simm.s32 $0x0;
	[tilespmem:s29+$0x41A0] =	vst v8;
	v8 =	vadd.f32 v12, v11;
	v7 =	vld [tilespmem:s29+$0x41E0]  }
.LBB2_36:
0x308: {  	s12 =	sshra.s32 s1, $0x2;
	v9 =	vld [tilespmem:s29+$0xC1E0]  }
0x309: {  	s0 =	sadd.s32 $0x8, s0;
	v10 =	vld [tilespmem:s12+$0x41F0];
	[tilespmem:s29+$0x41B0] =	vst v8;
	v3 =	vadd.f32 v5, v3  }
0x30a: {  	p0 =	slt.u32 s0, $0x38;
	v5 =	vld [tilespmem:s12+$0xC1F0]  }
0x30b: {  	v8 =	vld [tilespmem:s12+$0x4180];
	[tilespmem:s29+$0x41C0] =	vst v3;
	v3 =	vadd.f32 v6, v4  }
0x30c: {  	v4 =	vld [tilespmem:s12+$0xC180]  }
0x30d: {  	v6 =	vld [tilespmem:s12+$0x4190];
	[tilespmem:s29+$0x41D0] =	vst v3;
	v3 =	vadd.f32 v9, v7  }
0x30e: {  	v7 =	vld [tilespmem:s12+$0xC190]  }
0x30f: {  	v9 =	vld [tilespmem:s12+$0x41A0];
	v5 =	vadd.f32 v5, v10;
	[tilespmem:s29+$0x41E0] =	vst v3;
	s29 =	smov.u32 s12  }
0x310: {  	v10 =	vld [tilespmem:s29+$0xC1A0]  }
0x311: {  	v3 =	vadd.f32 v4, v8;
	v8 =	vld [tilespmem:s29+$0x41B0];
	[tilespmem:s29+$0x41F0] =	vst v5  }
0x312: {  	v11 =	vld [tilespmem:s29+$0xC1B0]  }
.Ltmp17:
0x313: {  	[tilespmem:s29+$0x4180] =	vst v3;
	v4 =	vadd.f32 v7, v6;
	v3 =	vld [tilespmem:s29+$0x41C0];
	(pc) =	sbr.rel @p0 .LBB2_36-.Ltmp17, $4  }
0x314: {  	v5 =	vld [tilespmem:s29+$0xC1C0]  }
0x315: {  	[tilespmem:s29+$0x4190] =	vst v4;
	v7 =	vadd.f32 v10, v9;
	v4 =	vld [tilespmem:s29+$0x41D0]  }
0x316: {  	v6 =	vld [tilespmem:s29+$0xC1D0]  }
0x317: {  	s1 =	sadd.s32 $0x1000, s1;
	[tilespmem:s29+$0x41A0] =	vst v7;
	v8 =	vadd.f32 v11, v8;
	v7 =	vld [tilespmem:s29+$0x41E0]  }
0x318: {  	v9 =	vld [tilespmem:s29+$0xC1E0];
	_ =	sdelay $0x2  }
0x319: {  	v3 =	vadd.f32 v5, v3  }
0x31a: {  	[tilespmem:s29+$0x41B0] =	vst v8;
	v4 =	vadd.f32 v6, v4  }
0x31b: {  	[tilespmem:s29+$0x41C0] =	vst v3;
	v3 =	vadd.f32 v9, v7  }
0x31c: {  	[tilespmem:s29+$0x41D0] =	vst v4  }
0x31d: {  	[tilespmem:s29+$0x41E0] =	vst v3;
	s29 =	simm.s32 $0x0  }
0x31e: {  	v3 =	vld [tilespmem:s29+$0x4270]  }
0x31f: {  	v4 =	vld [tilespmem:s29+$0xC270]  }
0x320: {  	v5 =	vld [tilespmem:s29+$0x4200]  }
0x321: {  	v6 =	vld [tilespmem:s29+$0xC200]  }
0x322: {  	v7 =	vld [tilespmem:s29+$0x4210]  }
0x323: {  	v8 =	vld [tilespmem:s29+$0xC210]  }
0x324: {  	v9 =	vld [tilespmem:s29+$0x4220]  }
0x325: {  	v10 =	vld [tilespmem:s29+$0xC220]  }
0x326: {  	v11 =	vld [tilespmem:s29+$0x4230]  }
0x327: {  	v12 =	vld [tilespmem:s29+$0xC230];
	v4 =	vadd.f32 v4, v3  }
0x328: {  	v6 =	vadd.f32 v6, v5;
	v3 =	vld [tilespmem:s29+$0x4240]  }
0x329: {  	v7 =	vadd.f32 v8, v7;
	v5 =	vld [tilespmem:s29+$0xC240];
	[tilespmem:s29+$0x4270] =	vst v4  }
0x32a: {  	v8 =	vadd.f32 v10, v9;
	[tilespmem:s29+$0x4200] =	vst v6;
	v4 =	vld [tilespmem:s29+$0x4250]  }
0x32b: {  	[tilespmem:s29+$0x4210] =	vst v7;
	v6 =	vld [tilespmem:s29+$0xC250]  }
0x32c: {  	s1 =	simm.s32 $0x0;
	s12 =	simm.s32 $0x1000;
	s0 =	simm.s32 $0x0;
	[tilespmem:s29+$0x4220] =	vst v8;
	v8 =	vadd.f32 v12, v11;
	v7 =	vld [tilespmem:s29+$0x4260]  }
.LBB2_38:
0x32d: {  	s30 =	sshra.s32 s12, $0x2;
	v9 =	vld [tilespmem:s0+$0xC260]  }
0x32e: {  	s1 =	sadd.s32 $0x8, s1;
	v10 =	vld [tilespmem:s30+$0x4270];
	[tilespmem:s0+$0x4230] =	vst v8;
	v3 =	vadd.f32 v5, v3  }
0x32f: {  	p0 =	slt.u32 s1, $0x38;
	v5 =	vld [tilespmem:s30+$0xC270]  }
0x330: {  	v8 =	vld [tilespmem:s30+$0x4200];
	[tilespmem:s0+$0x4240] =	vst v3;
	v3 =	vadd.f32 v6, v4  }
0x331: {  	v4 =	vld [tilespmem:s30+$0xC200]  }
0x332: {  	v6 =	vld [tilespmem:s30+$0x4210];
	[tilespmem:s0+$0x4250] =	vst v3;
	v3 =	vadd.f32 v9, v7  }
0x333: {  	v7 =	vld [tilespmem:s30+$0xC210]  }
0x334: {  	v9 =	vld [tilespmem:s30+$0x4220];
	v5 =	vadd.f32 v5, v10;
	[tilespmem:s0+$0x4260] =	vst v3;
	s0 =	smov.u32 s30  }
0x335: {  	v10 =	vld [tilespmem:s0+$0xC220]  }
0x336: {  	v3 =	vadd.f32 v4, v8;
	v8 =	vld [tilespmem:s0+$0x4230];
	[tilespmem:s0+$0x4270] =	vst v5  }
0x337: {  	v11 =	vld [tilespmem:s0+$0xC230]  }
.Ltmp18:
0x338: {  	[tilespmem:s0+$0x4200] =	vst v3;
	v4 =	vadd.f32 v7, v6;
	v3 =	vld [tilespmem:s0+$0x4240];
	(pc) =	sbr.rel @p0 .LBB2_38-.Ltmp18, $4  }
0x339: {  	v5 =	vld [tilespmem:s0+$0xC240]  }
0x33a: {  	[tilespmem:s0+$0x4210] =	vst v4;
	v7 =	vadd.f32 v10, v9;
	v4 =	vld [tilespmem:s0+$0x4250]  }
0x33b: {  	v6 =	vld [tilespmem:s0+$0xC250]  }
0x33c: {  	s12 =	sadd.s32 $0x1000, s12;
	[tilespmem:s0+$0x4220] =	vst v7;
	v8 =	vadd.f32 v11, v8;
	v7 =	vld [tilespmem:s0+$0x4260]  }
0x33d: {  	v9 =	vld [tilespmem:s0+$0xC260];
	_ =	sdelay $0x2  }
0x33e: {  	v3 =	vadd.f32 v5, v3  }
0x33f: {  	[tilespmem:s0+$0x4230] =	vst v8;
	v4 =	vadd.f32 v6, v4  }
0x340: {  	[tilespmem:s0+$0x4240] =	vst v3;
	v3 =	vadd.f32 v9, v7  }
0x341: {  	[tilespmem:s0+$0x4250] =	vst v4  }
0x342: {  	[tilespmem:s0+$0x4260] =	vst v3  }
0x343: {  	v3 =	vld [tilespmem:s29+$0x42F0]  }
0x344: {  	v4 =	vld [tilespmem:s29+$0xC2F0]  }
0x345: {  	v5 =	vld [tilespmem:s29+$0x4280]  }
0x346: {  	v6 =	vld [tilespmem:s29+$0xC280]  }
0x347: {  	v7 =	vld [tilespmem:s29+$0x4290]  }
0x348: {  	v8 =	vld [tilespmem:s29+$0xC290]  }
0x349: {  	v9 =	vld [tilespmem:s29+$0x42A0]  }
0x34a: {  	v10 =	vld [tilespmem:s29+$0xC2A0]  }
0x34b: {  	v11 =	vld [tilespmem:s29+$0x42B0]  }
0x34c: {  	v12 =	vld [tilespmem:s29+$0xC2B0];
	v4 =	vadd.f32 v4, v3  }
0x34d: {  	v6 =	vadd.f32 v6, v5;
	v3 =	vld [tilespmem:s29+$0x42C0]  }
0x34e: {  	v7 =	vadd.f32 v8, v7;
	v5 =	vld [tilespmem:s29+$0xC2C0];
	[tilespmem:s29+$0x42F0] =	vst v4  }
0x34f: {  	v8 =	vadd.f32 v10, v9;
	[tilespmem:s29+$0x4280] =	vst v6;
	v4 =	vld [tilespmem:s29+$0x42D0]  }
0x350: {  	[tilespmem:s29+$0x4290] =	vst v7;
	v6 =	vld [tilespmem:s29+$0xC2D0]  }
0x351: {  	s1 =	simm.s32 $0x1000;
	s0 =	simm.s32 $0x0;
	[tilespmem:s29+$0x42A0] =	vst v8;
	v8 =	vadd.f32 v12, v11;
	v7 =	vld [tilespmem:s29+$0x42E0]  }
.LBB2_40:
0x352: {  	s12 =	sshra.s32 s1, $0x2;
	v9 =	vld [tilespmem:s29+$0xC2E0]  }
0x353: {  	s0 =	sadd.s32 $0x8, s0;
	v10 =	vld [tilespmem:s12+$0x42F0];
	[tilespmem:s29+$0x42B0] =	vst v8;
	v3 =	vadd.f32 v5, v3  }
0x354: {  	p0 =	slt.u32 s0, $0x38;
	v5 =	vld [tilespmem:s12+$0xC2F0]  }
0x355: {  	v8 =	vld [tilespmem:s12+$0x4280];
	[tilespmem:s29+$0x42C0] =	vst v3;
	v3 =	vadd.f32 v6, v4  }
0x356: {  	v4 =	vld [tilespmem:s12+$0xC280]  }
0x357: {  	v6 =	vld [tilespmem:s12+$0x4290];
	[tilespmem:s29+$0x42D0] =	vst v3;
	v3 =	vadd.f32 v9, v7  }
0x358: {  	v7 =	vld [tilespmem:s12+$0xC290]  }
0x359: {  	v9 =	vld [tilespmem:s12+$0x42A0];
	v5 =	vadd.f32 v5, v10;
	[tilespmem:s29+$0x42E0] =	vst v3;
	s29 =	smov.u32 s12  }
0x35a: {  	v10 =	vld [tilespmem:s29+$0xC2A0]  }
0x35b: {  	v3 =	vadd.f32 v4, v8;
	v8 =	vld [tilespmem:s29+$0x42B0];
	[tilespmem:s29+$0x42F0] =	vst v5  }
0x35c: {  	v11 =	vld [tilespmem:s29+$0xC2B0]  }
.Ltmp19:
0x35d: {  	[tilespmem:s29+$0x4280] =	vst v3;
	v4 =	vadd.f32 v7, v6;
	v3 =	vld [tilespmem:s29+$0x42C0];
	(pc) =	sbr.rel @p0 .LBB2_40-.Ltmp19, $4  }
0x35e: {  	v5 =	vld [tilespmem:s29+$0xC2C0]  }
0x35f: {  	[tilespmem:s29+$0x4290] =	vst v4;
	v7 =	vadd.f32 v10, v9;
	v4 =	vld [tilespmem:s29+$0x42D0]  }
0x360: {  	v6 =	vld [tilespmem:s29+$0xC2D0]  }
0x361: {  	s1 =	sadd.s32 $0x1000, s1;
	[tilespmem:s29+$0x42A0] =	vst v7;
	v8 =	vadd.f32 v11, v8;
	v7 =	vld [tilespmem:s29+$0x42E0]  }
0x362: {  	v9 =	vld [tilespmem:s29+$0xC2E0];
	_ =	sdelay $0x2  }
0x363: {  	v3 =	vadd.f32 v5, v3  }
0x364: {  	[tilespmem:s29+$0x42B0] =	vst v8;
	v4 =	vadd.f32 v6, v4  }
0x365: {  	[tilespmem:s29+$0x42C0] =	vst v3;
	v3 =	vadd.f32 v9, v7  }
0x366: {  	[tilespmem:s29+$0x42D0] =	vst v4  }
0x367: {  	[tilespmem:s29+$0x42E0] =	vst v3;
	s29 =	simm.s32 $0x0  }
0x368: {  	v3 =	vld [tilespmem:s29+$0x4370]  }
0x369: {  	v4 =	vld [tilespmem:s29+$0xC370]  }
0x36a: {  	v5 =	vld [tilespmem:s29+$0x4300]  }
0x36b: {  	v6 =	vld [tilespmem:s29+$0xC300]  }
0x36c: {  	v7 =	vld [tilespmem:s29+$0x4310]  }
0x36d: {  	v8 =	vld [tilespmem:s29+$0xC310]  }
0x36e: {  	v9 =	vld [tilespmem:s29+$0x4320]  }
0x36f: {  	v10 =	vld [tilespmem:s29+$0xC320]  }
0x370: {  	v11 =	vld [tilespmem:s29+$0x4330]  }
0x371: {  	v12 =	vld [tilespmem:s29+$0xC330];
	v4 =	vadd.f32 v4, v3  }
0x372: {  	v6 =	vadd.f32 v6, v5;
	v3 =	vld [tilespmem:s29+$0x4340]  }
0x373: {  	v7 =	vadd.f32 v8, v7;
	v5 =	vld [tilespmem:s29+$0xC340];
	[tilespmem:s29+$0x4370] =	vst v4  }
0x374: {  	v8 =	vadd.f32 v10, v9;
	[tilespmem:s29+$0x4300] =	vst v6;
	v4 =	vld [tilespmem:s29+$0x4350]  }
0x375: {  	[tilespmem:s29+$0x4310] =	vst v7;
	v6 =	vld [tilespmem:s29+$0xC350]  }
0x376: {  	s1 =	simm.s32 $0x0;
	s12 =	simm.s32 $0x1000;
	s0 =	simm.s32 $0x0;
	[tilespmem:s29+$0x4320] =	vst v8;
	v8 =	vadd.f32 v12, v11;
	v7 =	vld [tilespmem:s29+$0x4360]  }
.LBB2_42:
0x377: {  	s30 =	sshra.s32 s12, $0x2;
	v9 =	vld [tilespmem:s0+$0xC360]  }
0x378: {  	s1 =	sadd.s32 $0x8, s1;
	v10 =	vld [tilespmem:s30+$0x4370];
	[tilespmem:s0+$0x4330] =	vst v8;
	v3 =	vadd.f32 v5, v3  }
0x379: {  	p0 =	slt.u32 s1, $0x38;
	v5 =	vld [tilespmem:s30+$0xC370]  }
0x37a: {  	v8 =	vld [tilespmem:s30+$0x4300];
	[tilespmem:s0+$0x4340] =	vst v3;
	v3 =	vadd.f32 v6, v4  }
0x37b: {  	v4 =	vld [tilespmem:s30+$0xC300]  }
0x37c: {  	v6 =	vld [tilespmem:s30+$0x4310];
	[tilespmem:s0+$0x4350] =	vst v3;
	v3 =	vadd.f32 v9, v7  }
0x37d: {  	v7 =	vld [tilespmem:s30+$0xC310]  }
0x37e: {  	v9 =	vld [tilespmem:s30+$0x4320];
	v5 =	vadd.f32 v5, v10;
	[tilespmem:s0+$0x4360] =	vst v3;
	s0 =	smov.u32 s30  }
0x37f: {  	v10 =	vld [tilespmem:s0+$0xC320]  }
0x380: {  	v3 =	vadd.f32 v4, v8;
	v8 =	vld [tilespmem:s0+$0x4330];
	[tilespmem:s0+$0x4370] =	vst v5  }
0x381: {  	v11 =	vld [tilespmem:s0+$0xC330]  }
.Ltmp20:
0x382: {  	[tilespmem:s0+$0x4300] =	vst v3;
	v4 =	vadd.f32 v7, v6;
	v3 =	vld [tilespmem:s0+$0x4340];
	(pc) =	sbr.rel @p0 .LBB2_42-.Ltmp20, $4  }
0x383: {  	v5 =	vld [tilespmem:s0+$0xC340]  }
0x384: {  	[tilespmem:s0+$0x4310] =	vst v4;
	v7 =	vadd.f32 v10, v9;
	v4 =	vld [tilespmem:s0+$0x4350]  }
0x385: {  	v6 =	vld [tilespmem:s0+$0xC350]  }
0x386: {  	s12 =	sadd.s32 $0x1000, s12;
	[tilespmem:s0+$0x4320] =	vst v7;
	v8 =	vadd.f32 v11, v8;
	v7 =	vld [tilespmem:s0+$0x4360]  }
0x387: {  	v9 =	vld [tilespmem:s0+$0xC360];
	_ =	sdelay $0x2  }
0x388: {  	v3 =	vadd.f32 v5, v3  }
0x389: {  	[tilespmem:s0+$0x4330] =	vst v8;
	v4 =	vadd.f32 v6, v4  }
0x38a: {  	[tilespmem:s0+$0x4340] =	vst v3;
	v3 =	vadd.f32 v9, v7  }
0x38b: {  	[tilespmem:s0+$0x4350] =	vst v4  }
0x38c: {  	[tilespmem:s0+$0x4360] =	vst v3  }
0x38d: {  	v3 =	vld [tilespmem:s29+$0x43F0]  }
0x38e: {  	v4 =	vld [tilespmem:s29+$0xC3F0]  }
0x38f: {  	v5 =	vld [tilespmem:s29+$0x4380]  }
0x390: {  	v6 =	vld [tilespmem:s29+$0xC380]  }
0x391: {  	v7 =	vld [tilespmem:s29+$0x4390]  }
0x392: {  	v8 =	vld [tilespmem:s29+$0xC390]  }
0x393: {  	v9 =	vld [tilespmem:s29+$0x43A0]  }
0x394: {  	v10 =	vld [tilespmem:s29+$0xC3A0]  }
0x395: {  	v11 =	vld [tilespmem:s29+$0x43B0]  }
0x396: {  	v12 =	vld [tilespmem:s29+$0xC3B0];
	v4 =	vadd.f32 v4, v3  }
0x397: {  	v6 =	vadd.f32 v6, v5;
	v3 =	vld [tilespmem:s29+$0x43C0]  }
0x398: {  	v7 =	vadd.f32 v8, v7;
	v5 =	vld [tilespmem:s29+$0xC3C0];
	[tilespmem:s29+$0x43F0] =	vst v4  }
0x399: {  	v8 =	vadd.f32 v10, v9;
	[tilespmem:s29+$0x4380] =	vst v6;
	v4 =	vld [tilespmem:s29+$0x43D0]  }
0x39a: {  	[tilespmem:s29+$0x4390] =	vst v7;
	v6 =	vld [tilespmem:s29+$0xC3D0]  }
0x39b: {  	s1 =	simm.s32 $0x1000;
	s0 =	simm.s32 $0x0;
	[tilespmem:s29+$0x43A0] =	vst v8;
	v8 =	vadd.f32 v12, v11;
	v7 =	vld [tilespmem:s29+$0x43E0]  }
.LBB2_44:
0x39c: {  	s12 =	sshra.s32 s1, $0x2;
	v9 =	vld [tilespmem:s29+$0xC3E0]  }
0x39d: {  	s0 =	sadd.s32 $0x8, s0;
	v10 =	vld [tilespmem:s12+$0x43F0];
	[tilespmem:s29+$0x43B0] =	vst v8;
	v3 =	vadd.f32 v5, v3  }
0x39e: {  	p0 =	slt.u32 s0, $0x38;
	v5 =	vld [tilespmem:s12+$0xC3F0]  }
0x39f: {  	v8 =	vld [tilespmem:s12+$0x4380];
	[tilespmem:s29+$0x43C0] =	vst v3;
	v3 =	vadd.f32 v6, v4  }
0x3a0: {  	v4 =	vld [tilespmem:s12+$0xC380]  }
0x3a1: {  	v6 =	vld [tilespmem:s12+$0x4390];
	[tilespmem:s29+$0x43D0] =	vst v3;
	v3 =	vadd.f32 v9, v7  }
0x3a2: {  	v7 =	vld [tilespmem:s12+$0xC390]  }
0x3a3: {  	v9 =	vld [tilespmem:s12+$0x43A0];
	v5 =	vadd.f32 v5, v10;
	[tilespmem:s29+$0x43E0] =	vst v3;
	s29 =	smov.u32 s12  }
0x3a4: {  	v10 =	vld [tilespmem:s29+$0xC3A0]  }
0x3a5: {  	v3 =	vadd.f32 v4, v8;
	v8 =	vld [tilespmem:s29+$0x43B0];
	[tilespmem:s29+$0x43F0] =	vst v5  }
0x3a6: {  	v11 =	vld [tilespmem:s29+$0xC3B0]  }
.Ltmp21:
0x3a7: {  	[tilespmem:s29+$0x4380] =	vst v3;
	v4 =	vadd.f32 v7, v6;
	v3 =	vld [tilespmem:s29+$0x43C0];
	(pc) =	sbr.rel @p0 .LBB2_44-.Ltmp21, $4  }
0x3a8: {  	v5 =	vld [tilespmem:s29+$0xC3C0]  }
0x3a9: {  	[tilespmem:s29+$0x4390] =	vst v4;
	v7 =	vadd.f32 v10, v9;
	v4 =	vld [tilespmem:s29+$0x43D0]  }
0x3aa: {  	v6 =	vld [tilespmem:s29+$0xC3D0]  }
0x3ab: {  	s1 =	sadd.s32 $0x1000, s1;
	[tilespmem:s29+$0x43A0] =	vst v7;
	v8 =	vadd.f32 v11, v8;
	v7 =	vld [tilespmem:s29+$0x43E0]  }
0x3ac: {  	v9 =	vld [tilespmem:s29+$0xC3E0];
	_ =	sdelay $0x2  }
0x3ad: {  	v3 =	vadd.f32 v5, v3  }
0x3ae: {  	[tilespmem:s29+$0x43B0] =	vst v8;
	v4 =	vadd.f32 v6, v4  }
0x3af: {  	[tilespmem:s29+$0x43C0] =	vst v3;
	v3 =	vadd.f32 v9, v7  }
0x3b0: {  	[tilespmem:s29+$0x43D0] =	vst v4  }
0x3b1: {  	[tilespmem:s29+$0x43E0] =	vst v3;
	s29 =	simm.s32 $0x0  }
0x3b2: {  	v3 =	vld [tilespmem:s29+$0x4470]  }
0x3b3: {  	v4 =	vld [tilespmem:s29+$0xC470]  }
0x3b4: {  	v5 =	vld [tilespmem:s29+$0x4400]  }
0x3b5: {  	v6 =	vld [tilespmem:s29+$0xC400]  }
0x3b6: {  	v7 =	vld [tilespmem:s29+$0x4410]  }
0x3b7: {  	v8 =	vld [tilespmem:s29+$0xC410]  }
0x3b8: {  	v9 =	vld [tilespmem:s29+$0x4420]  }
0x3b9: {  	v10 =	vld [tilespmem:s29+$0xC420]  }
0x3ba: {  	v11 =	vld [tilespmem:s29+$0x4430]  }
0x3bb: {  	v12 =	vld [tilespmem:s29+$0xC430];
	v4 =	vadd.f32 v4, v3  }
0x3bc: {  	v6 =	vadd.f32 v6, v5;
	v3 =	vld [tilespmem:s29+$0x4440]  }
0x3bd: {  	v7 =	vadd.f32 v8, v7;
	v5 =	vld [tilespmem:s29+$0xC440];
	[tilespmem:s29+$0x4470] =	vst v4  }
0x3be: {  	v8 =	vadd.f32 v10, v9;
	[tilespmem:s29+$0x4400] =	vst v6;
	v4 =	vld [tilespmem:s29+$0x4450]  }
0x3bf: {  	[tilespmem:s29+$0x4410] =	vst v7;
	v6 =	vld [tilespmem:s29+$0xC450]  }
0x3c0: {  	s1 =	simm.s32 $0x0;
	s12 =	simm.s32 $0x1000;
	s0 =	simm.s32 $0x0;
	[tilespmem:s29+$0x4420] =	vst v8;
	v8 =	vadd.f32 v12, v11;
	v7 =	vld [tilespmem:s29+$0x4460]  }
.LBB2_46:
0x3c1: {  	s30 =	sshra.s32 s12, $0x2;
	v9 =	vld [tilespmem:s0+$0xC460]  }
0x3c2: {  	s1 =	sadd.s32 $0x8, s1;
	v10 =	vld [tilespmem:s30+$0x4470];
	[tilespmem:s0+$0x4430] =	vst v8;
	v3 =	vadd.f32 v5, v3  }
0x3c3: {  	p0 =	slt.u32 s1, $0x38;
	v5 =	vld [tilespmem:s30+$0xC470]  }
0x3c4: {  	v8 =	vld [tilespmem:s30+$0x4400];
	[tilespmem:s0+$0x4440] =	vst v3;
	v3 =	vadd.f32 v6, v4  }
0x3c5: {  	v4 =	vld [tilespmem:s30+$0xC400]  }
0x3c6: {  	v6 =	vld [tilespmem:s30+$0x4410];
	[tilespmem:s0+$0x4450] =	vst v3;
	v3 =	vadd.f32 v9, v7  }
0x3c7: {  	v7 =	vld [tilespmem:s30+$0xC410]  }
0x3c8: {  	v9 =	vld [tilespmem:s30+$0x4420];
	v5 =	vadd.f32 v5, v10;
	[tilespmem:s0+$0x4460] =	vst v3;
	s0 =	smov.u32 s30  }
0x3c9: {  	v10 =	vld [tilespmem:s0+$0xC420]  }
0x3ca: {  	v3 =	vadd.f32 v4, v8;
	v8 =	vld [tilespmem:s0+$0x4430];
	[tilespmem:s0+$0x4470] =	vst v5  }
0x3cb: {  	v11 =	vld [tilespmem:s0+$0xC430]  }
.Ltmp22:
0x3cc: {  	[tilespmem:s0+$0x4400] =	vst v3;
	v4 =	vadd.f32 v7, v6;
	v3 =	vld [tilespmem:s0+$0x4440];
	(pc) =	sbr.rel @p0 .LBB2_46-.Ltmp22, $4  }
0x3cd: {  	v5 =	vld [tilespmem:s0+$0xC440]  }
0x3ce: {  	[tilespmem:s0+$0x4410] =	vst v4;
	v7 =	vadd.f32 v10, v9;
	v4 =	vld [tilespmem:s0+$0x4450]  }
0x3cf: {  	v6 =	vld [tilespmem:s0+$0xC450]  }
0x3d0: {  	s12 =	sadd.s32 $0x1000, s12;
	[tilespmem:s0+$0x4420] =	vst v7;
	v8 =	vadd.f32 v11, v8;
	v7 =	vld [tilespmem:s0+$0x4460]  }
0x3d1: {  	v9 =	vld [tilespmem:s0+$0xC460];
	_ =	sdelay $0x2  }
0x3d2: {  	v3 =	vadd.f32 v5, v3  }
0x3d3: {  	[tilespmem:s0+$0x4430] =	vst v8;
	v4 =	vadd.f32 v6, v4  }
0x3d4: {  	[tilespmem:s0+$0x4440] =	vst v3;
	v3 =	vadd.f32 v9, v7  }
0x3d5: {  	[tilespmem:s0+$0x4450] =	vst v4  }
0x3d6: {  	[tilespmem:s0+$0x4460] =	vst v3  }
0x3d7: {  	v3 =	vld [tilespmem:s29+$0x44F0]  }
0x3d8: {  	v4 =	vld [tilespmem:s29+$0xC4F0]  }
0x3d9: {  	v5 =	vld [tilespmem:s29+$0x4480]  }
0x3da: {  	v6 =	vld [tilespmem:s29+$0xC480]  }
0x3db: {  	v7 =	vld [tilespmem:s29+$0x4490]  }
0x3dc: {  	v8 =	vld [tilespmem:s29+$0xC490]  }
0x3dd: {  	v9 =	vld [tilespmem:s29+$0x44A0]  }
0x3de: {  	v10 =	vld [tilespmem:s29+$0xC4A0]  }
0x3df: {  	v11 =	vld [tilespmem:s29+$0x44B0]  }
0x3e0: {  	v12 =	vld [tilespmem:s29+$0xC4B0];
	v4 =	vadd.f32 v4, v3  }
0x3e1: {  	v6 =	vadd.f32 v6, v5;
	v3 =	vld [tilespmem:s29+$0x44C0]  }
0x3e2: {  	v7 =	vadd.f32 v8, v7;
	v5 =	vld [tilespmem:s29+$0xC4C0];
	[tilespmem:s29+$0x44F0] =	vst v4  }
0x3e3: {  	v8 =	vadd.f32 v10, v9;
	[tilespmem:s29+$0x4480] =	vst v6;
	v4 =	vld [tilespmem:s29+$0x44D0]  }
0x3e4: {  	[tilespmem:s29+$0x4490] =	vst v7;
	v6 =	vld [tilespmem:s29+$0xC4D0]  }
0x3e5: {  	s1 =	simm.s32 $0x1000;
	s0 =	simm.s32 $0x0;
	[tilespmem:s29+$0x44A0] =	vst v8;
	v8 =	vadd.f32 v12, v11;
	v7 =	vld [tilespmem:s29+$0x44E0]  }
.LBB2_48:
0x3e6: {  	s12 =	sshra.s32 s1, $0x2;
	v9 =	vld [tilespmem:s29+$0xC4E0]  }
0x3e7: {  	s0 =	sadd.s32 $0x8, s0;
	v10 =	vld [tilespmem:s12+$0x44F0];
	[tilespmem:s29+$0x44B0] =	vst v8;
	v3 =	vadd.f32 v5, v3  }
0x3e8: {  	p0 =	slt.u32 s0, $0x38;
	v5 =	vld [tilespmem:s12+$0xC4F0]  }
0x3e9: {  	v8 =	vld [tilespmem:s12+$0x4480];
	[tilespmem:s29+$0x44C0] =	vst v3;
	v3 =	vadd.f32 v6, v4  }
0x3ea: {  	v4 =	vld [tilespmem:s12+$0xC480]  }
0x3eb: {  	v6 =	vld [tilespmem:s12+$0x4490];
	[tilespmem:s29+$0x44D0] =	vst v3;
	v3 =	vadd.f32 v9, v7  }
0x3ec: {  	v7 =	vld [tilespmem:s12+$0xC490]  }
0x3ed: {  	v9 =	vld [tilespmem:s12+$0x44A0];
	v5 =	vadd.f32 v5, v10;
	[tilespmem:s29+$0x44E0] =	vst v3;
	s29 =	smov.u32 s12  }
0x3ee: {  	v10 =	vld [tilespmem:s29+$0xC4A0]  }
0x3ef: {  	v3 =	vadd.f32 v4, v8;
	v8 =	vld [tilespmem:s29+$0x44B0];
	[tilespmem:s29+$0x44F0] =	vst v5  }
0x3f0: {  	v11 =	vld [tilespmem:s29+$0xC4B0]  }
.Ltmp23:
0x3f1: {  	[tilespmem:s29+$0x4480] =	vst v3;
	v4 =	vadd.f32 v7, v6;
	v3 =	vld [tilespmem:s29+$0x44C0];
	(pc) =	sbr.rel @p0 .LBB2_48-.Ltmp23, $4  }
0x3f2: {  	v5 =	vld [tilespmem:s29+$0xC4C0]  }
0x3f3: {  	[tilespmem:s29+$0x4490] =	vst v4;
	v7 =	vadd.f32 v10, v9;
	v4 =	vld [tilespmem:s29+$0x44D0]  }
0x3f4: {  	v6 =	vld [tilespmem:s29+$0xC4D0]  }
0x3f5: {  	s1 =	sadd.s32 $0x1000, s1;
	[tilespmem:s29+$0x44A0] =	vst v7;
	v8 =	vadd.f32 v11, v8;
	v7 =	vld [tilespmem:s29+$0x44E0]  }
0x3f6: {  	v9 =	vld [tilespmem:s29+$0xC4E0];
	_ =	sdelay $0x2  }
0x3f7: {  	v3 =	vadd.f32 v5, v3  }
0x3f8: {  	[tilespmem:s29+$0x44B0] =	vst v8;
	v4 =	vadd.f32 v6, v4  }
0x3f9: {  	[tilespmem:s29+$0x44C0] =	vst v3;
	v3 =	vadd.f32 v9, v7  }
0x3fa: {  	[tilespmem:s29+$0x44D0] =	vst v4  }
0x3fb: {  	[tilespmem:s29+$0x44E0] =	vst v3;
	s29 =	simm.s32 $0x0  }
0x3fc: {  	v3 =	vld [tilespmem:s29+$0x6170]  }
0x3fd: {  	v4 =	vld [tilespmem:s29+$0xE170]  }
0x3fe: {  	v5 =	vld [tilespmem:s29+$0x6100]  }
0x3ff: {  	v6 =	vld [tilespmem:s29+$0xE100]  }
0x400: {  	v7 =	vld [tilespmem:s29+$0x6110]  }
0x401: {  	v8 =	vld [tilespmem:s29+$0xE110]  }
0x402: {  	v9 =	vld [tilespmem:s29+$0x6120]  }
0x403: {  	v10 =	vld [tilespmem:s29+$0xE120]  }
0x404: {  	v11 =	vld [tilespmem:s29+$0x6130]  }
0x405: {  	v12 =	vld [tilespmem:s29+$0xE130];
	v4 =	vadd.f32 v4, v3  }
0x406: {  	v6 =	vadd.f32 v6, v5;
	v3 =	vld [tilespmem:s29+$0x6140]  }
0x407: {  	v7 =	vadd.f32 v8, v7;
	v5 =	vld [tilespmem:s29+$0xE140];
	[tilespmem:s29+$0x6170] =	vst v4  }
0x408: {  	v8 =	vadd.f32 v10, v9;
	[tilespmem:s29+$0x6100] =	vst v6;
	v4 =	vld [tilespmem:s29+$0x6150]  }
0x409: {  	[tilespmem:s29+$0x6110] =	vst v7;
	v6 =	vld [tilespmem:s29+$0xE150]  }
0x40a: {  	s1 =	simm.s32 $0x0;
	s12 =	simm.s32 $0x1000;
	s0 =	simm.s32 $0x0;
	[tilespmem:s29+$0x6120] =	vst v8;
	v8 =	vadd.f32 v12, v11;
	v7 =	vld [tilespmem:s29+$0x6160]  }
.LBB2_50:
0x40b: {  	s30 =	sshra.s32 s12, $0x2;
	v9 =	vld [tilespmem:s0+$0xE160]  }
0x40c: {  	s1 =	sadd.s32 $0x8, s1;
	v10 =	vld [tilespmem:s30+$0x6170];
	[tilespmem:s0+$0x6130] =	vst v8;
	v3 =	vadd.f32 v5, v3  }
0x40d: {  	p0 =	slt.u32 s1, $0x38;
	v5 =	vld [tilespmem:s30+$0xE170]  }
0x40e: {  	v8 =	vld [tilespmem:s30+$0x6100];
	[tilespmem:s0+$0x6140] =	vst v3;
	v3 =	vadd.f32 v6, v4  }
0x40f: {  	v4 =	vld [tilespmem:s30+$0xE100]  }
0x410: {  	v6 =	vld [tilespmem:s30+$0x6110];
	[tilespmem:s0+$0x6150] =	vst v3;
	v3 =	vadd.f32 v9, v7  }
0x411: {  	v7 =	vld [tilespmem:s30+$0xE110]  }
0x412: {  	v9 =	vld [tilespmem:s30+$0x6120];
	v5 =	vadd.f32 v5, v10;
	[tilespmem:s0+$0x6160] =	vst v3;
	s0 =	smov.u32 s30  }
0x413: {  	v10 =	vld [tilespmem:s0+$0xE120]  }
0x414: {  	v3 =	vadd.f32 v4, v8;
	v8 =	vld [tilespmem:s0+$0x6130];
	[tilespmem:s0+$0x6170] =	vst v5  }
0x415: {  	v11 =	vld [tilespmem:s0+$0xE130]  }
.Ltmp24:
0x416: {  	[tilespmem:s0+$0x6100] =	vst v3;
	v4 =	vadd.f32 v7, v6;
	v3 =	vld [tilespmem:s0+$0x6140];
	(pc) =	sbr.rel @p0 .LBB2_50-.Ltmp24, $4  }
0x417: {  	v5 =	vld [tilespmem:s0+$0xE140]  }
0x418: {  	[tilespmem:s0+$0x6110] =	vst v4;
	v7 =	vadd.f32 v10, v9;
	v4 =	vld [tilespmem:s0+$0x6150]  }
0x419: {  	v6 =	vld [tilespmem:s0+$0xE150]  }
0x41a: {  	s12 =	sadd.s32 $0x1000, s12;
	[tilespmem:s0+$0x6120] =	vst v7;
	v8 =	vadd.f32 v11, v8;
	v7 =	vld [tilespmem:s0+$0x6160]  }
0x41b: {  	v9 =	vld [tilespmem:s0+$0xE160];
	_ =	sdelay $0x2  }
0x41c: {  	v3 =	vadd.f32 v5, v3  }
0x41d: {  	[tilespmem:s0+$0x6130] =	vst v8;
	v4 =	vadd.f32 v6, v4  }
0x41e: {  	[tilespmem:s0+$0x6140] =	vst v3;
	v3 =	vadd.f32 v9, v7  }
0x41f: {  	[tilespmem:s0+$0x6150] =	vst v4  }
0x420: {  	[tilespmem:s0+$0x6160] =	vst v3  }
0x421: {  	v3 =	vld [tilespmem:s29+$0x61F0]  }
0x422: {  	v4 =	vld [tilespmem:s29+$0xE1F0]  }
0x423: {  	v5 =	vld [tilespmem:s29+$0x6180]  }
0x424: {  	v6 =	vld [tilespmem:s29+$0xE180]  }
0x425: {  	v7 =	vld [tilespmem:s29+$0x6190]  }
0x426: {  	v8 =	vld [tilespmem:s29+$0xE190]  }
0x427: {  	v9 =	vld [tilespmem:s29+$0x61A0]  }
0x428: {  	v10 =	vld [tilespmem:s29+$0xE1A0]  }
0x429: {  	v11 =	vld [tilespmem:s29+$0x61B0]  }
0x42a: {  	v12 =	vld [tilespmem:s29+$0xE1B0];
	v4 =	vadd.f32 v4, v3  }
0x42b: {  	v6 =	vadd.f32 v6, v5;
	v3 =	vld [tilespmem:s29+$0x61C0]  }
0x42c: {  	v7 =	vadd.f32 v8, v7;
	v5 =	vld [tilespmem:s29+$0xE1C0];
	[tilespmem:s29+$0x61F0] =	vst v4  }
0x42d: {  	v8 =	vadd.f32 v10, v9;
	[tilespmem:s29+$0x6180] =	vst v6;
	v4 =	vld [tilespmem:s29+$0x61D0]  }
0x42e: {  	[tilespmem:s29+$0x6190] =	vst v7;
	v6 =	vld [tilespmem:s29+$0xE1D0]  }
0x42f: {  	s1 =	simm.s32 $0x1000;
	s0 =	simm.s32 $0x0;
	[tilespmem:s29+$0x61A0] =	vst v8;
	v8 =	vadd.f32 v12, v11;
	v7 =	vld [tilespmem:s29+$0x61E0]  }
.LBB2_52:
0x430: {  	s12 =	sshra.s32 s1, $0x2;
	v9 =	vld [tilespmem:s29+$0xE1E0]  }
0x431: {  	s0 =	sadd.s32 $0x8, s0;
	v10 =	vld [tilespmem:s12+$0x61F0];
	[tilespmem:s29+$0x61B0] =	vst v8;
	v3 =	vadd.f32 v5, v3  }
0x432: {  	p0 =	slt.u32 s0, $0x38;
	v5 =	vld [tilespmem:s12+$0xE1F0]  }
0x433: {  	v8 =	vld [tilespmem:s12+$0x6180];
	[tilespmem:s29+$0x61C0] =	vst v3;
	v3 =	vadd.f32 v6, v4  }
0x434: {  	v4 =	vld [tilespmem:s12+$0xE180]  }
0x435: {  	v6 =	vld [tilespmem:s12+$0x6190];
	[tilespmem:s29+$0x61D0] =	vst v3;
	v3 =	vadd.f32 v9, v7  }
0x436: {  	v7 =	vld [tilespmem:s12+$0xE190]  }
0x437: {  	v9 =	vld [tilespmem:s12+$0x61A0];
	v5 =	vadd.f32 v5, v10;
	[tilespmem:s29+$0x61E0] =	vst v3;
	s29 =	smov.u32 s12  }
0x438: {  	v10 =	vld [tilespmem:s29+$0xE1A0]  }
0x439: {  	v3 =	vadd.f32 v4, v8;
	v8 =	vld [tilespmem:s29+$0x61B0];
	[tilespmem:s29+$0x61F0] =	vst v5  }
0x43a: {  	v11 =	vld [tilespmem:s29+$0xE1B0]  }
.Ltmp25:
0x43b: {  	[tilespmem:s29+$0x6180] =	vst v3;
	v4 =	vadd.f32 v7, v6;
	v3 =	vld [tilespmem:s29+$0x61C0];
	(pc) =	sbr.rel @p0 .LBB2_52-.Ltmp25, $4  }
0x43c: {  	v5 =	vld [tilespmem:s29+$0xE1C0]  }
0x43d: {  	[tilespmem:s29+$0x6190] =	vst v4;
	v7 =	vadd.f32 v10, v9;
	v4 =	vld [tilespmem:s29+$0x61D0]  }
0x43e: {  	v6 =	vld [tilespmem:s29+$0xE1D0]  }
0x43f: {  	s1 =	sadd.s32 $0x1000, s1;
	[tilespmem:s29+$0x61A0] =	vst v7;
	v8 =	vadd.f32 v11, v8;
	v7 =	vld [tilespmem:s29+$0x61E0]  }
0x440: {  	v9 =	vld [tilespmem:s29+$0xE1E0];
	_ =	sdelay $0x2  }
0x441: {  	v3 =	vadd.f32 v5, v3  }
0x442: {  	[tilespmem:s29+$0x61B0] =	vst v8;
	v4 =	vadd.f32 v6, v4  }
0x443: {  	[tilespmem:s29+$0x61C0] =	vst v3;
	v3 =	vadd.f32 v9, v7  }
0x444: {  	[tilespmem:s29+$0x61D0] =	vst v4  }
0x445: {  	[tilespmem:s29+$0x61E0] =	vst v3;
	s29 =	simm.s32 $0x0  }
0x446: {  	v3 =	vld [tilespmem:s29+$0x6270]  }
0x447: {  	v4 =	vld [tilespmem:s29+$0xE270]  }
0x448: {  	v5 =	vld [tilespmem:s29+$0x6200]  }
0x449: {  	v6 =	vld [tilespmem:s29+$0xE200]  }
0x44a: {  	v7 =	vld [tilespmem:s29+$0x6210]  }
0x44b: {  	v8 =	vld [tilespmem:s29+$0xE210]  }
0x44c: {  	v9 =	vld [tilespmem:s29+$0x6220]  }
0x44d: {  	v10 =	vld [tilespmem:s29+$0xE220]  }
0x44e: {  	v11 =	vld [tilespmem:s29+$0x6230]  }
0x44f: {  	v12 =	vld [tilespmem:s29+$0xE230];
	v4 =	vadd.f32 v4, v3  }
0x450: {  	v6 =	vadd.f32 v6, v5;
	v3 =	vld [tilespmem:s29+$0x6240]  }
0x451: {  	v7 =	vadd.f32 v8, v7;
	v5 =	vld [tilespmem:s29+$0xE240];
	[tilespmem:s29+$0x6270] =	vst v4  }
0x452: {  	v8 =	vadd.f32 v10, v9;
	[tilespmem:s29+$0x6200] =	vst v6;
	v4 =	vld [tilespmem:s29+$0x6250]  }
0x453: {  	[tilespmem:s29+$0x6210] =	vst v7;
	v6 =	vld [tilespmem:s29+$0xE250]  }
0x454: {  	s1 =	simm.s32 $0x0;
	s12 =	simm.s32 $0x1000;
	s0 =	simm.s32 $0x0;
	[tilespmem:s29+$0x6220] =	vst v8;
	v8 =	vadd.f32 v12, v11;
	v7 =	vld [tilespmem:s29+$0x6260]  }
.LBB2_54:
0x455: {  	s30 =	sshra.s32 s12, $0x2;
	v9 =	vld [tilespmem:s0+$0xE260]  }
0x456: {  	s1 =	sadd.s32 $0x8, s1;
	v10 =	vld [tilespmem:s30+$0x6270];
	[tilespmem:s0+$0x6230] =	vst v8;
	v3 =	vadd.f32 v5, v3  }
0x457: {  	p0 =	slt.u32 s1, $0x38;
	v5 =	vld [tilespmem:s30+$0xE270]  }
0x458: {  	v8 =	vld [tilespmem:s30+$0x6200];
	[tilespmem:s0+$0x6240] =	vst v3;
	v3 =	vadd.f32 v6, v4  }
0x459: {  	v4 =	vld [tilespmem:s30+$0xE200]  }
0x45a: {  	v6 =	vld [tilespmem:s30+$0x6210];
	[tilespmem:s0+$0x6250] =	vst v3;
	v3 =	vadd.f32 v9, v7  }
0x45b: {  	v7 =	vld [tilespmem:s30+$0xE210]  }
0x45c: {  	v9 =	vld [tilespmem:s30+$0x6220];
	v5 =	vadd.f32 v5, v10;
	[tilespmem:s0+$0x6260] =	vst v3;
	s0 =	smov.u32 s30  }
0x45d: {  	v10 =	vld [tilespmem:s0+$0xE220]  }
0x45e: {  	v3 =	vadd.f32 v4, v8;
	v8 =	vld [tilespmem:s0+$0x6230];
	[tilespmem:s0+$0x6270] =	vst v5  }
0x45f: {  	v11 =	vld [tilespmem:s0+$0xE230]  }
.Ltmp26:
0x460: {  	[tilespmem:s0+$0x6200] =	vst v3;
	v4 =	vadd.f32 v7, v6;
	v3 =	vld [tilespmem:s0+$0x6240];
	(pc) =	sbr.rel @p0 .LBB2_54-.Ltmp26, $4  }
0x461: {  	v5 =	vld [tilespmem:s0+$0xE240]  }
0x462: {  	[tilespmem:s0+$0x6210] =	vst v4;
	v7 =	vadd.f32 v10, v9;
	v4 =	vld [tilespmem:s0+$0x6250]  }
0x463: {  	v6 =	vld [tilespmem:s0+$0xE250]  }
0x464: {  	s12 =	sadd.s32 $0x1000, s12;
	[tilespmem:s0+$0x6220] =	vst v7;
	v8 =	vadd.f32 v11, v8;
	v7 =	vld [tilespmem:s0+$0x6260]  }
0x465: {  	v9 =	vld [tilespmem:s0+$0xE260];
	_ =	sdelay $0x2  }
0x466: {  	v3 =	vadd.f32 v5, v3  }
0x467: {  	[tilespmem:s0+$0x6230] =	vst v8;
	v4 =	vadd.f32 v6, v4  }
0x468: {  	[tilespmem:s0+$0x6240] =	vst v3;
	v3 =	vadd.f32 v9, v7  }
0x469: {  	[tilespmem:s0+$0x6250] =	vst v4  }
0x46a: {  	[tilespmem:s0+$0x6260] =	vst v3  }
0x46b: {  	v3 =	vld [tilespmem:s29+$0x62F0]  }
0x46c: {  	v4 =	vld [tilespmem:s29+$0xE2F0]  }
0x46d: {  	v5 =	vld [tilespmem:s29+$0x6280]  }
0x46e: {  	v6 =	vld [tilespmem:s29+$0xE280]  }
0x46f: {  	v7 =	vld [tilespmem:s29+$0x6290]  }
0x470: {  	v8 =	vld [tilespmem:s29+$0xE290]  }
0x471: {  	v9 =	vld [tilespmem:s29+$0x62A0]  }
0x472: {  	v10 =	vld [tilespmem:s29+$0xE2A0]  }
0x473: {  	v11 =	vld [tilespmem:s29+$0x62B0]  }
0x474: {  	v12 =	vld [tilespmem:s29+$0xE2B0];
	v4 =	vadd.f32 v4, v3  }
0x475: {  	v6 =	vadd.f32 v6, v5;
	v3 =	vld [tilespmem:s29+$0x62C0]  }
0x476: {  	v7 =	vadd.f32 v8, v7;
	v5 =	vld [tilespmem:s29+$0xE2C0];
	[tilespmem:s29+$0x62F0] =	vst v4  }
0x477: {  	v8 =	vadd.f32 v10, v9;
	[tilespmem:s29+$0x6280] =	vst v6;
	v4 =	vld [tilespmem:s29+$0x62D0]  }
0x478: {  	[tilespmem:s29+$0x6290] =	vst v7;
	v6 =	vld [tilespmem:s29+$0xE2D0]  }
0x479: {  	s1 =	simm.s32 $0x1000;
	s0 =	simm.s32 $0x0;
	[tilespmem:s29+$0x62A0] =	vst v8;
	v8 =	vadd.f32 v12, v11;
	v7 =	vld [tilespmem:s29+$0x62E0]  }
.LBB2_56:
0x47a: {  	s12 =	sshra.s32 s1, $0x2;
	v9 =	vld [tilespmem:s29+$0xE2E0]  }
0x47b: {  	s0 =	sadd.s32 $0x8, s0;
	v10 =	vld [tilespmem:s12+$0x62F0];
	[tilespmem:s29+$0x62B0] =	vst v8;
	v3 =	vadd.f32 v5, v3  }
0x47c: {  	p0 =	slt.u32 s0, $0x38;
	v5 =	vld [tilespmem:s12+$0xE2F0]  }
0x47d: {  	v8 =	vld [tilespmem:s12+$0x6280];
	[tilespmem:s29+$0x62C0] =	vst v3;
	v3 =	vadd.f32 v6, v4  }
0x47e: {  	v4 =	vld [tilespmem:s12+$0xE280]  }
0x47f: {  	v6 =	vld [tilespmem:s12+$0x6290];
	[tilespmem:s29+$0x62D0] =	vst v3;
	v3 =	vadd.f32 v9, v7  }
0x480: {  	v7 =	vld [tilespmem:s12+$0xE290]  }
0x481: {  	v9 =	vld [tilespmem:s12+$0x62A0];
	v5 =	vadd.f32 v5, v10;
	[tilespmem:s29+$0x62E0] =	vst v3;
	s29 =	smov.u32 s12  }
0x482: {  	v10 =	vld [tilespmem:s29+$0xE2A0]  }
0x483: {  	v3 =	vadd.f32 v4, v8;
	v8 =	vld [tilespmem:s29+$0x62B0];
	[tilespmem:s29+$0x62F0] =	vst v5  }
0x484: {  	v11 =	vld [tilespmem:s29+$0xE2B0]  }
.Ltmp27:
0x485: {  	[tilespmem:s29+$0x6280] =	vst v3;
	v4 =	vadd.f32 v7, v6;
	v3 =	vld [tilespmem:s29+$0x62C0];
	(pc) =	sbr.rel @p0 .LBB2_56-.Ltmp27, $4  }
0x486: {  	v5 =	vld [tilespmem:s29+$0xE2C0]  }
0x487: {  	[tilespmem:s29+$0x6290] =	vst v4;
	v7 =	vadd.f32 v10, v9;
	v4 =	vld [tilespmem:s29+$0x62D0]  }
0x488: {  	v6 =	vld [tilespmem:s29+$0xE2D0]  }
0x489: {  	s1 =	sadd.s32 $0x1000, s1;
	[tilespmem:s29+$0x62A0] =	vst v7;
	v8 =	vadd.f32 v11, v8;
	v7 =	vld [tilespmem:s29+$0x62E0]  }
0x48a: {  	v9 =	vld [tilespmem:s29+$0xE2E0];
	_ =	sdelay $0x2  }
0x48b: {  	v3 =	vadd.f32 v5, v3  }
0x48c: {  	[tilespmem:s29+$0x62B0] =	vst v8;
	v4 =	vadd.f32 v6, v4  }
0x48d: {  	[tilespmem:s29+$0x62C0] =	vst v3;
	v3 =	vadd.f32 v9, v7  }
0x48e: {  	[tilespmem:s29+$0x62D0] =	vst v4  }
0x48f: {  	[tilespmem:s29+$0x62E0] =	vst v3;
	s29 =	simm.s32 $0x0  }
0x490: {  	v3 =	vld [tilespmem:s29+$0x6370]  }
0x491: {  	v4 =	vld [tilespmem:s29+$0xE370]  }
0x492: {  	v5 =	vld [tilespmem:s29+$0x6300]  }
0x493: {  	v6 =	vld [tilespmem:s29+$0xE300]  }
0x494: {  	v7 =	vld [tilespmem:s29+$0x6310]  }
0x495: {  	v8 =	vld [tilespmem:s29+$0xE310]  }
0x496: {  	v9 =	vld [tilespmem:s29+$0x6320]  }
0x497: {  	v10 =	vld [tilespmem:s29+$0xE320]  }
0x498: {  	v11 =	vld [tilespmem:s29+$0x6330]  }
0x499: {  	v12 =	vld [tilespmem:s29+$0xE330];
	v4 =	vadd.f32 v4, v3  }
0x49a: {  	v6 =	vadd.f32 v6, v5;
	v3 =	vld [tilespmem:s29+$0x6340]  }
0x49b: {  	v7 =	vadd.f32 v8, v7;
	v5 =	vld [tilespmem:s29+$0xE340];
	[tilespmem:s29+$0x6370] =	vst v4  }
0x49c: {  	v8 =	vadd.f32 v10, v9;
	[tilespmem:s29+$0x6300] =	vst v6;
	v4 =	vld [tilespmem:s29+$0x6350]  }
0x49d: {  	[tilespmem:s29+$0x6310] =	vst v7;
	v6 =	vld [tilespmem:s29+$0xE350]  }
0x49e: {  	s1 =	simm.s32 $0x0;
	s12 =	simm.s32 $0x1000;
	s0 =	simm.s32 $0x0;
	[tilespmem:s29+$0x6320] =	vst v8;
	v8 =	vadd.f32 v12, v11;
	v7 =	vld [tilespmem:s29+$0x6360]  }
.LBB2_58:
0x49f: {  	s30 =	sshra.s32 s12, $0x2;
	v9 =	vld [tilespmem:s0+$0xE360]  }
0x4a0: {  	s1 =	sadd.s32 $0x8, s1;
	v10 =	vld [tilespmem:s30+$0x6370];
	[tilespmem:s0+$0x6330] =	vst v8;
	v3 =	vadd.f32 v5, v3  }
0x4a1: {  	p0 =	slt.u32 s1, $0x38;
	v5 =	vld [tilespmem:s30+$0xE370]  }
0x4a2: {  	v8 =	vld [tilespmem:s30+$0x6300];
	[tilespmem:s0+$0x6340] =	vst v3;
	v3 =	vadd.f32 v6, v4  }
0x4a3: {  	v4 =	vld [tilespmem:s30+$0xE300]  }
0x4a4: {  	v6 =	vld [tilespmem:s30+$0x6310];
	[tilespmem:s0+$0x6350] =	vst v3;
	v3 =	vadd.f32 v9, v7  }
0x4a5: {  	v7 =	vld [tilespmem:s30+$0xE310]  }
0x4a6: {  	v9 =	vld [tilespmem:s30+$0x6320];
	v5 =	vadd.f32 v5, v10;
	[tilespmem:s0+$0x6360] =	vst v3;
	s0 =	smov.u32 s30  }
0x4a7: {  	v10 =	vld [tilespmem:s0+$0xE320]  }
0x4a8: {  	v3 =	vadd.f32 v4, v8;
	v8 =	vld [tilespmem:s0+$0x6330];
	[tilespmem:s0+$0x6370] =	vst v5  }
0x4a9: {  	v11 =	vld [tilespmem:s0+$0xE330]  }
.Ltmp28:
0x4aa: {  	[tilespmem:s0+$0x6300] =	vst v3;
	v4 =	vadd.f32 v7, v6;
	v3 =	vld [tilespmem:s0+$0x6340];
	(pc) =	sbr.rel @p0 .LBB2_58-.Ltmp28, $4  }
0x4ab: {  	v5 =	vld [tilespmem:s0+$0xE340]  }
0x4ac: {  	[tilespmem:s0+$0x6310] =	vst v4;
	v7 =	vadd.f32 v10, v9;
	v4 =	vld [tilespmem:s0+$0x6350]  }
0x4ad: {  	v6 =	vld [tilespmem:s0+$0xE350]  }
0x4ae: {  	s12 =	sadd.s32 $0x1000, s12;
	[tilespmem:s0+$0x6320] =	vst v7;
	v8 =	vadd.f32 v11, v8;
	v7 =	vld [tilespmem:s0+$0x6360]  }
0x4af: {  	v9 =	vld [tilespmem:s0+$0xE360];
	_ =	sdelay $0x2  }
0x4b0: {  	v3 =	vadd.f32 v5, v3  }
0x4b1: {  	[tilespmem:s0+$0x6330] =	vst v8;
	v4 =	vadd.f32 v6, v4  }
0x4b2: {  	[tilespmem:s0+$0x6340] =	vst v3;
	v3 =	vadd.f32 v9, v7  }
0x4b3: {  	[tilespmem:s0+$0x6350] =	vst v4  }
0x4b4: {  	[tilespmem:s0+$0x6360] =	vst v3  }
0x4b5: {  	v3 =	vld [tilespmem:s29+$0x63F0]  }
0x4b6: {  	v4 =	vld [tilespmem:s29+$0xE3F0]  }
0x4b7: {  	v5 =	vld [tilespmem:s29+$0x6380]  }
0x4b8: {  	v6 =	vld [tilespmem:s29+$0xE380]  }
0x4b9: {  	v7 =	vld [tilespmem:s29+$0x6390]  }
0x4ba: {  	v8 =	vld [tilespmem:s29+$0xE390]  }
0x4bb: {  	v9 =	vld [tilespmem:s29+$0x63A0]  }
0x4bc: {  	v10 =	vld [tilespmem:s29+$0xE3A0]  }
0x4bd: {  	v11 =	vld [tilespmem:s29+$0x63B0]  }
0x4be: {  	v12 =	vld [tilespmem:s29+$0xE3B0];
	v4 =	vadd.f32 v4, v3  }
0x4bf: {  	v6 =	vadd.f32 v6, v5;
	v3 =	vld [tilespmem:s29+$0x63C0]  }
0x4c0: {  	v7 =	vadd.f32 v8, v7;
	v5 =	vld [tilespmem:s29+$0xE3C0];
	[tilespmem:s29+$0x63F0] =	vst v4  }
0x4c1: {  	v8 =	vadd.f32 v10, v9;
	[tilespmem:s29+$0x6380] =	vst v6;
	v4 =	vld [tilespmem:s29+$0x63D0]  }
0x4c2: {  	[tilespmem:s29+$0x6390] =	vst v7;
	v6 =	vld [tilespmem:s29+$0xE3D0]  }
0x4c3: {  	s1 =	simm.s32 $0x1000;
	s0 =	simm.s32 $0x0;
	[tilespmem:s29+$0x63A0] =	vst v8;
	v8 =	vadd.f32 v12, v11;
	v7 =	vld [tilespmem:s29+$0x63E0]  }
.LBB2_60:
0x4c4: {  	s12 =	sshra.s32 s1, $0x2;
	v9 =	vld [tilespmem:s29+$0xE3E0]  }
0x4c5: {  	s0 =	sadd.s32 $0x8, s0;
	v10 =	vld [tilespmem:s12+$0x63F0];
	[tilespmem:s29+$0x63B0] =	vst v8;
	v3 =	vadd.f32 v5, v3  }
0x4c6: {  	p0 =	slt.u32 s0, $0x38;
	v5 =	vld [tilespmem:s12+$0xE3F0]  }
0x4c7: {  	v8 =	vld [tilespmem:s12+$0x6380];
	[tilespmem:s29+$0x63C0] =	vst v3;
	v3 =	vadd.f32 v6, v4  }
0x4c8: {  	v4 =	vld [tilespmem:s12+$0xE380]  }
0x4c9: {  	v6 =	vld [tilespmem:s12+$0x6390];
	[tilespmem:s29+$0x63D0] =	vst v3;
	v3 =	vadd.f32 v9, v7  }
0x4ca: {  	v7 =	vld [tilespmem:s12+$0xE390]  }
0x4cb: {  	v9 =	vld [tilespmem:s12+$0x63A0];
	v5 =	vadd.f32 v5, v10;
	[tilespmem:s29+$0x63E0] =	vst v3;
	s29 =	smov.u32 s12  }
0x4cc: {  	v10 =	vld [tilespmem:s29+$0xE3A0]  }
0x4cd: {  	v3 =	vadd.f32 v4, v8;
	v8 =	vld [tilespmem:s29+$0x63B0];
	[tilespmem:s29+$0x63F0] =	vst v5  }
0x4ce: {  	v11 =	vld [tilespmem:s29+$0xE3B0]  }
.Ltmp29:
0x4cf: {  	[tilespmem:s29+$0x6380] =	vst v3;
	v4 =	vadd.f32 v7, v6;
	v3 =	vld [tilespmem:s29+$0x63C0];
	(pc) =	sbr.rel @p0 .LBB2_60-.Ltmp29, $4  }
0x4d0: {  	v5 =	vld [tilespmem:s29+$0xE3C0]  }
0x4d1: {  	[tilespmem:s29+$0x6390] =	vst v4;
	v7 =	vadd.f32 v10, v9;
	v4 =	vld [tilespmem:s29+$0x63D0]  }
0x4d2: {  	v6 =	vld [tilespmem:s29+$0xE3D0]  }
0x4d3: {  	s1 =	sadd.s32 $0x1000, s1;
	[tilespmem:s29+$0x63A0] =	vst v7;
	v8 =	vadd.f32 v11, v8;
	v7 =	vld [tilespmem:s29+$0x63E0]  }
0x4d4: {  	v9 =	vld [tilespmem:s29+$0xE3E0];
	_ =	sdelay $0x2  }
0x4d5: {  	v3 =	vadd.f32 v5, v3  }
0x4d6: {  	[tilespmem:s29+$0x63B0] =	vst v8;
	v4 =	vadd.f32 v6, v4  }
0x4d7: {  	[tilespmem:s29+$0x63C0] =	vst v3;
	v3 =	vadd.f32 v9, v7  }
0x4d8: {  	[tilespmem:s29+$0x63D0] =	vst v4  }
0x4d9: {  	[tilespmem:s29+$0x63E0] =	vst v3;
	s29 =	simm.s32 $0x0  }
0x4da: {  	v3 =	vld [tilespmem:s29+$0x6470]  }
0x4db: {  	v4 =	vld [tilespmem:s29+$0xE470]  }
0x4dc: {  	v5 =	vld [tilespmem:s29+$0x6400]  }
0x4dd: {  	v6 =	vld [tilespmem:s29+$0xE400]  }
0x4de: {  	v7 =	vld [tilespmem:s29+$0x6410]  }
0x4df: {  	v8 =	vld [tilespmem:s29+$0xE410]  }
0x4e0: {  	v9 =	vld [tilespmem:s29+$0x6420]  }
0x4e1: {  	v10 =	vld [tilespmem:s29+$0xE420]  }
0x4e2: {  	v11 =	vld [tilespmem:s29+$0x6430]  }
0x4e3: {  	v12 =	vld [tilespmem:s29+$0xE430];
	v4 =	vadd.f32 v4, v3  }
0x4e4: {  	v6 =	vadd.f32 v6, v5;
	v3 =	vld [tilespmem:s29+$0x6440]  }
0x4e5: {  	v7 =	vadd.f32 v8, v7;
	v5 =	vld [tilespmem:s29+$0xE440];
	[tilespmem:s29+$0x6470] =	vst v4  }
0x4e6: {  	v8 =	vadd.f32 v10, v9;
	[tilespmem:s29+$0x6400] =	vst v6;
	v4 =	vld [tilespmem:s29+$0x6450]  }
0x4e7: {  	[tilespmem:s29+$0x6410] =	vst v7;
	v6 =	vld [tilespmem:s29+$0xE450]  }
0x4e8: {  	s1 =	simm.s32 $0x0;
	s12 =	simm.s32 $0x1000;
	s0 =	simm.s32 $0x0;
	[tilespmem:s29+$0x6420] =	vst v8;
	v8 =	vadd.f32 v12, v11;
	v7 =	vld [tilespmem:s29+$0x6460]  }
.LBB2_62:
0x4e9: {  	s30 =	sshra.s32 s12, $0x2;
	v9 =	vld [tilespmem:s0+$0xE460]  }
0x4ea: {  	s1 =	sadd.s32 $0x8, s1;
	v10 =	vld [tilespmem:s30+$0x6470];
	[tilespmem:s0+$0x6430] =	vst v8;
	v3 =	vadd.f32 v5, v3  }
0x4eb: {  	p0 =	slt.u32 s1, $0x38;
	v5 =	vld [tilespmem:s30+$0xE470]  }
0x4ec: {  	v8 =	vld [tilespmem:s30+$0x6400];
	[tilespmem:s0+$0x6440] =	vst v3;
	v3 =	vadd.f32 v6, v4  }
0x4ed: {  	v4 =	vld [tilespmem:s30+$0xE400]  }
0x4ee: {  	v6 =	vld [tilespmem:s30+$0x6410];
	[tilespmem:s0+$0x6450] =	vst v3;
	v3 =	vadd.f32 v9, v7  }
0x4ef: {  	v7 =	vld [tilespmem:s30+$0xE410]  }
0x4f0: {  	v9 =	vld [tilespmem:s30+$0x6420];
	v5 =	vadd.f32 v5, v10;
	[tilespmem:s0+$0x6460] =	vst v3;
	s0 =	smov.u32 s30  }
0x4f1: {  	v10 =	vld [tilespmem:s0+$0xE420]  }
0x4f2: {  	v3 =	vadd.f32 v4, v8;
	v8 =	vld [tilespmem:s0+$0x6430];
	[tilespmem:s0+$0x6470] =	vst v5  }
0x4f3: {  	v11 =	vld [tilespmem:s0+$0xE430]  }
.Ltmp30:
0x4f4: {  	[tilespmem:s0+$0x6400] =	vst v3;
	v4 =	vadd.f32 v7, v6;
	v3 =	vld [tilespmem:s0+$0x6440];
	(pc) =	sbr.rel @p0 .LBB2_62-.Ltmp30, $4  }
0x4f5: {  	v5 =	vld [tilespmem:s0+$0xE440]  }
0x4f6: {  	[tilespmem:s0+$0x6410] =	vst v4;
	v7 =	vadd.f32 v10, v9;
	v4 =	vld [tilespmem:s0+$0x6450]  }
0x4f7: {  	v6 =	vld [tilespmem:s0+$0xE450]  }
0x4f8: {  	s12 =	sadd.s32 $0x1000, s12;
	[tilespmem:s0+$0x6420] =	vst v7;
	v8 =	vadd.f32 v11, v8;
	v7 =	vld [tilespmem:s0+$0x6460]  }
0x4f9: {  	v9 =	vld [tilespmem:s0+$0xE460];
	_ =	sdelay $0x2  }
0x4fa: {  	v3 =	vadd.f32 v5, v3  }
0x4fb: {  	[tilespmem:s0+$0x6430] =	vst v8;
	v4 =	vadd.f32 v6, v4  }
0x4fc: {  	[tilespmem:s0+$0x6440] =	vst v3;
	v3 =	vadd.f32 v9, v7  }
0x4fd: {  	[tilespmem:s0+$0x6450] =	vst v4  }
0x4fe: {  	[tilespmem:s0+$0x6460] =	vst v3  }
0x4ff: {  	v3 =	vld [tilespmem:s29+$0x64F0]  }
0x500: {  	v4 =	vld [tilespmem:s29+$0xE4F0]  }
0x501: {  	v5 =	vld [tilespmem:s29+$0x6480]  }
0x502: {  	v6 =	vld [tilespmem:s29+$0xE480]  }
0x503: {  	v7 =	vld [tilespmem:s29+$0x6490]  }
0x504: {  	v8 =	vld [tilespmem:s29+$0xE490]  }
0x505: {  	v9 =	vld [tilespmem:s29+$0x64A0]  }
0x506: {  	v10 =	vld [tilespmem:s29+$0xE4A0]  }
0x507: {  	v11 =	vld [tilespmem:s29+$0x64B0]  }
0x508: {  	v12 =	vld [tilespmem:s29+$0xE4B0];
	v4 =	vadd.f32 v4, v3  }
0x509: {  	v6 =	vadd.f32 v6, v5;
	v3 =	vld [tilespmem:s29+$0x64C0]  }
0x50a: {  	v7 =	vadd.f32 v8, v7;
	v5 =	vld [tilespmem:s29+$0xE4C0];
	[tilespmem:s29+$0x64F0] =	vst v4  }
0x50b: {  	v8 =	vadd.f32 v10, v9;
	[tilespmem:s29+$0x6480] =	vst v6;
	v4 =	vld [tilespmem:s29+$0x64D0]  }
0x50c: {  	[tilespmem:s29+$0x6490] =	vst v7;
	v6 =	vld [tilespmem:s29+$0xE4D0]  }
0x50d: {  	s1 =	simm.s32 $0x1000;
	s0 =	simm.s32 $0x0;
	[tilespmem:s29+$0x64A0] =	vst v8;
	v8 =	vadd.f32 v12, v11;
	v7 =	vld [tilespmem:s29+$0x64E0]  }
.LBB2_64:
0x50e: {  	s12 =	sshra.s32 s1, $0x2;
	v9 =	vld [tilespmem:s29+$0xE4E0]  }
0x50f: {  	s0 =	sadd.s32 $0x8, s0;
	v10 =	vld [tilespmem:s12+$0x64F0];
	[tilespmem:s29+$0x64B0] =	vst v8;
	v3 =	vadd.f32 v5, v3  }
0x510: {  	p0 =	slt.u32 s0, $0x38;
	v5 =	vld [tilespmem:s12+$0xE4F0]  }
0x511: {  	v8 =	vld [tilespmem:s12+$0x6480];
	[tilespmem:s29+$0x64C0] =	vst v3;
	v3 =	vadd.f32 v6, v4  }
0x512: {  	v4 =	vld [tilespmem:s12+$0xE480]  }
0x513: {  	v6 =	vld [tilespmem:s12+$0x6490];
	[tilespmem:s29+$0x64D0] =	vst v3;
	v3 =	vadd.f32 v9, v7  }
0x514: {  	v7 =	vld [tilespmem:s12+$0xE490]  }
0x515: {  	v9 =	vld [tilespmem:s12+$0x64A0];
	v5 =	vadd.f32 v5, v10;
	[tilespmem:s29+$0x64E0] =	vst v3;
	s29 =	smov.u32 s12  }
0x516: {  	v10 =	vld [tilespmem:s29+$0xE4A0]  }
0x517: {  	v3 =	vadd.f32 v4, v8;
	v8 =	vld [tilespmem:s29+$0x64B0];
	[tilespmem:s29+$0x64F0] =	vst v5  }
0x518: {  	v11 =	vld [tilespmem:s29+$0xE4B0]  }
.Ltmp31:
0x519: {  	[tilespmem:s29+$0x6480] =	vst v3;
	v4 =	vadd.f32 v7, v6;
	v3 =	vld [tilespmem:s29+$0x64C0];
	(pc) =	sbr.rel @p0 .LBB2_64-.Ltmp31, $4  }
0x51a: {  	v5 =	vld [tilespmem:s29+$0xE4C0]  }
0x51b: {  	[tilespmem:s29+$0x6490] =	vst v4;
	v7 =	vadd.f32 v10, v9;
	v4 =	vld [tilespmem:s29+$0x64D0]  }
0x51c: {  	v6 =	vld [tilespmem:s29+$0xE4D0]  }
0x51d: {  	s1 =	sadd.s32 $0x1000, s1;
	[tilespmem:s29+$0x64A0] =	vst v7;
	v8 =	vadd.f32 v11, v8;
	v7 =	vld [tilespmem:s29+$0x64E0]  }
0x51e: {  	v9 =	vld [tilespmem:s29+$0xE4E0];
	_ =	sdelay $0x2  }
0x51f: {  	v3 =	vadd.f32 v5, v3  }
0x520: {  	[tilespmem:s29+$0x64B0] =	vst v8;
	v4 =	vadd.f32 v6, v4  }
0x521: {  	s28 =	sadd.s32 $0x1, s28;
	[tilespmem:s29+$0x64C0] =	vst v3;
	v3 =	vadd.f32 v9, v7  }
0x522: {  	p0 =	sne.s32 s28, s10;
	[tilespmem:s29+$0x64D0] =	vst v4  }
.Ltmp32:
0x523: {  	[tilespmem:s29+$0x64E0] =	vst v3;
	(pc) =	sbr.rel @p0 .LBB2_1-.Ltmp32, $4  }
0x524: {  	[hbm4b:s9+s2] =	stream.linear.scatter [tilespmem:s13], [sflag:$0x3], $0x8000, $0x38;
	[tilespmem:$0x10100] =	vst v63  }
0x525: {  	_ =	swait.ge [sflag:s11], $0x8000  }
0x526: {  	[sflag:s11] =	ssyncset.done $0x0  }
0x527: {  	[sflag:s11] =	ssyncadd.s32 $0xFFFF8000  }
0x528: {  	_ =	sfence.sel $0x180000  }
0x529: {  	[bflag:$0x0] =	sbarrier.arrive $0xFFFF  }
0x52a: {  	_ =	strace $0x90000047  }
0x52b: {  	s0 =	stileid.u32;
	[bflag:$0x2] =	sbarrier.arrive $0xFFFF  }
0x52c: {  	p0 =	sne.s32 s0, $0x0;
	s0 =	rddreg [dreg:$0x2]  }
0x52d: {  	s0 =	sadd.s32 @!p0 $0x100000, s0  }
0x52e: {  	[sflag:s0] =	ssyncadd.tile.s32 @!p0 $0x1;
	_ =	shalt  }
.Lfunc_end2:
_tile_overlayer_lowered:
.L_overlay_start_2:
0x52f: {  	(tag) =	ssettag $0x2  }
0x530: {  	s0 =	rddreg [dreg:$0x0];
	s2 =	stileid.u32  }
0x531: {  	s1 =	rddreg [dreg:$0x1];
	p0 =	sne.s32 s2, $0x0  }
0x532: {  	s3 =	rddreg [dreg:$0x2];
	[bflag:$0x3] =	sbarrier.arrive $0xFFFF;
	s2 =	simm.s32 @!p0 $0x1C03  }
0x533: {  	[timem:s3], [sflag:s2] =	dma.local @!p0 [hbm:s0], s1  }
0x534: {  	s0 =	simm.s32 @!p0 $0x3  }
0x535: {  	_ =	swait.ge @!p0 [sflag:s0], s1  }
0x536: {  	s1 =	ssub.s32 @!p0 $0x0, s1;
	[sflag:s0] =	ssyncset.done @!p0 $0x0  }
0x537: {  	[sflag:s0] =	ssyncadd.s32 @!p0 s1  }
0x538: {  	[bflag:$0x3] =	sbarrier.arrive $0xFFFF  }
0x539: {  	_ =	shalt  }

</sc_bundles>
